<compile_context>
chip_gen: v7x
topology: tpu7x:2x2x1
jax: 0.10.2.dev20260603
libtpu: 0.0.44.dev20260713+nightly
codegen_flags: <defaults>
</compile_context>

<pallas_src>
import functools

import jax
import jax.numpy as jnp
from jax import lax
from jax.experimental import pallas as pl
from jax.experimental.pallas import tpu as pltpu
from jax.experimental.pallas import tpu_sc as plsc

NC = 2
NS = 16
NW = NC * NS
L = 16

CH = 128
K = 80
NBUF = 8
NGRP = K // NBUF
EW = K * CH
E_PAD = NW * EW
NP = 10240
RPW = NP // NS
D = 16

_mesh = plsc.VectorSubcoreMesh(core_axis_name="c", subcore_axis_name="s")
_sc_params = pltpu.CompilerParams(
    needs_layout_passes=False, use_tc_tiling_on_sc=False
)


def _deg_body(dst_hbm, out_hbm, dst_v, hist_v):
    c = lax.axis_index("c")
    s = lax.axis_index("s")
    wid = c * NS + s
    pltpu.sync_copy(dst_hbm.at[wid], dst_v)

    zero16 = jnp.zeros((L,), jnp.float32)
    ones16 = jnp.ones((L,), jnp.float32)

    def zero_step(i, carry):
        hist_v[pl.ds(i * L, L)] = zero16
        return carry

    lax.fori_loop(0, NP // L, zero_step, 0)

    def count_step(i, carry):
        idx = dst_v[pl.ds(i * L, L)]
        plsc.addupdate_scatter(hist_v, [idx], ones16)
        return carry

    lax.fori_loop(0, EW // L, count_step, 0)
    pltpu.sync_copy(hist_v, out_hbm.at[wid])


_deg_kernel = functools.partial(
    pl.kernel,
    out_type=jax.ShapeDtypeStruct((NW, NP), jnp.float32),
    mesh=_mesh,
    scratch_types=[
        pltpu.VMEM((EW,), jnp.int32),
        pltpu.VMEM((NP,), jnp.float32),
    ],
    compiler_params=_sc_params,
)(_deg_body)


def _agg_body(y_hbm, src_hbm, dst_hbm, out_hbm, src_v, dst_v, buf_v, stage_v,
              y_s, acc_s, gsem, ssem):
    c = lax.axis_index("c")
    s = lax.axis_index("s")
    wid = c * NS + s

    pltpu.sync_copy(y_hbm.at[pl.ds(s * RPW, RPW)], y_s.at[pl.ds(s * RPW, RPW)])

    zero16 = jnp.zeros((L,), jnp.float32)

    def zero_step(i, carry):
        stage_v[i, :] = zero16
        return carry

    lax.fori_loop(0, RPW, zero_step, 0)
    pltpu.sync_copy(stage_v, acc_s.at[pl.ds(s * RPW, RPW)])

    pltpu.sync_copy(src_hbm.at[wid], src_v)
    pltpu.sync_copy(dst_hbm.at[wid], dst_v)
    plsc.subcore_barrier()

    def gather(j, b):
        return pltpu.async_copy(y_s.at[src_v.at[j]], buf_v.at[b],
                                gsem.at[b])

    def gather_wait(j, b):
        pltpu.make_async_copy(y_s.at[src_v.at[j]], buf_v.at[b],
                              gsem.at[b]).wait()

    def scatter(j, b):
        return pltpu.async_copy(buf_v.at[b], acc_s.at[dst_v.at[j]],
                                ssem.at[b], add=True)

    def scatter_wait(j, b):
        pltpu.make_async_copy(buf_v.at[b], acc_s.at[dst_v.at[j]],
                              ssem.at[b]).wait()

    for b in range(NBUF):
        gather(b, b)

    def grp_step(g, carry):
        base = g * NBUF
        for b in range(NBUF):
            gather_wait(base + b, b)
            scatter(base + b, b)
        for b in range(NBUF):
            scatter_wait(base + b, b)

            @pl.when(g < NGRP - 1)
            def _():
                gather(base + NBUF + b, b)

        return carry

    lax.fori_loop(0, NGRP, grp_step, 0)
    plsc.subcore_barrier()

    pltpu.sync_copy(acc_s.at[pl.ds(s * RPW, RPW)], stage_v)
    pltpu.sync_copy(stage_v, out_hbm.at[c, pl.ds(s * RPW, RPW)])


_agg_kernel = functools.partial(
    pl.kernel,
    out_type=jax.ShapeDtypeStruct((NC, NP, D), jnp.float32),
    mesh=_mesh,
    scratch_types=[
        pltpu.VMEM((K, CH), jnp.int32),
        pltpu.VMEM((K, CH), jnp.int32),
        pltpu.VMEM((NBUF, CH, D), jnp.float32),
        pltpu.VMEM((RPW, D), jnp.float32),
        pltpu.VMEM_SHARED((NP, D), jnp.float32),
        pltpu.VMEM_SHARED((NP, D), jnp.float32),
        pltpu.SemaphoreType.DMA((NBUF,)),
        pltpu.SemaphoreType.DMA((NBUF,)),
    ],
    compiler_params=_sc_params,
)(_agg_body)


_BLK = 1000


def _dinv_blk(d_ref):
    return lax.rsqrt(jnp.sum(d_ref[...], axis=1) + 1.0)


def _y1_body(x_ref, w_ref, d_ref, y_ref, dv_ref):
    dinv = _dinv_blk(d_ref)[:, None]
    y_ref[...] = jnp.dot(
        x_ref[...], w_ref[...], preferred_element_type=jnp.float32
    ) * dinv
    dv_ref[...] = jnp.broadcast_to(dinv, dv_ref.shape)


def _mid_body(a0_ref, a1_ref, y_ref, dv_ref, b1_ref, y2_ref):
    dinv = dv_ref[...]
    out1 = dinv * (a0_ref[0] + a1_ref[0] + y_ref[...])
    h = jnp.maximum(out1 + b1_ref[...], 0.0)
    y2_ref[...] = dinv * h


def _out_body(a0_ref, a1_ref, y2_ref, dv_ref, w2_ref, b2_ref, o_ref):
    agg = dv_ref[...] * (a0_ref[0] + a1_ref[0] + y2_ref[...])
    o_ref[...] = jnp.dot(
        agg, w2_ref[...], preferred_element_type=jnp.float32
    ) + b2_ref[...]


def kernel(x, edge_index, W1, b1, W2, b2):
    n, d_in = x.shape
    e = edge_index.shape[1]
    d_hid = W1.shape[1]
    d_out = W2.shape[1]

    src = edge_index[0].astype(jnp.int32)
    dst = edge_index[1].astype(jnp.int32)
    pad = n + jnp.arange(E_PAD - e, dtype=jnp.int32) % (NP - n)
    srcp = jnp.concatenate([src, pad]).reshape(NW, K, CH)
    dstp = jnp.concatenate([dst, pad]).reshape(NW, K, CH)

    degp = _deg_kernel(dstp.reshape(NW, EW)).T

    grid = (n // _BLK,)
    deg_spec = pl.BlockSpec((_BLK, NW), lambda i: (i, 0))
    hid_spec = pl.BlockSpec((_BLK, d_hid), lambda i: (i, 0))
    acc0_spec = pl.BlockSpec((1, _BLK, d_hid), lambda i: (0, i, 0))
    acc1_spec = pl.BlockSpec((1, _BLK, d_hid), lambda i: (1, i, 0))

    y1, dinvb = pl.pallas_call(
        _y1_body,
        grid=grid,
        in_specs=[
            pl.BlockSpec((_BLK, d_in), lambda i: (i, 0)),
            pl.BlockSpec((d_in, d_hid), lambda i: (0, 0)),
            deg_spec,
        ],
        out_specs=[hid_spec, hid_spec],
        out_shape=[
            jax.ShapeDtypeStruct((NP, d_hid), jnp.float32),
            jax.ShapeDtypeStruct((NP, d_hid), jnp.float32),
        ],
    )(x, W1, degp)

    acc1 = _agg_kernel(y1, srcp, dstp)

    y2 = pl.pallas_call(
        _mid_body,
        grid=grid,
        in_specs=[
            acc0_spec,
            acc1_spec,
            hid_spec,
            hid_spec,
            pl.BlockSpec((1, d_hid), lambda i: (0, 0)),
        ],
        out_specs=hid_spec,
        out_shape=jax.ShapeDtypeStruct((NP, d_hid), jnp.float32),
    )(acc1, acc1, y1, dinvb, b1.reshape(1, d_hid))

    acc2 = _agg_kernel(y2, srcp, dstp)

    out = pl.pallas_call(
        _out_body,
        grid=grid,
        in_specs=[
            acc0_spec,
            acc1_spec,
            hid_spec,
            hid_spec,
            pl.BlockSpec((d_hid, d_out), lambda i: (0, 0)),
            pl.BlockSpec((1, d_out), lambda i: (0, 0)),
        ],
        out_specs=pl.BlockSpec((_BLK, d_out), lambda i: (i, 0)),
        out_shape=jax.ShapeDtypeStruct((n, d_out), jnp.float32),
    )(acc2, acc2, y2, dinvb, W2, b2.reshape(1, d_out))

    return out

# --- scband reference (transcript-rebuilt; emitter-appended) ---
"""Pipeline reference for scband-gcn-29867202576799 (READ-ONLY COPY).

The authoritative reference and input builder live on the scoring server;
editing this copy changes nothing except your own understanding.
"""

import jax, jax.numpy as jnp
import numpy as np

N = 10000
E = 320000
D_IN = 128
D_HID = 16
D_OUT = 2


def setup_inputs(seed: int = 0) -> dict:
    key = jax.random.key(seed)
    k_x, k_ei, k_w1, k_b1, k_w2, k_b2 = jax.random.split(key, 6)
    x = jax.random.normal(k_x, (N, D_IN), dtype=jnp.float32)
    edge_index = jax.random.randint(k_ei, (2, E), 0, N, dtype=jnp.int64)
    # Glorot-style init for GCNConv weights
    W1 = jax.random.normal(k_w1, (D_IN, D_HID), dtype=jnp.float32) * (1.0 / np.sqrt(D_IN))
    b1 = jnp.zeros((D_HID,), dtype=jnp.float32)
    W2 = jax.random.normal(k_w2, (D_HID, D_OUT), dtype=jnp.float32) * (1.0 / np.sqrt(D_HID))
    b2 = jnp.zeros((D_OUT,), dtype=jnp.float32)
    return {"x": x, "edge_index": edge_index, "W1": W1, "b1": b1, "W2": W2, "b2": b2}


def _gcn_conv(x, edge_index, W, b, num_nodes):
    # GCNConv: out = D^{-1/2} (A + I) D^{-1/2} X W + b
    src = edge_index[0]
    dst = edge_index[1]
    loop = jnp.arange(num_nodes, dtype=src.dtype)
    src = jnp.concatenate([src, loop])
    dst = jnp.concatenate([dst, loop])
    xw = x @ W
    ones = jnp.ones((src.shape[0],), dtype=x.dtype)
    deg = jnp.zeros((num_nodes,), dtype=x.dtype).at[dst].add(ones)
    dinv = jnp.where(deg > 0, jax.lax.rsqrt(deg), 0.0)
    norm = dinv[src] * dinv[dst]
    msgs = jnp.take(xw, src, axis=0) * norm[:, None]
    out = jnp.zeros((num_nodes, xw.shape[1]), dtype=x.dtype).at[dst].add(msgs)
    return out + b


def reference(x, edge_index, W1, b1, W2, b2):
    # GCN.forward (eval mode: dropout is identity)
    h = _gcn_conv(x, edge_index, W1, b1, N)
    h = jax.nn.relu(h)
    out = _gcn_conv(h, edge_index, W2, b2, N)
    return out

if __name__ == "__main__":
    import jax
    _d = setup_inputs()
    print(jax.jit(kernel)(*tuple(_d.values())))

</pallas_src>

<mosaic_0001>
#map = affine_map<(d0, d1) -> (0, 0)>
#map1 = affine_map<(d0, d1) -> (0, 0, 0)>
module attributes {stable_mosaic.version = 14 : i64} {
  func.func @_agg_body(%arg0: i32, %arg1: i32, %arg2: memref<10240x16xf32, #tpu.memory_space<hbm>>, %arg3: memref<32x80x128xi32, #tpu.memory_space<hbm>>, %arg4: memref<32x80x128xi32, #tpu.memory_space<hbm>>, %arg5: memref<2x10240x16xf32, #tpu.memory_space<hbm>>, %arg6: memref<80x128xi32, #tpu.memory_space<vmem>>, %arg7: memref<80x128xi32, #tpu.memory_space<vmem>>, %arg8: memref<8x128x16xf32, #tpu.memory_space<vmem>>, %arg9: memref<640x16xf32, #tpu.memory_space<vmem>>, %arg10: memref<10240x16xf32, #tpu.memory_space<vmem_shared>>, %arg11: memref<10240x16xf32, #tpu.memory_space<vmem_shared>>, %arg12: memref<8x!tpu.dma_semaphore, #tpu.memory_space<semaphore_mem>>, %arg13: memref<8x!tpu.dma_semaphore, #tpu.memory_space<semaphore_mem>>) attributes {dimension_semantics = [#tpu.dimension_semantics<core_parallel>, #tpu.dimension_semantics<subcore_parallel>], iteration_bounds = array<i64: 2, 16>, scalar_prefetch = 0 : i64, scratch_operands = 8 : i64, tpu.core_type = #tpu.core_type<sc_vector_subcore>, window_params = [{transform_indices = #map}, {transform_indices = #map1}, {transform_indices = #map1}, {transform_indices = #map1}]} {
    %mul3A = arith.constant 16 : i32
    %mul3A_0 = arith.muli %arg0, %mul3A : i32
    %add3A = arith.addi %mul3A_0, %arg1 : i32
    %mul3A_1 = arith.constant 640 : i32
    %mul3A_2 = arith.muli %arg1, %mul3A_1 : i32
    %mul3A_3 = arith.constant 640 : i32
    %mul3A_4 = arith.muli %arg1, %mul3A_3 : i32
    "tpu.region"() ({
      %run_scoped3A = tpu.sem_alloc : memref<!tpu.dma_semaphore, #tpu.memory_space<semaphore_mem>>
      %dma_start3A_143 = arith.constant 0 : i32
      %dma_start3A_144 = tpu.memref_slice %arg10[%mul3A_4, %dma_start3A_143] : memref<10240x16xf32, #tpu.memory_space<vmem_shared>> -> memref<640x16xf32, #tpu.memory_space<vmem_shared>>
      %dma_start3A_145 = arith.constant 0 : i32
      %dma_start3A_146 = tpu.memref_slice %arg2[%mul3A_2, %dma_start3A_145] : memref<10240x16xf32, #tpu.memory_space<hbm>> -> memref<640x16xf32, #tpu.memory_space<hbm>>
      tpu.enqueue_dma source(%dma_start3A_146 : memref<640x16xf32, #tpu.memory_space<hbm>>) target(%dma_start3A_144 : memref<640x16xf32, #tpu.memory_space<vmem_shared>>) target_semaphore(%run_scoped3A : memref<!tpu.dma_semaphore, #tpu.memory_space<semaphore_mem>>)
      %dma_wait3A = arith.constant 0 : i32
      %dma_wait3A_147 = tpu.memref_slice %arg10[%mul3A_4, %dma_wait3A] : memref<10240x16xf32, #tpu.memory_space<vmem_shared>> -> memref<640x16xf32, #tpu.memory_space<vmem_shared>>
      %dma_wait3A_148 = arith.constant 0 : i32
      %dma_wait3A_149 = tpu.memref_slice %arg2[%mul3A_2, %dma_wait3A_148] : memref<10240x16xf32, #tpu.memory_space<hbm>> -> memref<640x16xf32, #tpu.memory_space<hbm>>
      tpu.wait_dma2 semaphore(%run_scoped3A : memref<!tpu.dma_semaphore, #tpu.memory_space<semaphore_mem>>) src(%dma_wait3A_149 : memref<640x16xf32, #tpu.memory_space<hbm>>) dst(%dma_wait3A_147 : memref<640x16xf32, #tpu.memory_space<vmem_shared>>)
      tpu.yield
    }) : () -> ()
    %broadcast_in_dim3A = arith.constant 0.000000e+00 : f32
    %broadcast_in_dim3A_5 = vector.broadcast %broadcast_in_dim3A : f32 to vector<16xf32>
    %scan3A = arith.constant 0 : i32
    %scan3A_6 = arith.constant 0 : i32
    %scan3A_7 = arith.constant 640 : i32
    %scan3A_8 = arith.addi %scan3A_6, %scan3A_7 : i32
    %scan3A_9 = arith.constant 1 : i32
    scf.for %scan3A_143 = %scan3A_6 to %scan3A_8 step %scan3A_9  : i32 {
      %swap3A = arith.index_cast %scan3A_143 : i32 to index
      %swap3A_144 = arith.constant 0 : index
      %swap3A_145 = tpu.vector_load %arg9[%swap3A, %swap3A_144] {strides = array<i32>} : memref<640x16xf32, #tpu.memory_space<vmem>>, vector<16xf32>,
      tpu.vector_store %arg9[%swap3A, %swap3A_144], %broadcast_in_dim3A_5 {strides = array<i32>} : memref<640x16xf32, #tpu.memory_space<vmem>>, vector<16xf32>,
    }
    %scan3A_10 = arith.constant 640 : i32
    %mul3A_11 = arith.constant 640 : i32
    %mul3A_12 = arith.muli %arg1, %mul3A_11 : i32
    "tpu.region"() ({
      %run_scoped3A = tpu.sem_alloc : memref<!tpu.dma_semaphore, #tpu.memory_space<semaphore_mem>>
      %dma_start3A_143 = arith.constant 0 : i32
      %dma_start3A_144 = tpu.memref_slice %arg11[%mul3A_12, %dma_start3A_143] : memref<10240x16xf32, #tpu.memory_space<vmem_shared>> -> memref<640x16xf32, #tpu.memory_space<vmem_shared>>
      %dma_start3A_145 = arith.constant 0 : i32
      %dma_start3A_146 = tpu.memref_slice %arg11[%mul3A_12, %dma_start3A_145] : memref<10240x16xf32, #tpu.memory_space<vmem_shared>> -> memref<640x16xf32, #tpu.memory_space<vmem_shared>>
      tpu.enqueue_dma source(%arg9 : memref<640x16xf32, #tpu.memory_space<vmem>>) target(%dma_start3A_146 : memref<640x16xf32, #tpu.memory_space<vmem_shared>>) target_semaphore(%run_scoped3A : memref<!tpu.dma_semaphore, #tpu.memory_space<semaphore_mem>>)
      %dma_wait3A = arith.constant 0 : i32
      %dma_wait3A_147 = tpu.memref_slice %arg11[%mul3A_12, %dma_wait3A] : memref<10240x16xf32, #tpu.memory_space<vmem_shared>> -> memref<640x16xf32, #tpu.memory_space<vmem_shared>>
      %dma_wait3A_148 = arith.constant 0 : i32
      %dma_wait3A_149 = tpu.memref_slice %arg11[%mul3A_12, %dma_wait3A_148] : memref<10240x16xf32, #tpu.memory_space<vmem_shared>> -> memref<640x16xf32, #tpu.memory_space<vmem_shared>>
      tpu.wait_dma2 semaphore(%run_scoped3A : memref<!tpu.dma_semaphore, #tpu.memory_space<semaphore_mem>>) src(%arg9 : memref<640x16xf32, #tpu.memory_space<vmem>>) dst(%dma_wait3A_149 : memref<640x16xf32, #tpu.memory_space<vmem_shared>>)
      tpu.yield
    }) : () -> ()
    "tpu.region"() ({
      %run_scoped3A = tpu.sem_alloc : memref<!tpu.dma_semaphore, #tpu.memory_space<semaphore_mem>>
      %dma_start3A_143 = arith.constant 0 : i32
      %dma_start3A_144 = arith.constant 0 : i32
      %dma_start3A_145 = tpu.memref_slice %arg3[%add3A, %dma_start3A_143, %dma_start3A_144] : memref<32x80x128xi32, #tpu.memory_space<hbm>> -> memref<1x80x128xi32, #tpu.memory_space<hbm>>
      %dma_start3A_146 = tpu.memref_squeeze %dma_start3A_145 : memref<1x80x128xi32, #tpu.memory_space<hbm>> -> memref<80x128xi32, #tpu.memory_space<hbm>>
      %dma_start3A_147 = arith.constant 0 : i32
      %dma_start3A_148 = arith.constant 0 : i32
      %dma_start3A_149 = tpu.memref_slice %arg3[%add3A, %dma_start3A_147, %dma_start3A_148] : memref<32x80x128xi32, #tpu.memory_space<hbm>> -> memref<1x80x128xi32, #tpu.memory_space<hbm>>
      %dma_start3A_150 = tpu.memref_squeeze %dma_start3A_149 : memref<1x80x128xi32, #tpu.memory_space<hbm>> -> memref<80x128xi32, #tpu.memory_space<hbm>>
      tpu.enqueue_dma source(%dma_start3A_150 : memref<80x128xi32, #tpu.memory_space<hbm>>) target(%arg6 : memref<80x128xi32, #tpu.memory_space<vmem>>) target_semaphore(%run_scoped3A : memref<!tpu.dma_semaphore, #tpu.memory_space<semaphore_mem>>)
      %dma_wait3A = arith.constant 0 : i32
      %dma_wait3A_151 = arith.constant 0 : i32
      %dma_wait3A_152 = tpu.memref_slice %arg3[%add3A, %dma_wait3A, %dma_wait3A_151] : memref<32x80x128xi32, #tpu.memory_space<hbm>> -> memref<1x80x128xi32, #tpu.memory_space<hbm>>
      %dma_wait3A_153 = tpu.memref_squeeze %dma_wait3A_152 : memref<1x80x128xi32, #tpu.memory_space<hbm>> -> memref<80x128xi32, #tpu.memory_space<hbm>>
      %dma_wait3A_154 = arith.constant 0 : i32
      %dma_wait3A_155 = arith.constant 0 : i32
      %dma_wait3A_156 = tpu.memref_slice %arg3[%add3A, %dma_wait3A_154, %dma_wait3A_155] : memref<32x80x128xi32, #tpu.memory_space<hbm>> -> memref<1x80x128xi32, #tpu.memory_space<hbm>>
      %dma_wait3A_157 = tpu.memref_squeeze %dma_wait3A_156 : memref<1x80x128xi32, #tpu.memory_space<hbm>> -> memref<80x128xi32, #tpu.memory_space<hbm>>
      tpu.wait_dma2 semaphore(%run_scoped3A : memref<!tpu.dma_semaphore, #tpu.memory_space<semaphore_mem>>) src(%dma_wait3A_157 : memref<80x128xi32, #tpu.memory_space<hbm>>) dst(%arg6 : memref<80x128xi32, #tpu.memory_space<vmem>>)
      tpu.yield
    }) : () -> ()
    "tpu.region"() ({
      %run_scoped3A = tpu.sem_alloc : memref<!tpu.dma_semaphore, #tpu.memory_space<semaphore_mem>>
      %dma_start3A_143 = arith.constant 0 : i32
      %dma_start3A_144 = arith.constant 0 : i32
      %dma_start3A_145 = tpu.memref_slice %arg4[%add3A, %dma_start3A_143, %dma_start3A_144] : memref<32x80x128xi32, #tpu.memory_space<hbm>> -> memref<1x80x128xi32, #tpu.memory_space<hbm>>
      %dma_start3A_146 = tpu.memref_squeeze %dma_start3A_145 : memref<1x80x128xi32, #tpu.memory_space<hbm>> -> memref<80x128xi32, #tpu.memory_space<hbm>>
      %dma_start3A_147 = arith.constant 0 : i32
      %dma_start3A_148 = arith.constant 0 : i32
      %dma_start3A_149 = tpu.memref_slice %arg4[%add3A, %dma_start3A_147, %dma_start3A_148] : memref<32x80x128xi32, #tpu.memory_space<hbm>> -> memref<1x80x128xi32, #tpu.memory_space<hbm>>
      %dma_start3A_150 = tpu.memref_squeeze %dma_start3A_149 : memref<1x80x128xi32, #tpu.memory_space<hbm>> -> memref<80x128xi32, #tpu.memory_space<hbm>>
      tpu.enqueue_dma source(%dma_start3A_150 : memref<80x128xi32, #tpu.memory_space<hbm>>) target(%arg7 : memref<80x128xi32, #tpu.memory_space<vmem>>) target_semaphore(%run_scoped3A : memref<!tpu.dma_semaphore, #tpu.memory_space<semaphore_mem>>)
      %dma_wait3A = arith.constant 0 : i32
      %dma_wait3A_151 = arith.constant 0 : i32
      %dma_wait3A_152 = tpu.memref_slice %arg4[%add3A, %dma_wait3A, %dma_wait3A_151] : memref<32x80x128xi32, #tpu.memory_space<hbm>> -> memref<1x80x128xi32, #tpu.memory_space<hbm>>
      %dma_wait3A_153 = tpu.memref_squeeze %dma_wait3A_152 : memref<1x80x128xi32, #tpu.memory_space<hbm>> -> memref<80x128xi32, #tpu.memory_space<hbm>>
      %dma_wait3A_154 = arith.constant 0 : i32
      %dma_wait3A_155 = arith.constant 0 : i32
      %dma_wait3A_156 = tpu.memref_slice %arg4[%add3A, %dma_wait3A_154, %dma_wait3A_155] : memref<32x80x128xi32, #tpu.memory_space<hbm>> -> memref<1x80x128xi32, #tpu.memory_space<hbm>>
      %dma_wait3A_157 = tpu.memref_squeeze %dma_wait3A_156 : memref<1x80x128xi32, #tpu.memory_space<hbm>> -> memref<80x128xi32, #tpu.memory_space<hbm>>
      tpu.wait_dma2 semaphore(%run_scoped3A : memref<!tpu.dma_semaphore, #tpu.memory_space<semaphore_mem>>) src(%dma_wait3A_157 : memref<80x128xi32, #tpu.memory_space<hbm>>) dst(%arg7 : memref<80x128xi32, #tpu.memory_space<vmem>>)
      tpu.yield
    }) : () -> ()
    %barrier3A = arith.constant 0 : index
    tpu.barrier barrier_id(%barrier3A)
    %dma_start3A = arith.constant 0 : i32
    %dma_start3A_13 = arith.constant 0 : i32
    %dma_start3A_14 = arith.constant 0 : i32
    %dma_start3A_15 = arith.constant 0 : i32
    %dma_start3A_16 = arith.constant 0 : i32
    %dma_start3A_17 = tpu.memref_slice %arg8[%dma_start3A_13, %dma_start3A_15, %dma_start3A_16] : memref<8x128x16xf32, #tpu.memory_space<vmem>> -> memref<1x128x16xf32, #tpu.memory_space<vmem>>
    %dma_start3A_18 = tpu.memref_squeeze %dma_start3A_17 : memref<1x128x16xf32, #tpu.memory_space<vmem>> -> memref<128x16xf32, #tpu.memory_space<vmem>>
    %dma_start3A_19 = arith.constant 0 : i32
    %dma_start3A_20 = tpu.memref_slice %arg6[%dma_start3A, %dma_start3A_19] : memref<80x128xi32, #tpu.memory_space<vmem>> -> memref<1x128xi32, #tpu.memory_space<vmem>>
    %dma_start3A_21 = tpu.memref_squeeze %dma_start3A_20 : memref<1x128xi32, #tpu.memory_space<vmem>> -> memref<128xi32, #tpu.memory_space<vmem>>
    %dma_start3A_22 = arith.constant 0 : i32
    %dma_start3A_23 = arith.constant 0 : i32
    %dma_start3A_24 = tpu.memref_slice %arg10[%dma_start3A_22, %dma_start3A_23] : memref<10240x16xf32, #tpu.memory_space<vmem_shared>> -> memref<10240x16xf32, #tpu.memory_space<vmem_shared>>
    %dma_start3A_25 = tpu.memref_slice %arg12[%dma_start3A_14] : memref<8x!tpu.dma_semaphore, #tpu.memory_space<semaphore_mem>> -> memref<1x!tpu.dma_semaphore, #tpu.memory_space<semaphore_mem>>
    %dma_start3A_26 = tpu.memref_squeeze %dma_start3A_25 : memref<1x!tpu.dma_semaphore, #tpu.memory_space<semaphore_mem>> -> memref<!tpu.dma_semaphore, #tpu.memory_space<semaphore_mem>>
    tpu.enqueue_indirect_dma source(%dma_start3A_24 : memref<10240x16xf32, #tpu.memory_space<vmem_shared>>) target(%dma_start3A_18 : memref<128x16xf32, #tpu.memory_space<vmem>>) offsets(%dma_start3A_21 : memref<128xi32, #tpu.memory_space<vmem>>) semaphore(%dma_start3A_26 : memref<!tpu.dma_semaphore, #tpu.memory_space<semaphore_mem>>)
    %dma_start3A_27 = arith.constant 1 : i32
    %dma_start3A_28 = arith.constant 1 : i32
    %dma_start3A_29 = arith.constant 1 : i32
    %dma_start3A_30 = arith.constant 0 : i32
    %dma_start3A_31 = arith.constant 0 : i32
    %dma_start3A_32 = tpu.memref_slice %arg8[%dma_start3A_28, %dma_start3A_30, %dma_start3A_31] : memref<8x128x16xf32, #tpu.memory_space<vmem>> -> memref<1x128x16xf32, #tpu.memory_space<vmem>>
    %dma_start3A_33 = tpu.memref_squeeze %dma_start3A_32 : memref<1x128x16xf32, #tpu.memory_space<vmem>> -> memref<128x16xf32, #tpu.memory_space<vmem>>
    %dma_start3A_34 = arith.constant 0 : i32
    %dma_start3A_35 = tpu.memref_slice %arg6[%dma_start3A_27, %dma_start3A_34] : memref<80x128xi32, #tpu.memory_space<vmem>> -> memref<1x128xi32, #tpu.memory_space<vmem>>
    %dma_start3A_36 = tpu.memref_squeeze %dma_start3A_35 : memref<1x128xi32, #tpu.memory_space<vmem>> -> memref<128xi32, #tpu.memory_space<vmem>>
    %dma_start3A_37 = arith.constant 0 : i32
    %dma_start3A_38 = arith.constant 0 : i32
    %dma_start3A_39 = tpu.memref_slice %arg10[%dma_start3A_37, %dma_start3A_38] : memref<10240x16xf32, #tpu.memory_space<vmem_shared>> -> memref<10240x16xf32, #tpu.memory_space<vmem_shared>>
    %dma_start3A_40 = tpu.memref_slice %arg12[%dma_start3A_29] : memref<8x!tpu.dma_semaphore, #tpu.memory_space<semaphore_mem>> -> memref<1x!tpu.dma_semaphore, #tpu.memory_space<semaphore_mem>>
    %dma_start3A_41 = tpu.memref_squeeze %dma_start3A_40 : memref<1x!tpu.dma_semaphore, #tpu.memory_space<semaphore_mem>> -> memref<!tpu.dma_semaphore, #tpu.memory_space<semaphore_mem>>
    tpu.enqueue_indirect_dma source(%dma_start3A_39 : memref<10240x16xf32, #tpu.memory_space<vmem_shared>>) target(%dma_start3A_33 : memref<128x16xf32, #tpu.memory_space<vmem>>) offsets(%dma_start3A_36 : memref<128xi32, #tpu.memory_space<vmem>>) semaphore(%dma_start3A_41 : memref<!tpu.dma_semaphore, #tpu.memory_space<semaphore_mem>>)
    %dma_start3A_42 = arith.constant 2 : i32
    %dma_start3A_43 = arith.constant 2 : i32
    %dma_start3A_44 = arith.constant 2 : i32
    %dma_start3A_45 = arith.constant 0 : i32
    %dma_start3A_46 = arith.constant 0 : i32
    %dma_start3A_47 = tpu.memref_slice %arg8[%dma_start3A_43, %dma_start3A_45, %dma_start3A_46] : memref<8x128x16xf32, #tpu.memory_space<vmem>> -> memref<1x128x16xf32, #tpu.memory_space<vmem>>
    %dma_start3A_48 = tpu.memref_squeeze %dma_start3A_47 : memref<1x128x16xf32, #tpu.memory_space<vmem>> -> memref<128x16xf32, #tpu.memory_space<vmem>>
    %dma_start3A_49 = arith.constant 0 : i32
    %dma_start3A_50 = tpu.memref_slice %arg6[%dma_start3A_42, %dma_start3A_49] : memref<80x128xi32, #tpu.memory_space<vmem>> -> memref<1x128xi32, #tpu.memory_space<vmem>>
    %dma_start3A_51 = tpu.memref_squeeze %dma_start3A_50 : memref<1x128xi32, #tpu.memory_space<vmem>> -> memref<128xi32, #tpu.memory_space<vmem>>
    %dma_start3A_52 = arith.constant 0 : i32
    %dma_start3A_53 = arith.constant 0 : i32
    %dma_start3A_54 = tpu.memref_slice %arg10[%dma_start3A_52, %dma_start3A_53] : memref<10240x16xf32, #tpu.memory_space<vmem_shared>> -> memref<10240x16xf32, #tpu.memory_space<vmem_shared>>
    %dma_start3A_55 = tpu.memref_slice %arg12[%dma_start3A_44] : memref<8x!tpu.dma_semaphore, #tpu.memory_space<semaphore_mem>> -> memref<1x!tpu.dma_semaphore, #tpu.memory_space<semaphore_mem>>
    %dma_start3A_56 = tpu.memref_squeeze %dma_start3A_55 : memref<1x!tpu.dma_semaphore, #tpu.memory_space<semaphore_mem>> -> memref<!tpu.dma_semaphore, #tpu.memory_space<semaphore_mem>>
    tpu.enqueue_indirect_dma source(%dma_start3A_54 : memref<10240x16xf32, #tpu.memory_space<vmem_shared>>) target(%dma_start3A_48 : memref<128x16xf32, #tpu.memory_space<vmem>>) offsets(%dma_start3A_51 : memref<128xi32, #tpu.memory_space<vmem>>) semaphore(%dma_start3A_56 : memref<!tpu.dma_semaphore, #tpu.memory_space<semaphore_mem>>)
    %dma_start3A_57 = arith.constant 3 : i32
    %dma_start3A_58 = arith.constant 3 : i32
    %dma_start3A_59 = arith.constant 3 : i32
    %dma_start3A_60 = arith.constant 0 : i32
    %dma_start3A_61 = arith.constant 0 : i32
    %dma_start3A_62 = tpu.memref_slice %arg8[%dma_start3A_58, %dma_start3A_60, %dma_start3A_61] : memref<8x128x16xf32, #tpu.memory_space<vmem>> -> memref<1x128x16xf32, #tpu.memory_space<vmem>>
    %dma_start3A_63 = tpu.memref_squeeze %dma_start3A_62 : memref<1x128x16xf32, #tpu.memory_space<vmem>> -> memref<128x16xf32, #tpu.memory_space<vmem>>
    %dma_start3A_64 = arith.constant 0 : i32
    %dma_start3A_65 = tpu.memref_slice %arg6[%dma_start3A_57, %dma_start3A_64] : memref<80x128xi32, #tpu.memory_space<vmem>> -> memref<1x128xi32, #tpu.memory_space<vmem>>
    %dma_start3A_66 = tpu.memref_squeeze %dma_start3A_65 : memref<1x128xi32, #tpu.memory_space<vmem>> -> memref<128xi32, #tpu.memory_space<vmem>>
    %dma_start3A_67 = arith.constant 0 : i32
    %dma_start3A_68 = arith.constant 0 : i32
    %dma_start3A_69 = tpu.memref_slice %arg10[%dma_start3A_67, %dma_start3A_68] : memref<10240x16xf32, #tpu.memory_space<vmem_shared>> -> memref<10240x16xf32, #tpu.memory_space<vmem_shared>>
    %dma_start3A_70 = tpu.memref_slice %arg12[%dma_start3A_59] : memref<8x!tpu.dma_semaphore, #tpu.memory_space<semaphore_mem>> -> memref<1x!tpu.dma_semaphore, #tpu.memory_space<semaphore_mem>>
    %dma_start3A_71 = tpu.memref_squeeze %dma_start3A_70 : memref<1x!tpu.dma_semaphore, #tpu.memory_space<semaphore_mem>> -> memref<!tpu.dma_semaphore, #tpu.memory_space<semaphore_mem>>
    tpu.enqueue_indirect_dma source(%dma_start3A_69 : memref<10240x16xf32, #tpu.memory_space<vmem_shared>>) target(%dma_start3A_63 : memref<128x16xf32, #tpu.memory_space<vmem>>) offsets(%dma_start3A_66 : memref<128xi32, #tpu.memory_space<vmem>>) semaphore(%dma_start3A_71 : memref<!tpu.dma_semaphore, #tpu.memory_space<semaphore_mem>>)
    %dma_start3A_72 = arith.constant 4 : i32
    %dma_start3A_73 = arith.constant 4 : i32
    %dma_start3A_74 = arith.constant 4 : i32
    %dma_start3A_75 = arith.constant 0 : i32
    %dma_start3A_76 = arith.constant 0 : i32
    %dma_start3A_77 = tpu.memref_slice %arg8[%dma_start3A_73, %dma_start3A_75, %dma_start3A_76] : memref<8x128x16xf32, #tpu.memory_space<vmem>> -> memref<1x128x16xf32, #tpu.memory_space<vmem>>
    %dma_start3A_78 = tpu.memref_squeeze %dma_start3A_77 : memref<1x128x16xf32, #tpu.memory_space<vmem>> -> memref<128x16xf32, #tpu.memory_space<vmem>>
    %dma_start3A_79 = arith.constant 0 : i32
    %dma_start3A_80 = tpu.memref_slice %arg6[%dma_start3A_72, %dma_start3A_79] : memref<80x128xi32, #tpu.memory_space<vmem>> -> memref<1x128xi32, #tpu.memory_space<vmem>>
    %dma_start3A_81 = tpu.memref_squeeze %dma_start3A_80 : memref<1x128xi32, #tpu.memory_space<vmem>> -> memref<128xi32, #tpu.memory_space<vmem>>
    %dma_start3A_82 = arith.constant 0 : i32
    %dma_start3A_83 = arith.constant 0 : i32
    %dma_start3A_84 = tpu.memref_slice %arg10[%dma_start3A_82, %dma_start3A_83] : memref<10240x16xf32, #tpu.memory_space<vmem_shared>> -> memref<10240x16xf32, #tpu.memory_space<vmem_shared>>
    %dma_start3A_85 = tpu.memref_slice %arg12[%dma_start3A_74] : memref<8x!tpu.dma_semaphore, #tpu.memory_space<semaphore_mem>> -> memref<1x!tpu.dma_semaphore, #tpu.memory_space<semaphore_mem>>
    %dma_start3A_86 = tpu.memref_squeeze %dma_start3A_85 : memref<1x!tpu.dma_semaphore, #tpu.memory_space<semaphore_mem>> -> memref<!tpu.dma_semaphore, #tpu.memory_space<semaphore_mem>>
    tpu.enqueue_indirect_dma source(%dma_start3A_84 : memref<10240x16xf32, #tpu.memory_space<vmem_shared>>) target(%dma_start3A_78 : memref<128x16xf32, #tpu.memory_space<vmem>>) offsets(%dma_start3A_81 : memref<128xi32, #tpu.memory_space<vmem>>) semaphore(%dma_start3A_86 : memref<!tpu.dma_semaphore, #tpu.memory_space<semaphore_mem>>)
    %dma_start3A_87 = arith.constant 5 : i32
    %dma_start3A_88 = arith.constant 5 : i32
    %dma_start3A_89 = arith.constant 5 : i32
    %dma_start3A_90 = arith.constant 0 : i32
    %dma_start3A_91 = arith.constant 0 : i32
    %dma_start3A_92 = tpu.memref_slice %arg8[%dma_start3A_88, %dma_start3A_90, %dma_start3A_91] : memref<8x128x16xf32, #tpu.memory_space<vmem>> -> memref<1x128x16xf32, #tpu.memory_space<vmem>>
    %dma_start3A_93 = tpu.memref_squeeze %dma_start3A_92 : memref<1x128x16xf32, #tpu.memory_space<vmem>> -> memref<128x16xf32, #tpu.memory_space<vmem>>
    %dma_start3A_94 = arith.constant 0 : i32
    %dma_start3A_95 = tpu.memref_slice %arg6[%dma_start3A_87, %dma_start3A_94] : memref<80x128xi32, #tpu.memory_space<vmem>> -> memref<1x128xi32, #tpu.memory_space<vmem>>
    %dma_start3A_96 = tpu.memref_squeeze %dma_start3A_95 : memref<1x128xi32, #tpu.memory_space<vmem>> -> memref<128xi32, #tpu.memory_space<vmem>>
    %dma_start3A_97 = arith.constant 0 : i32
    %dma_start3A_98 = arith.constant 0 : i32
    %dma_start3A_99 = tpu.memref_slice %arg10[%dma_start3A_97, %dma_start3A_98] : memref<10240x16xf32, #tpu.memory_space<vmem_shared>> -> memref<10240x16xf32, #tpu.memory_space<vmem_shared>>
    %dma_start3A_100 = tpu.memref_slice %arg12[%dma_start3A_89] : memref<8x!tpu.dma_semaphore, #tpu.memory_space<semaphore_mem>> -> memref<1x!tpu.dma_semaphore, #tpu.memory_space<semaphore_mem>>
    %dma_start3A_101 = tpu.memref_squeeze %dma_start3A_100 : memref<1x!tpu.dma_semaphore, #tpu.memory_space<semaphore_mem>> -> memref<!tpu.dma_semaphore, #tpu.memory_space<semaphore_mem>>
    tpu.enqueue_indirect_dma source(%dma_start3A_99 : memref<10240x16xf32, #tpu.memory_space<vmem_shared>>) target(%dma_start3A_93 : memref<128x16xf32, #tpu.memory_space<vmem>>) offsets(%dma_start3A_96 : memref<128xi32, #tpu.memory_space<vmem>>) semaphore(%dma_start3A_101 : memref<!tpu.dma_semaphore, #tpu.memory_space<semaphore_mem>>)
    %dma_start3A_102 = arith.constant 6 : i32
    %dma_start3A_103 = arith.constant 6 : i32
    %dma_start3A_104 = arith.constant 6 : i32
    %dma_start3A_105 = arith.constant 0 : i32
    %dma_start3A_106 = arith.constant 0 : i32
    %dma_start3A_107 = tpu.memref_slice %arg8[%dma_start3A_103, %dma_start3A_105, %dma_start3A_106] : memref<8x128x16xf32, #tpu.memory_space<vmem>> -> memref<1x128x16xf32, #tpu.memory_space<vmem>>
    %dma_start3A_108 = tpu.memref_squeeze %dma_start3A_107 : memref<1x128x16xf32, #tpu.memory_space<vmem>> -> memref<128x16xf32, #tpu.memory_space<vmem>>
    %dma_start3A_109 = arith.constant 0 : i32
    %dma_start3A_110 = tpu.memref_slice %arg6[%dma_start3A_102, %dma_start3A_109] : memref<80x128xi32, #tpu.memory_space<vmem>> -> memref<1x128xi32, #tpu.memory_space<vmem>>
    %dma_start3A_111 = tpu.memref_squeeze %dma_start3A_110 : memref<1x128xi32, #tpu.memory_space<vmem>> -> memref<128xi32, #tpu.memory_space<vmem>>
    %dma_start3A_112 = arith.constant 0 : i32
    %dma_start3A_113 = arith.constant 0 : i32
    %dma_start3A_114 = tpu.memref_slice %arg10[%dma_start3A_112, %dma_start3A_113] : memref<10240x16xf32, #tpu.memory_space<vmem_shared>> -> memref<10240x16xf32, #tpu.memory_space<vmem_shared>>
    %dma_start3A_115 = tpu.memref_slice %arg12[%dma_start3A_104] : memref<8x!tpu.dma_semaphore, #tpu.memory_space<semaphore_mem>> -> memref<1x!tpu.dma_semaphore, #tpu.memory_space<semaphore_mem>>
    %dma_start3A_116 = tpu.memref_squeeze %dma_start3A_115 : memref<1x!tpu.dma_semaphore, #tpu.memory_space<semaphore_mem>> -> memref<!tpu.dma_semaphore, #tpu.memory_space<semaphore_mem>>
    tpu.enqueue_indirect_dma source(%dma_start3A_114 : memref<10240x16xf32, #tpu.memory_space<vmem_shared>>) target(%dma_start3A_108 : memref<128x16xf32, #tpu.memory_space<vmem>>) offsets(%dma_start3A_111 : memref<128xi32, #tpu.memory_space<vmem>>) semaphore(%dma_start3A_116 : memref<!tpu.dma_semaphore, #tpu.memory_space<semaphore_mem>>)
    %dma_start3A_117 = arith.constant 7 : i32
    %dma_start3A_118 = arith.constant 7 : i32
    %dma_start3A_119 = arith.constant 7 : i32
    %dma_start3A_120 = arith.constant 0 : i32
    %dma_start3A_121 = arith.constant 0 : i32
    %dma_start3A_122 = tpu.memref_slice %arg8[%dma_start3A_118, %dma_start3A_120, %dma_start3A_121] : memref<8x128x16xf32, #tpu.memory_space<vmem>> -> memref<1x128x16xf32, #tpu.memory_space<vmem>>
    %dma_start3A_123 = tpu.memref_squeeze %dma_start3A_122 : memref<1x128x16xf32, #tpu.memory_space<vmem>> -> memref<128x16xf32, #tpu.memory_space<vmem>>
    %dma_start3A_124 = arith.constant 0 : i32
    %dma_start3A_125 = tpu.memref_slice %arg6[%dma_start3A_117, %dma_start3A_124] : memref<80x128xi32, #tpu.memory_space<vmem>> -> memref<1x128xi32, #tpu.memory_space<vmem>>
    %dma_start3A_126 = tpu.memref_squeeze %dma_start3A_125 : memref<1x128xi32, #tpu.memory_space<vmem>> -> memref<128xi32, #tpu.memory_space<vmem>>
    %dma_start3A_127 = arith.constant 0 : i32
    %dma_start3A_128 = arith.constant 0 : i32
    %dma_start3A_129 = tpu.memref_slice %arg10[%dma_start3A_127, %dma_start3A_128] : memref<10240x16xf32, #tpu.memory_space<vmem_shared>> -> memref<10240x16xf32, #tpu.memory_space<vmem_shared>>
    %dma_start3A_130 = tpu.memref_slice %arg12[%dma_start3A_119] : memref<8x!tpu.dma_semaphore, #tpu.memory_space<semaphore_mem>> -> memref<1x!tpu.dma_semaphore, #tpu.memory_space<semaphore_mem>>
    %dma_start3A_131 = tpu.memref_squeeze %dma_start3A_130 : memref<1x!tpu.dma_semaphore, #tpu.memory_space<semaphore_mem>> -> memref<!tpu.dma_semaphore, #tpu.memory_space<semaphore_mem>>
    tpu.enqueue_indirect_dma source(%dma_start3A_129 : memref<10240x16xf32, #tpu.memory_space<vmem_shared>>) target(%dma_start3A_123 : memref<128x16xf32, #tpu.memory_space<vmem>>) offsets(%dma_start3A_126 : memref<128xi32, #tpu.memory_space<vmem>>) semaphore(%dma_start3A_131 : memref<!tpu.dma_semaphore, #tpu.memory_space<semaphore_mem>>)
    %scan3A_132 = arith.constant 0 : i32
    %scan3A_133 = arith.constant 0 : i32
    %scan3A_134 = arith.constant 10 : i32
    %scan3A_135 = arith.addi %scan3A_133, %scan3A_134 : i32
    %scan3A_136 = arith.constant 1 : i32
    scf.for %scan3A_143 = %scan3A_133 to %scan3A_135 step %scan3A_136  : i32 {
      %mul3A_144 = arith.constant 8 : i32
      %mul3A_145 = arith.muli %scan3A_143, %mul3A_144 : i32
      %add3A_146 = arith.constant 0 : i32
      %add3A_147 = arith.addi %mul3A_145, %add3A_146 : i32
      %dma_wait3A = arith.constant 0 : i32
      %dma_wait3A_148 = arith.constant 0 : i32
      %dma_wait3A_149 = arith.constant 0 : i32
      %dma_wait3A_150 = arith.constant 0 : i32
      %dma_wait3A_151 = tpu.memref_slice %arg8[%dma_wait3A, %dma_wait3A_149, %dma_wait3A_150] : memref<8x128x16xf32, #tpu.memory_space<vmem>> -> memref<1x128x16xf32, #tpu.memory_space<vmem>>
      %dma_wait3A_152 = tpu.memref_squeeze %dma_wait3A_151 : memref<1x128x16xf32, #tpu.memory_space<vmem>> -> memref<128x16xf32, #tpu.memory_space<vmem>>
      %dma_wait3A_153 = arith.constant 0 : i32
      %dma_wait3A_154 = tpu.memref_slice %arg6[%add3A_147, %dma_wait3A_153] : memref<80x128xi32, #tpu.memory_space<vmem>> -> memref<1x128xi32, #tpu.memory_space<vmem>>
      %dma_wait3A_155 = tpu.memref_squeeze %dma_wait3A_154 : memref<1x128xi32, #tpu.memory_space<vmem>> -> memref<128xi32, #tpu.memory_space<vmem>>
      %dma_wait3A_156 = arith.constant 0 : i32
      %dma_wait3A_157 = arith.constant 0 : i32
      %dma_wait3A_158 = tpu.memref_slice %arg10[%dma_wait3A_156, %dma_wait3A_157] : memref<10240x16xf32, #tpu.memory_space<vmem_shared>> -> memref<10240x16xf32, #tpu.memory_space<vmem_shared>>
      %dma_wait3A_159 = tpu.memref_slice %arg12[%dma_wait3A_148] : memref<8x!tpu.dma_semaphore, #tpu.memory_space<semaphore_mem>> -> memref<1x!tpu.dma_semaphore, #tpu.memory_space<semaphore_mem>>
      %dma_wait3A_160 = tpu.memref_squeeze %dma_wait3A_159 : memref<1x!tpu.dma_semaphore, #tpu.memory_space<semaphore_mem>> -> memref<!tpu.dma_semaphore, #tpu.memory_space<semaphore_mem>>
      tpu.wait_indirect_dma semaphore(%dma_wait3A_160 : memref<!tpu.dma_semaphore, #tpu.memory_space<semaphore_mem>>) src(%dma_wait3A_158 : memref<10240x16xf32, #tpu.memory_space<vmem_shared>>) dst(%dma_wait3A_152 : memref<128x16xf32, #tpu.memory_space<vmem>>)
      %add3A_161 = arith.constant 0 : i32
      %add3A_162 = arith.addi %mul3A_145, %add3A_161 : i32
      %dma_start3A_163 = arith.constant 0 : i32
      %dma_start3A_164 = arith.constant 0 : i32
      %dma_start3A_165 = arith.constant 0 : i32
      %dma_start3A_166 = arith.constant 0 : i32
      %dma_start3A_167 = tpu.memref_slice %arg8[%dma_start3A_163, %dma_start3A_165, %dma_start3A_166] : memref<8x128x16xf32, #tpu.memory_space<vmem>> -> memref<1x128x16xf32, #tpu.memory_space<vmem>>
      %dma_start3A_168 = tpu.memref_squeeze %dma_start3A_167 : memref<1x128x16xf32, #tpu.memory_space<vmem>> -> memref<128x16xf32, #tpu.memory_space<vmem>>
      %dma_start3A_169 = arith.constant 0 : i32
      %dma_start3A_170 = tpu.memref_slice %arg7[%add3A_162, %dma_start3A_169] : memref<80x128xi32, #tpu.memory_space<vmem>> -> memref<1x128xi32, #tpu.memory_space<vmem>>
      %dma_start3A_171 = tpu.memref_squeeze %dma_start3A_170 : memref<1x128xi32, #tpu.memory_space<vmem>> -> memref<128xi32, #tpu.memory_space<vmem>>
      %dma_start3A_172 = arith.constant 0 : i32
      %dma_start3A_173 = arith.constant 0 : i32
      %dma_start3A_174 = tpu.memref_slice %arg11[%dma_start3A_172, %dma_start3A_173] : memref<10240x16xf32, #tpu.memory_space<vmem_shared>> -> memref<10240x16xf32, #tpu.memory_space<vmem_shared>>
      %dma_start3A_175 = tpu.memref_slice %arg13[%dma_start3A_164] : memref<8x!tpu.dma_semaphore, #tpu.memory_space<semaphore_mem>> -> memref<1x!tpu.dma_semaphore, #tpu.memory_space<semaphore_mem>>
      %dma_start3A_176 = tpu.memref_squeeze %dma_start3A_175 : memref<1x!tpu.dma_semaphore, #tpu.memory_space<semaphore_mem>> -> memref<!tpu.dma_semaphore, #tpu.memory_space<semaphore_mem>>
      tpu.enqueue_indirect_dma source(%dma_start3A_168 : memref<128x16xf32, #tpu.memory_space<vmem>>) target(%dma_start3A_174 : memref<10240x16xf32, #tpu.memory_space<vmem_shared>>) offsets(%dma_start3A_171 : memref<128xi32, #tpu.memory_space<vmem>>) semaphore(%dma_start3A_176 : memref<!tpu.dma_semaphore, #tpu.memory_space<semaphore_mem>>) {add = true}
      %add3A_177 = arith.constant 1 : i32
      %add3A_178 = arith.addi %mul3A_145, %add3A_177 : i32
      %dma_wait3A_179 = arith.constant 1 : i32
      %dma_wait3A_180 = arith.constant 1 : i32
      %dma_wait3A_181 = arith.constant 0 : i32
      %dma_wait3A_182 = arith.constant 0 : i32
      %dma_wait3A_183 = tpu.memref_slice %arg8[%dma_wait3A_179, %dma_wait3A_181, %dma_wait3A_182] : memref<8x128x16xf32, #tpu.memory_space<vmem>> -> memref<1x128x16xf32, #tpu.memory_space<vmem>>
      %dma_wait3A_184 = tpu.memref_squeeze %dma_wait3A_183 : memref<1x128x16xf32, #tpu.memory_space<vmem>> -> memref<128x16xf32, #tpu.memory_space<vmem>>
      %dma_wait3A_185 = arith.constant 0 : i32
      %dma_wait3A_186 = tpu.memref_slice %arg6[%add3A_178, %dma_wait3A_185] : memref<80x128xi32, #tpu.memory_space<vmem>> -> memref<1x128xi32, #tpu.memory_space<vmem>>
      %dma_wait3A_187 = tpu.memref_squeeze %dma_wait3A_186 : memref<1x128xi32, #tpu.memory_space<vmem>> -> memref<128xi32, #tpu.memory_space<vmem>>
      %dma_wait3A_188 = arith.constant 0 : i32
      %dma_wait3A_189 = arith.constant 0 : i32
      %dma_wait3A_190 = tpu.memref_slice %arg10[%dma_wait3A_188, %dma_wait3A_189] : memref<10240x16xf32, #tpu.memory_space<vmem_shared>> -> memref<10240x16xf32, #tpu.memory_space<vmem_shared>>
      %dma_wait3A_191 = tpu.memref_slice %arg12[%dma_wait3A_180] : memref<8x!tpu.dma_semaphore, #tpu.memory_space<semaphore_mem>> -> memref<1x!tpu.dma_semaphore, #tpu.memory_space<semaphore_mem>>
      %dma_wait3A_192 = tpu.memref_squeeze %dma_wait3A_191 : memref<1x!tpu.dma_semaphore, #tpu.memory_space<semaphore_mem>> -> memref<!tpu.dma_semaphore, #tpu.memory_space<semaphore_mem>>
      tpu.wait_indirect_dma semaphore(%dma_wait3A_192 : memref<!tpu.dma_semaphore, #tpu.memory_space<semaphore_mem>>) src(%dma_wait3A_190 : memref<10240x16xf32, #tpu.memory_space<vmem_shared>>) dst(%dma_wait3A_184 : memref<128x16xf32, #tpu.memory_space<vmem>>)
      %add3A_193 = arith.constant 1 : i32
      %add3A_194 = arith.addi %mul3A_145, %add3A_193 : i32
      %dma_start3A_195 = arith.constant 1 : i32
      %dma_start3A_196 = arith.constant 1 : i32
      %dma_start3A_197 = arith.constant 0 : i32
      %dma_start3A_198 = arith.constant 0 : i32
      %dma_start3A_199 = tpu.memref_slice %arg8[%dma_start3A_195, %dma_start3A_197, %dma_start3A_198] : memref<8x128x16xf32, #tpu.memory_space<vmem>> -> memref<1x128x16xf32, #tpu.memory_space<vmem>>
      %dma_start3A_200 = tpu.memref_squeeze %dma_start3A_199 : memref<1x128x16xf32, #tpu.memory_space<vmem>> -> memref<128x16xf32, #tpu.memory_space<vmem>>
      %dma_start3A_201 = arith.constant 0 : i32
      %dma_start3A_202 = tpu.memref_slice %arg7[%add3A_194, %dma_start3A_201] : memref<80x128xi32, #tpu.memory_space<vmem>> -> memref<1x128xi32, #tpu.memory_space<vmem>>
      %dma_start3A_203 = tpu.memref_squeeze %dma_start3A_202 : memref<1x128xi32, #tpu.memory_space<vmem>> -> memref<128xi32, #tpu.memory_space<vmem>>
      %dma_start3A_204 = arith.constant 0 : i32
      %dma_start3A_205 = arith.constant 0 : i32
      %dma_start3A_206 = tpu.memref_slice %arg11[%dma_start3A_204, %dma_start3A_205] : memref<10240x16xf32, #tpu.memory_space<vmem_shared>> -> memref<10240x16xf32, #tpu.memory_space<vmem_shared>>
      %dma_start3A_207 = tpu.memref_slice %arg13[%dma_start3A_196] : memref<8x!tpu.dma_semaphore, #tpu.memory_space<semaphore_mem>> -> memref<1x!tpu.dma_semaphore, #tpu.memory_space<semaphore_mem>>
      %dma_start3A_208 = tpu.memref_squeeze %dma_start3A_207 : memref<1x!tpu.dma_semaphore, #tpu.memory_space<semaphore_mem>> -> memref<!tpu.dma_semaphore, #tpu.memory_space<semaphore_mem>>
      tpu.enqueue_indirect_dma source(%dma_start3A_200 : memref<128x16xf32, #tpu.memory_space<vmem>>) target(%dma_start3A_206 : memref<10240x16xf32, #tpu.memory_space<vmem_shared>>) offsets(%dma_start3A_203 : memref<128xi32, #tpu.memory_space<vmem>>) semaphore(%dma_start3A_208 : memref<!tpu.dma_semaphore, #tpu.memory_space<semaphore_mem>>) {add = true}
      %add3A_209 = arith.constant 2 : i32
      %add3A_210 = arith.addi %mul3A_145, %add3A_209 : i32
      %dma_wait3A_211 = arith.constant 2 : i32
      %dma_wait3A_212 = arith.constant 2 : i32
      %dma_wait3A_213 = arith.constant 0 : i32
      %dma_wait3A_214 = arith.constant 0 : i32
      %dma_wait3A_215 = tpu.memref_slice %arg8[%dma_wait3A_211, %dma_wait3A_213, %dma_wait3A_214] : memref<8x128x16xf32, #tpu.memory_space<vmem>> -> memref<1x128x16xf32, #tpu.memory_space<vmem>>
      %dma_wait3A_216 = tpu.memref_squeeze %dma_wait3A_215 : memref<1x128x16xf32, #tpu.memory_space<vmem>> -> memref<128x16xf32, #tpu.memory_space<vmem>>
      %dma_wait3A_217 = arith.constant 0 : i32
      %dma_wait3A_218 = tpu.memref_slice %arg6[%add3A_210, %dma_wait3A_217] : memref<80x128xi32, #tpu.memory_space<vmem>> -> memref<1x128xi32, #tpu.memory_space<vmem>>
      %dma_wait3A_219 = tpu.memref_squeeze %dma_wait3A_218 : memref<1x128xi32, #tpu.memory_space<vmem>> -> memref<128xi32, #tpu.memory_space<vmem>>
      %dma_wait3A_220 = arith.constant 0 : i32
      %dma_wait3A_221 = arith.constant 0 : i32
      %dma_wait3A_222 = tpu.memref_slice %arg10[%dma_wait3A_220, %dma_wait3A_221] : memref<10240x16xf32, #tpu.memory_space<vmem_shared>> -> memref<10240x16xf32, #tpu.memory_space<vmem_shared>>
      %dma_wait3A_223 = tpu.memref_slice %arg12[%dma_wait3A_212] : memref<8x!tpu.dma_semaphore, #tpu.memory_space<semaphore_mem>> -> memref<1x!tpu.dma_semaphore, #tpu.memory_space<semaphore_mem>>
      %dma_wait3A_224 = tpu.memref_squeeze %dma_wait3A_223 : memref<1x!tpu.dma_semaphore, #tpu.memory_space<semaphore_mem>> -> memref<!tpu.dma_semaphore, #tpu.memory_space<semaphore_mem>>
      tpu.wait_indirect_dma semaphore(%dma_wait3A_224 : memref<!tpu.dma_semaphore, #tpu.memory_space<semaphore_mem>>) src(%dma_wait3A_222 : memref<10240x16xf32, #tpu.memory_space<vmem_shared>>) dst(%dma_wait3A_216 : memref<128x16xf32, #tpu.memory_space<vmem>>)
      %add3A_225 = arith.constant 2 : i32
      %add3A_226 = arith.addi %mul3A_145, %add3A_225 : i32
      %dma_start3A_227 = arith.constant 2 : i32
      %dma_start3A_228 = arith.constant 2 : i32
      %dma_start3A_229 = arith.constant 0 : i32
      %dma_start3A_230 = arith.constant 0 : i32
      %dma_start3A_231 = tpu.memref_slice %arg8[%dma_start3A_227, %dma_start3A_229, %dma_start3A_230] : memref<8x128x16xf32, #tpu.memory_space<vmem>> -> memref<1x128x16xf32, #tpu.memory_space<vmem>>
      %dma_start3A_232 = tpu.memref_squeeze %dma_start3A_231 : memref<1x128x16xf32, #tpu.memory_space<vmem>> -> memref<128x16xf32, #tpu.memory_space<vmem>>
      %dma_start3A_233 = arith.constant 0 : i32
      %dma_start3A_234 = tpu.memref_slice %arg7[%add3A_226, %dma_start3A_233] : memref<80x128xi32, #tpu.memory_space<vmem>> -> memref<1x128xi32, #tpu.memory_space<vmem>>
      %dma_start3A_235 = tpu.memref_squeeze %dma_start3A_234 : memref<1x128xi32, #tpu.memory_space<vmem>> -> memref<128xi32, #tpu.memory_space<vmem>>
      %dma_start3A_236 = arith.constant 0 : i32
      %dma_start3A_237 = arith.constant 0 : i32
      %dma_start3A_238 = tpu.memref_slice %arg11[%dma_start3A_236, %dma_start3A_237] : memref<10240x16xf32, #tpu.memory_space<vmem_shared>> -> memref<10240x16xf32, #tpu.memory_space<vmem_shared>>
      %dma_start3A_239 = tpu.memref_slice %arg13[%dma_start3A_228] : memref<8x!tpu.dma_semaphore, #tpu.memory_space<semaphore_mem>> -> memref<1x!tpu.dma_semaphore, #tpu.memory_space<semaphore_mem>>
      %dma_start3A_240 = tpu.memref_squeeze %dma_start3A_239 : memref<1x!tpu.dma_semaphore, #tpu.memory_space<semaphore_mem>> -> memref<!tpu.dma_semaphore, #tpu.memory_space<semaphore_mem>>
      tpu.enqueue_indirect_dma source(%dma_start3A_232 : memref<128x16xf32, #tpu.memory_space<vmem>>) target(%dma_start3A_238 : memref<10240x16xf32, #tpu.memory_space<vmem_shared>>) offsets(%dma_start3A_235 : memref<128xi32, #tpu.memory_space<vmem>>) semaphore(%dma_start3A_240 : memref<!tpu.dma_semaphore, #tpu.memory_space<semaphore_mem>>) {add = true}
      %add3A_241 = arith.constant 3 : i32
      %add3A_242 = arith.addi %mul3A_145, %add3A_241 : i32
      %dma_wait3A_243 = arith.constant 3 : i32
      %dma_wait3A_244 = arith.constant 3 : i32
      %dma_wait3A_245 = arith.constant 0 : i32
      %dma_wait3A_246 = arith.constant 0 : i32
      %dma_wait3A_247 = tpu.memref_slice %arg8[%dma_wait3A_243, %dma_wait3A_245, %dma_wait3A_246] : memref<8x128x16xf32, #tpu.memory_space<vmem>> -> memref<1x128x16xf32, #tpu.memory_space<vmem>>
      %dma_wait3A_248 = tpu.memref_squeeze %dma_wait3A_247 : memref<1x128x16xf32, #tpu.memory_space<vmem>> -> memref<128x16xf32, #tpu.memory_space<vmem>>
      %dma_wait3A_249 = arith.constant 0 : i32
      %dma_wait3A_250 = tpu.memref_slice %arg6[%add3A_242, %dma_wait3A_249] : memref<80x128xi32, #tpu.memory_space<vmem>> -> memref<1x128xi32, #tpu.memory_space<vmem>>
      %dma_wait3A_251 = tpu.memref_squeeze %dma_wait3A_250 : memref<1x128xi32, #tpu.memory_space<vmem>> -> memref<128xi32, #tpu.memory_space<vmem>>
      %dma_wait3A_252 = arith.constant 0 : i32
      %dma_wait3A_253 = arith.constant 0 : i32
      %dma_wait3A_254 = tpu.memref_slice %arg10[%dma_wait3A_252, %dma_wait3A_253] : memref<10240x16xf32, #tpu.memory_space<vmem_shared>> -> memref<10240x16xf32, #tpu.memory_space<vmem_shared>>
      %dma_wait3A_255 = tpu.memref_slice %arg12[%dma_wait3A_244] : memref<8x!tpu.dma_semaphore, #tpu.memory_space<semaphore_mem>> -> memref<1x!tpu.dma_semaphore, #tpu.memory_space<semaphore_mem>>
      %dma_wait3A_256 = tpu.memref_squeeze %dma_wait3A_255 : memref<1x!tpu.dma_semaphore, #tpu.memory_space<semaphore_mem>> -> memref<!tpu.dma_semaphore, #tpu.memory_space<semaphore_mem>>
      tpu.wait_indirect_dma semaphore(%dma_wait3A_256 : memref<!tpu.dma_semaphore, #tpu.memory_space<semaphore_mem>>) src(%dma_wait3A_254 : memref<10240x16xf32, #tpu.memory_space<vmem_shared>>) dst(%dma_wait3A_248 : memref<128x16xf32, #tpu.memory_space<vmem>>)
      %add3A_257 = arith.constant 3 : i32
      %add3A_258 = arith.addi %mul3A_145, %add3A_257 : i32
      %dma_start3A_259 = arith.constant 3 : i32
      %dma_start3A_260 = arith.constant 3 : i32
      %dma_start3A_261 = arith.constant 0 : i32
      %dma_start3A_262 = arith.constant 0 : i32
      %dma_start3A_263 = tpu.memref_slice %arg8[%dma_start3A_259, %dma_start3A_261, %dma_start3A_262] : memref<8x128x16xf32, #tpu.memory_space<vmem>> -> memref<1x128x16xf32, #tpu.memory_space<vmem>>
      %dma_start3A_264 = tpu.memref_squeeze %dma_start3A_263 : memref<1x128x16xf32, #tpu.memory_space<vmem>> -> memref<128x16xf32, #tpu.memory_space<vmem>>
      %dma_start3A_265 = arith.constant 0 : i32
      %dma_start3A_266 = tpu.memref_slice %arg7[%add3A_258, %dma_start3A_265] : memref<80x128xi32, #tpu.memory_space<vmem>> -> memref<1x128xi32, #tpu.memory_space<vmem>>
      %dma_start3A_267 = tpu.memref_squeeze %dma_start3A_266 : memref<1x128xi32, #tpu.memory_space<vmem>> -> memref<128xi32, #tpu.memory_space<vmem>>
      %dma_start3A_268 = arith.constant 0 : i32
      %dma_start3A_269 = arith.constant 0 : i32
      %dma_start3A_270 = tpu.memref_slice %arg11[%dma_start3A_268, %dma_start3A_269] : memref<10240x16xf32, #tpu.memory_space<vmem_shared>> -> memref<10240x16xf32, #tpu.memory_space<vmem_shared>>
      %dma_start3A_271 = tpu.memref_slice %arg13[%dma_start3A_260] : memref<8x!tpu.dma_semaphore, #tpu.memory_space<semaphore_mem>> -> memref<1x!tpu.dma_semaphore, #tpu.memory_space<semaphore_mem>>
      %dma_start3A_272 = tpu.memref_squeeze %dma_start3A_271 : memref<1x!tpu.dma_semaphore, #tpu.memory_space<semaphore_mem>> -> memref<!tpu.dma_semaphore, #tpu.memory_space<semaphore_mem>>
      tpu.enqueue_indirect_dma source(%dma_start3A_264 : memref<128x16xf32, #tpu.memory_space<vmem>>) target(%dma_start3A_270 : memref<10240x16xf32, #tpu.memory_space<vmem_shared>>) offsets(%dma_start3A_267 : memref<128xi32, #tpu.memory_space<vmem>>) semaphore(%dma_start3A_272 : memref<!tpu.dma_semaphore, #tpu.memory_space<semaphore_mem>>) {add = true}
      %add3A_273 = arith.constant 4 : i32
      %add3A_274 = arith.addi %mul3A_145, %add3A_273 : i32
      %dma_wait3A_275 = arith.constant 4 : i32
      %dma_wait3A_276 = arith.constant 4 : i32
      %dma_wait3A_277 = arith.constant 0 : i32
      %dma_wait3A_278 = arith.constant 0 : i32
      %dma_wait3A_279 = tpu.memref_slice %arg8[%dma_wait3A_275, %dma_wait3A_277, %dma_wait3A_278] : memref<8x128x16xf32, #tpu.memory_space<vmem>> -> memref<1x128x16xf32, #tpu.memory_space<vmem>>
      %dma_wait3A_280 = tpu.memref_squeeze %dma_wait3A_279 : memref<1x128x16xf32, #tpu.memory_space<vmem>> -> memref<128x16xf32, #tpu.memory_space<vmem>>
      %dma_wait3A_281 = arith.constant 0 : i32
      %dma_wait3A_282 = tpu.memref_slice %arg6[%add3A_274, %dma_wait3A_281] : memref<80x128xi32, #tpu.memory_space<vmem>> -> memref<1x128xi32, #tpu.memory_space<vmem>>
      %dma_wait3A_283 = tpu.memref_squeeze %dma_wait3A_282 : memref<1x128xi32, #tpu.memory_space<vmem>> -> memref<128xi32, #tpu.memory_space<vmem>>
      %dma_wait3A_284 = arith.constant 0 : i32
      %dma_wait3A_285 = arith.constant 0 : i32
      %dma_wait3A_286 = tpu.memref_slice %arg10[%dma_wait3A_284, %dma_wait3A_285] : memref<10240x16xf32, #tpu.memory_space<vmem_shared>> -> memref<10240x16xf32, #tpu.memory_space<vmem_shared>>
      %dma_wait3A_287 = tpu.memref_slice %arg12[%dma_wait3A_276] : memref<8x!tpu.dma_semaphore, #tpu.memory_space<semaphore_mem>> -> memref<1x!tpu.dma_semaphore, #tpu.memory_space<semaphore_mem>>
      %dma_wait3A_288 = tpu.memref_squeeze %dma_wait3A_287 : memref<1x!tpu.dma_semaphore, #tpu.memory_space<semaphore_mem>> -> memref<!tpu.dma_semaphore, #tpu.memory_space<semaphore_mem>>
      tpu.wait_indirect_dma semaphore(%dma_wait3A_288 : memref<!tpu.dma_semaphore, #tpu.memory_space<semaphore_mem>>) src(%dma_wait3A_286 : memref<10240x16xf32, #tpu.memory_space<vmem_shared>>) dst(%dma_wait3A_280 : memref<128x16xf32, #tpu.memory_space<vmem>>)
      %add3A_289 = arith.constant 4 : i32
      %add3A_290 = arith.addi %mul3A_145, %add3A_289 : i32
      %dma_start3A_291 = arith.constant 4 : i32
      %dma_start3A_292 = arith.constant 4 : i32
      %dma_start3A_293 = arith.constant 0 : i32
      %dma_start3A_294 = arith.constant 0 : i32
      %dma_start3A_295 = tpu.memref_slice %arg8[%dma_start3A_291, %dma_start3A_293, %dma_start3A_294] : memref<8x128x16xf32, #tpu.memory_space<vmem>> -> memref<1x128x16xf32, #tpu.memory_space<vmem>>
      %dma_start3A_296 = tpu.memref_squeeze %dma_start3A_295 : memref<1x128x16xf32, #tpu.memory_space<vmem>> -> memref<128x16xf32, #tpu.memory_space<vmem>>
      %dma_start3A_297 = arith.constant 0 : i32
      %dma_start3A_298 = tpu.memref_slice %arg7[%add3A_290, %dma_start3A_297] : memref<80x128xi32, #tpu.memory_space<vmem>> -> memref<1x128xi32, #tpu.memory_space<vmem>>
      %dma_start3A_299 = tpu.memref_squeeze %dma_start3A_298 : memref<1x128xi32, #tpu.memory_space<vmem>> -> memref<128xi32, #tpu.memory_space<vmem>>
      %dma_start3A_300 = arith.constant 0 : i32
      %dma_start3A_301 = arith.constant 0 : i32
      %dma_start3A_302 = tpu.memref_slice %arg11[%dma_start3A_300, %dma_start3A_301] : memref<10240x16xf32, #tpu.memory_space<vmem_shared>> -> memref<10240x16xf32, #tpu.memory_space<vmem_shared>>
      %dma_start3A_303 = tpu.memref_slice %arg13[%dma_start3A_292] : memref<8x!tpu.dma_semaphore, #tpu.memory_space<semaphore_mem>> -> memref<1x!tpu.dma_semaphore, #tpu.memory_space<semaphore_mem>>
      %dma_start3A_304 = tpu.memref_squeeze %dma_start3A_303 : memref<1x!tpu.dma_semaphore, #tpu.memory_space<semaphore_mem>> -> memref<!tpu.dma_semaphore, #tpu.memory_space<semaphore_mem>>
      tpu.enqueue_indirect_dma source(%dma_start3A_296 : memref<128x16xf32, #tpu.memory_space<vmem>>) target(%dma_start3A_302 : memref<10240x16xf32, #tpu.memory_space<vmem_shared>>) offsets(%dma_start3A_299 : memref<128xi32, #tpu.memory_space<vmem>>) semaphore(%dma_start3A_304 : memref<!tpu.dma_semaphore, #tpu.memory_space<semaphore_mem>>) {add = true}
      %add3A_305 = arith.constant 5 : i32
      %add3A_306 = arith.addi %mul3A_145, %add3A_305 : i32
      %dma_wait3A_307 = arith.constant 5 : i32
      %dma_wait3A_308 = arith.constant 5 : i32
      %dma_wait3A_309 = arith.constant 0 : i32
      %dma_wait3A_310 = arith.constant 0 : i32
      %dma_wait3A_311 = tpu.memref_slice %arg8[%dma_wait3A_307, %dma_wait3A_309, %dma_wait3A_310] : memref<8x128x16xf32, #tpu.memory_space<vmem>> -> memref<1x128x16xf32, #tpu.memory_space<vmem>>
      %dma_wait3A_312 = tpu.memref_squeeze %dma_wait3A_311 : memref<1x128x16xf32, #tpu.memory_space<vmem>> -> memref<128x16xf32, #tpu.memory_space<vmem>>
      %dma_wait3A_313 = arith.constant 0 : i32
      %dma_wait3A_314 = tpu.memref_slice %arg6[%add3A_306, %dma_wait3A_313] : memref<80x128xi32, #tpu.memory_space<vmem>> -> memref<1x128xi32, #tpu.memory_space<vmem>>
      %dma_wait3A_315 = tpu.memref_squeeze %dma_wait3A_314 : memref<1x128xi32, #tpu.memory_space<vmem>> -> memref<128xi32, #tpu.memory_space<vmem>>
      %dma_wait3A_316 = arith.constant 0 : i32
      %dma_wait3A_317 = arith.constant 0 : i32
      %dma_wait3A_318 = tpu.memref_slice %arg10[%dma_wait3A_316, %dma_wait3A_317] : memref<10240x16xf32, #tpu.memory_space<vmem_shared>> -> memref<10240x16xf32, #tpu.memory_space<vmem_shared>>
      %dma_wait3A_319 = tpu.memref_slice %arg12[%dma_wait3A_308] : memref<8x!tpu.dma_semaphore, #tpu.memory_space<semaphore_mem>> -> memref<1x!tpu.dma_semaphore, #tpu.memory_space<semaphore_mem>>
      %dma_wait3A_320 = tpu.memref_squeeze %dma_wait3A_319 : memref<1x!tpu.dma_semaphore, #tpu.memory_space<semaphore_mem>> -> memref<!tpu.dma_semaphore, #tpu.memory_space<semaphore_mem>>
      tpu.wait_indirect_dma semaphore(%dma_wait3A_320 : memref<!tpu.dma_semaphore, #tpu.memory_space<semaphore_mem>>) src(%dma_wait3A_318 : memref<10240x16xf32, #tpu.memory_space<vmem_shared>>) dst(%dma_wait3A_312 : memref<128x16xf32, #tpu.memory_space<vmem>>)
      %add3A_321 = arith.constant 5 : i32
      %add3A_322 = arith.addi %mul3A_145, %add3A_321 : i32
      %dma_start3A_323 = arith.constant 5 : i32
      %dma_start3A_324 = arith.constant 5 : i32
      %dma_start3A_325 = arith.constant 0 : i32
      %dma_start3A_326 = arith.constant 0 : i32
      %dma_start3A_327 = tpu.memref_slice %arg8[%dma_start3A_323, %dma_start3A_325, %dma_start3A_326] : memref<8x128x16xf32, #tpu.memory_space<vmem>> -> memref<1x128x16xf32, #tpu.memory_space<vmem>>
      %dma_start3A_328 = tpu.memref_squeeze %dma_start3A_327 : memref<1x128x16xf32, #tpu.memory_space<vmem>> -> memref<128x16xf32, #tpu.memory_space<vmem>>
      %dma_start3A_329 = arith.constant 0 : i32
      %dma_start3A_330 = tpu.memref_slice %arg7[%add3A_322, %dma_start3A_329] : memref<80x128xi32, #tpu.memory_space<vmem>> -> memref<1x128xi32, #tpu.memory_space<vmem>>
      %dma_start3A_331 = tpu.memref_squeeze %dma_start3A_330 : memref<1x128xi32, #tpu.memory_space<vmem>> -> memref<128xi32, #tpu.memory_space<vmem>>
      %dma_start3A_332 = arith.constant 0 : i32
      %dma_start3A_333 = arith.constant 0 : i32
      %dma_start3A_334 = tpu.memref_slice %arg11[%dma_start3A_332, %dma_start3A_333] : memref<10240x16xf32, #tpu.memory_space<vmem_shared>> -> memref<10240x16xf32, #tpu.memory_space<vmem_shared>>
      %dma_start3A_335 = tpu.memref_slice %arg13[%dma_start3A_324] : memref<8x!tpu.dma_semaphore, #tpu.memory_space<semaphore_mem>> -> memref<1x!tpu.dma_semaphore, #tpu.memory_space<semaphore_mem>>
      %dma_start3A_336 = tpu.memref_squeeze %dma_start3A_335 : memref<1x!tpu.dma_semaphore, #tpu.memory_space<semaphore_mem>> -> memref<!tpu.dma_semaphore, #tpu.memory_space<semaphore_mem>>
      tpu.enqueue_indirect_dma source(%dma_start3A_328 : memref<128x16xf32, #tpu.memory_space<vmem>>) target(%dma_start3A_334 : memref<10240x16xf32, #tpu.memory_space<vmem_shared>>) offsets(%dma_start3A_331 : memref<128xi32, #tpu.memory_space<vmem>>) semaphore(%dma_start3A_336 : memref<!tpu.dma_semaphore, #tpu.memory_space<semaphore_mem>>) {add = true}
      %add3A_337 = arith.constant 6 : i32
      %add3A_338 = arith.addi %mul3A_145, %add3A_337 : i32
      %dma_wait3A_339 = arith.constant 6 : i32
      %dma_wait3A_340 = arith.constant 6 : i32
      %dma_wait3A_341 = arith.constant 0 : i32
      %dma_wait3A_342 = arith.constant 0 : i32
      %dma_wait3A_343 = tpu.memref_slice %arg8[%dma_wait3A_339, %dma_wait3A_341, %dma_wait3A_342] : memref<8x128x16xf32, #tpu.memory_space<vmem>> -> memref<1x128x16xf32, #tpu.memory_space<vmem>>
      %dma_wait3A_344 = tpu.memref_squeeze %dma_wait3A_343 : memref<1x128x16xf32, #tpu.memory_space<vmem>> -> memref<128x16xf32, #tpu.memory_space<vmem>>
      %dma_wait3A_345 = arith.constant 0 : i32
      %dma_wait3A_346 = tpu.memref_slice %arg6[%add3A_338, %dma_wait3A_345] : memref<80x128xi32, #tpu.memory_space<vmem>> -> memref<1x128xi32, #tpu.memory_space<vmem>>
      %dma_wait3A_347 = tpu.memref_squeeze %dma_wait3A_346 : memref<1x128xi32, #tpu.memory_space<vmem>> -> memref<128xi32, #tpu.memory_space<vmem>>
      %dma_wait3A_348 = arith.constant 0 : i32
      %dma_wait3A_349 = arith.constant 0 : i32
      %dma_wait3A_350 = tpu.memref_slice %arg10[%dma_wait3A_348, %dma_wait3A_349] : memref<10240x16xf32, #tpu.memory_space<vmem_shared>> -> memref<10240x16xf32, #tpu.memory_space<vmem_shared>>
      %dma_wait3A_351 = tpu.memref_slice %arg12[%dma_wait3A_340] : memref<8x!tpu.dma_semaphore, #tpu.memory_space<semaphore_mem>> -> memref<1x!tpu.dma_semaphore, #tpu.memory_space<semaphore_mem>>
      %dma_wait3A_352 = tpu.memref_squeeze %dma_wait3A_351 : memref<1x!tpu.dma_semaphore, #tpu.memory_space<semaphore_mem>> -> memref<!tpu.dma_semaphore, #tpu.memory_space<semaphore_mem>>
      tpu.wait_indirect_dma semaphore(%dma_wait3A_352 : memref<!tpu.dma_semaphore, #tpu.memory_space<semaphore_mem>>) src(%dma_wait3A_350 : memref<10240x16xf32, #tpu.memory_space<vmem_shared>>) dst(%dma_wait3A_344 : memref<128x16xf32, #tpu.memory_space<vmem>>)
      %add3A_353 = arith.constant 6 : i32
      %add3A_354 = arith.addi %mul3A_145, %add3A_353 : i32
      %dma_start3A_355 = arith.constant 6 : i32
      %dma_start3A_356 = arith.constant 6 : i32
      %dma_start3A_357 = arith.constant 0 : i32
      %dma_start3A_358 = arith.constant 0 : i32
      %dma_start3A_359 = tpu.memref_slice %arg8[%dma_start3A_355, %dma_start3A_357, %dma_start3A_358] : memref<8x128x16xf32, #tpu.memory_space<vmem>> -> memref<1x128x16xf32, #tpu.memory_space<vmem>>
      %dma_start3A_360 = tpu.memref_squeeze %dma_start3A_359 : memref<1x128x16xf32, #tpu.memory_space<vmem>> -> memref<128x16xf32, #tpu.memory_space<vmem>>
      %dma_start3A_361 = arith.constant 0 : i32
      %dma_start3A_362 = tpu.memref_slice %arg7[%add3A_354, %dma_start3A_361] : memref<80x128xi32, #tpu.memory_space<vmem>> -> memref<1x128xi32, #tpu.memory_space<vmem>>
      %dma_start3A_363 = tpu.memref_squeeze %dma_start3A_362 : memref<1x128xi32, #tpu.memory_space<vmem>> -> memref<128xi32, #tpu.memory_space<vmem>>
      %dma_start3A_364 = arith.constant 0 : i32
      %dma_start3A_365 = arith.constant 0 : i32
      %dma_start3A_366 = tpu.memref_slice %arg11[%dma_start3A_364, %dma_start3A_365] : memref<10240x16xf32, #tpu.memory_space<vmem_shared>> -> memref<10240x16xf32, #tpu.memory_space<vmem_shared>>
      %dma_start3A_367 = tpu.memref_slice %arg13[%dma_start3A_356] : memref<8x!tpu.dma_semaphore, #tpu.memory_space<semaphore_mem>> -> memref<1x!tpu.dma_semaphore, #tpu.memory_space<semaphore_mem>>
      %dma_start3A_368 = tpu.memref_squeeze %dma_start3A_367 : memref<1x!tpu.dma_semaphore, #tpu.memory_space<semaphore_mem>> -> memref<!tpu.dma_semaphore, #tpu.memory_space<semaphore_mem>>
      tpu.enqueue_indirect_dma source(%dma_start3A_360 : memref<128x16xf32, #tpu.memory_space<vmem>>) target(%dma_start3A_366 : memref<10240x16xf32, #tpu.memory_space<vmem_shared>>) offsets(%dma_start3A_363 : memref<128xi32, #tpu.memory_space<vmem>>) semaphore(%dma_start3A_368 : memref<!tpu.dma_semaphore, #tpu.memory_space<semaphore_mem>>) {add = true}
      %add3A_369 = arith.constant 7 : i32
      %add3A_370 = arith.addi %mul3A_145, %add3A_369 : i32
      %dma_wait3A_371 = arith.constant 7 : i32
      %dma_wait3A_372 = arith.constant 7 : i32
      %dma_wait3A_373 = arith.constant 0 : i32
      %dma_wait3A_374 = arith.constant 0 : i32
      %dma_wait3A_375 = tpu.memref_slice %arg8[%dma_wait3A_371, %dma_wait3A_373, %dma_wait3A_374] : memref<8x128x16xf32, #tpu.memory_space<vmem>> -> memref<1x128x16xf32, #tpu.memory_space<vmem>>
      %dma_wait3A_376 = tpu.memref_squeeze %dma_wait3A_375 : memref<1x128x16xf32, #tpu.memory_space<vmem>> -> memref<128x16xf32, #tpu.memory_space<vmem>>
      %dma_wait3A_377 = arith.constant 0 : i32
      %dma_wait3A_378 = tpu.memref_slice %arg6[%add3A_370, %dma_wait3A_377] : memref<80x128xi32, #tpu.memory_space<vmem>> -> memref<1x128xi32, #tpu.memory_space<vmem>>
      %dma_wait3A_379 = tpu.memref_squeeze %dma_wait3A_378 : memref<1x128xi32, #tpu.memory_space<vmem>> -> memref<128xi32, #tpu.memory_space<vmem>>
      %dma_wait3A_380 = arith.constant 0 : i32
      %dma_wait3A_381 = arith.constant 0 : i32
      %dma_wait3A_382 = tpu.memref_slice %arg10[%dma_wait3A_380, %dma_wait3A_381] : memref<10240x16xf32, #tpu.memory_space<vmem_shared>> -> memref<10240x16xf32, #tpu.memory_space<vmem_shared>>
      %dma_wait3A_383 = tpu.memref_slice %arg12[%dma_wait3A_372] : memref<8x!tpu.dma_semaphore, #tpu.memory_space<semaphore_mem>> -> memref<1x!tpu.dma_semaphore, #tpu.memory_space<semaphore_mem>>
      %dma_wait3A_384 = tpu.memref_squeeze %dma_wait3A_383 : memref<1x!tpu.dma_semaphore, #tpu.memory_space<semaphore_mem>> -> memref<!tpu.dma_semaphore, #tpu.memory_space<semaphore_mem>>
      tpu.wait_indirect_dma semaphore(%dma_wait3A_384 : memref<!tpu.dma_semaphore, #tpu.memory_space<semaphore_mem>>) src(%dma_wait3A_382 : memref<10240x16xf32, #tpu.memory_space<vmem_shared>>) dst(%dma_wait3A_376 : memref<128x16xf32, #tpu.memory_space<vmem>>)
      %add3A_385 = arith.constant 7 : i32
      %add3A_386 = arith.addi %mul3A_145, %add3A_385 : i32
      %dma_start3A_387 = arith.constant 7 : i32
      %dma_start3A_388 = arith.constant 7 : i32
      %dma_start3A_389 = arith.constant 0 : i32
      %dma_start3A_390 = arith.constant 0 : i32
      %dma_start3A_391 = tpu.memref_slice %arg8[%dma_start3A_387, %dma_start3A_389, %dma_start3A_390] : memref<8x128x16xf32, #tpu.memory_space<vmem>> -> memref<1x128x16xf32, #tpu.memory_space<vmem>>
      %dma_start3A_392 = tpu.memref_squeeze %dma_start3A_391 : memref<1x128x16xf32, #tpu.memory_space<vmem>> -> memref<128x16xf32, #tpu.memory_space<vmem>>
      %dma_start3A_393 = arith.constant 0 : i32
      %dma_start3A_394 = tpu.memref_slice %arg7[%add3A_386, %dma_start3A_393] : memref<80x128xi32, #tpu.memory_space<vmem>> -> memref<1x128xi32, #tpu.memory_space<vmem>>
      %dma_start3A_395 = tpu.memref_squeeze %dma_start3A_394 : memref<1x128xi32, #tpu.memory_space<vmem>> -> memref<128xi32, #tpu.memory_space<vmem>>
      %dma_start3A_396 = arith.constant 0 : i32
      %dma_start3A_397 = arith.constant 0 : i32
      %dma_start3A_398 = tpu.memref_slice %arg11[%dma_start3A_396, %dma_start3A_397] : memref<10240x16xf32, #tpu.memory_space<vmem_shared>> -> memref<10240x16xf32, #tpu.memory_space<vmem_shared>>
      %dma_start3A_399 = tpu.memref_slice %arg13[%dma_start3A_388] : memref<8x!tpu.dma_semaphore, #tpu.memory_space<semaphore_mem>> -> memref<1x!tpu.dma_semaphore, #tpu.memory_space<semaphore_mem>>
      %dma_start3A_400 = tpu.memref_squeeze %dma_start3A_399 : memref<1x!tpu.dma_semaphore, #tpu.memory_space<semaphore_mem>> -> memref<!tpu.dma_semaphore, #tpu.memory_space<semaphore_mem>>
      tpu.enqueue_indirect_dma source(%dma_start3A_392 : memref<128x16xf32, #tpu.memory_space<vmem>>) target(%dma_start3A_398 : memref<10240x16xf32, #tpu.memory_space<vmem_shared>>) offsets(%dma_start3A_395 : memref<128xi32, #tpu.memory_space<vmem>>) semaphore(%dma_start3A_400 : memref<!tpu.dma_semaphore, #tpu.memory_space<semaphore_mem>>) {add = true}
      %add3A_401 = arith.constant 0 : i32
      %add3A_402 = arith.addi %mul3A_145, %add3A_401 : i32
      %dma_wait3A_403 = arith.constant 0 : i32
      %dma_wait3A_404 = arith.constant 0 : i32
      %dma_wait3A_405 = arith.constant 0 : i32
      %dma_wait3A_406 = arith.constant 0 : i32
      %dma_wait3A_407 = tpu.memref_slice %arg8[%dma_wait3A_403, %dma_wait3A_405, %dma_wait3A_406] : memref<8x128x16xf32, #tpu.memory_space<vmem>> -> memref<1x128x16xf32, #tpu.memory_space<vmem>>
      %dma_wait3A_408 = tpu.memref_squeeze %dma_wait3A_407 : memref<1x128x16xf32, #tpu.memory_space<vmem>> -> memref<128x16xf32, #tpu.memory_space<vmem>>
      %dma_wait3A_409 = arith.constant 0 : i32
      %dma_wait3A_410 = tpu.memref_slice %arg7[%add3A_402, %dma_wait3A_409] : memref<80x128xi32, #tpu.memory_space<vmem>> -> memref<1x128xi32, #tpu.memory_space<vmem>>
      %dma_wait3A_411 = tpu.memref_squeeze %dma_wait3A_410 : memref<1x128xi32, #tpu.memory_space<vmem>> -> memref<128xi32, #tpu.memory_space<vmem>>
      %dma_wait3A_412 = arith.constant 0 : i32
      %dma_wait3A_413 = arith.constant 0 : i32
      %dma_wait3A_414 = tpu.memref_slice %arg11[%dma_wait3A_412, %dma_wait3A_413] : memref<10240x16xf32, #tpu.memory_space<vmem_shared>> -> memref<10240x16xf32, #tpu.memory_space<vmem_shared>>
      %dma_wait3A_415 = tpu.memref_slice %arg13[%dma_wait3A_404] : memref<8x!tpu.dma_semaphore, #tpu.memory_space<semaphore_mem>> -> memref<1x!tpu.dma_semaphore, #tpu.memory_space<semaphore_mem>>
      %dma_wait3A_416 = tpu.memref_squeeze %dma_wait3A_415 : memref<1x!tpu.dma_semaphore, #tpu.memory_space<semaphore_mem>> -> memref<!tpu.dma_semaphore, #tpu.memory_space<semaphore_mem>>
      tpu.wait_indirect_dma semaphore(%dma_wait3A_416 : memref<!tpu.dma_semaphore, #tpu.memory_space<semaphore_mem>>) src(%dma_wait3A_408 : memref<128x16xf32, #tpu.memory_space<vmem>>) dst(%dma_wait3A_414 : memref<10240x16xf32, #tpu.memory_space<vmem_shared>>)
      %lt3A = arith.constant 9 : i32
      %lt3A_417 = arith.cmpi slt, %scan3A_143, %lt3A : i32
      %convert_element_type3A = arith.extui %lt3A_417 : i1 to i32
      %cond3A = arith.constant 0 : i32
      %cond3A_418 = arith.cmpi ne, %convert_element_type3A, %cond3A : i32
      scf.if %cond3A_418 {
        %add3A_566 = arith.constant 8 : i32
        %add3A_567 = arith.addi %mul3A_145, %add3A_566 : i32
        %add3A_568 = arith.constant 0 : i32
        %add3A_569 = arith.addi %add3A_567, %add3A_568 : i32
        %dma_start3A_570 = arith.constant 0 : i32
        %dma_start3A_571 = arith.constant 0 : i32
        %dma_start3A_572 = arith.constant 0 : i32
        %dma_start3A_573 = arith.constant 0 : i32
        %dma_start3A_574 = tpu.memref_slice %arg8[%dma_start3A_570, %dma_start3A_572, %dma_start3A_573] : memref<8x128x16xf32, #tpu.memory_space<vmem>> -> memref<1x128x16xf32, #tpu.memory_space<vmem>>
        %dma_start3A_575 = tpu.memref_squeeze %dma_start3A_574 : memref<1x128x16xf32, #tpu.memory_space<vmem>> -> memref<128x16xf32, #tpu.memory_space<vmem>>
        %dma_start3A_576 = arith.constant 0 : i32
        %dma_start3A_577 = tpu.memref_slice %arg6[%add3A_569, %dma_start3A_576] : memref<80x128xi32, #tpu.memory_space<vmem>> -> memref<1x128xi32, #tpu.memory_space<vmem>>
        %dma_start3A_578 = tpu.memref_squeeze %dma_start3A_577 : memref<1x128xi32, #tpu.memory_space<vmem>> -> memref<128xi32, #tpu.memory_space<vmem>>
        %dma_start3A_579 = arith.constant 0 : i32
        %dma_start3A_580 = arith.constant 0 : i32
        %dma_start3A_581 = tpu.memref_slice %arg10[%dma_start3A_579, %dma_start3A_580] : memref<10240x16xf32, #tpu.memory_space<vmem_shared>> -> memref<10240x16xf32, #tpu.memory_space<vmem_shared>>
        %dma_start3A_582 = tpu.memref_slice %arg12[%dma_start3A_571] : memref<8x!tpu.dma_semaphore, #tpu.memory_space<semaphore_mem>> -> memref<1x!tpu.dma_semaphore, #tpu.memory_space<semaphore_mem>>
        %dma_start3A_583 = tpu.memref_squeeze %dma_start3A_582 : memref<1x!tpu.dma_semaphore, #tpu.memory_space<semaphore_mem>> -> memref<!tpu.dma_semaphore, #tpu.memory_space<semaphore_mem>>
        tpu.enqueue_indirect_dma source(%dma_start3A_581 : memref<10240x16xf32, #tpu.memory_space<vmem_shared>>) target(%dma_start3A_575 : memref<128x16xf32, #tpu.memory_space<vmem>>) offsets(%dma_start3A_578 : memref<128xi32, #tpu.memory_space<vmem>>) semaphore(%dma_start3A_583 : memref<!tpu.dma_semaphore, #tpu.memory_space<semaphore_mem>>)
      } else {
      }
      %add3A_419 = arith.constant 1 : i32
      %add3A_420 = arith.addi %mul3A_145, %add3A_419 : i32
      %dma_wait3A_421 = arith.constant 1 : i32
      %dma_wait3A_422 = arith.constant 1 : i32
      %dma_wait3A_423 = arith.constant 0 : i32
      %dma_wait3A_424 = arith.constant 0 : i32
      %dma_wait3A_425 = tpu.memref_slice %arg8[%dma_wait3A_421, %dma_wait3A_423, %dma_wait3A_424] : memref<8x128x16xf32, #tpu.memory_space<vmem>> -> memref<1x128x16xf32, #tpu.memory_space<vmem>>
      %dma_wait3A_426 = tpu.memref_squeeze %dma_wait3A_425 : memref<1x128x16xf32, #tpu.memory_space<vmem>> -> memref<128x16xf32, #tpu.memory_space<vmem>>
      %dma_wait3A_427 = arith.constant 0 : i32
      %dma_wait3A_428 = tpu.memref_slice %arg7[%add3A_420, %dma_wait3A_427] : memref<80x128xi32, #tpu.memory_space<vmem>> -> memref<1x128xi32, #tpu.memory_space<vmem>>
      %dma_wait3A_429 = tpu.memref_squeeze %dma_wait3A_428 : memref<1x128xi32, #tpu.memory_space<vmem>> -> memref<128xi32, #tpu.memory_space<vmem>>
      %dma_wait3A_430 = arith.constant 0 : i32
      %dma_wait3A_431 = arith.constant 0 : i32
      %dma_wait3A_432 = tpu.memref_slice %arg11[%dma_wait3A_430, %dma_wait3A_431] : memref<10240x16xf32, #tpu.memory_space<vmem_shared>> -> memref<10240x16xf32, #tpu.memory_space<vmem_shared>>
      %dma_wait3A_433 = tpu.memref_slice %arg13[%dma_wait3A_422] : memref<8x!tpu.dma_semaphore, #tpu.memory_space<semaphore_mem>> -> memref<1x!tpu.dma_semaphore, #tpu.memory_space<semaphore_mem>>
      %dma_wait3A_434 = tpu.memref_squeeze %dma_wait3A_433 : memref<1x!tpu.dma_semaphore, #tpu.memory_space<semaphore_mem>> -> memref<!tpu.dma_semaphore, #tpu.memory_space<semaphore_mem>>
      tpu.wait_indirect_dma semaphore(%dma_wait3A_434 : memref<!tpu.dma_semaphore, #tpu.memory_space<semaphore_mem>>) src(%dma_wait3A_426 : memref<128x16xf32, #tpu.memory_space<vmem>>) dst(%dma_wait3A_432 : memref<10240x16xf32, #tpu.memory_space<vmem_shared>>)
      %lt3A_435 = arith.constant 9 : i32
      %lt3A_436 = arith.cmpi slt, %scan3A_143, %lt3A_435 : i32
      %convert_element_type3A_437 = arith.extui %lt3A_436 : i1 to i32
      %cond3A_438 = arith.constant 0 : i32
      %cond3A_439 = arith.cmpi ne, %convert_element_type3A_437, %cond3A_438 : i32
      scf.if %cond3A_439 {
        %add3A_566 = arith.constant 8 : i32
        %add3A_567 = arith.addi %mul3A_145, %add3A_566 : i32
        %add3A_568 = arith.constant 1 : i32
        %add3A_569 = arith.addi %add3A_567, %add3A_568 : i32
        %dma_start3A_570 = arith.constant 1 : i32
        %dma_start3A_571 = arith.constant 1 : i32
        %dma_start3A_572 = arith.constant 0 : i32
        %dma_start3A_573 = arith.constant 0 : i32
        %dma_start3A_574 = tpu.memref_slice %arg8[%dma_start3A_570, %dma_start3A_572, %dma_start3A_573] : memref<8x128x16xf32, #tpu.memory_space<vmem>> -> memref<1x128x16xf32, #tpu.memory_space<vmem>>
        %dma_start3A_575 = tpu.memref_squeeze %dma_start3A_574 : memref<1x128x16xf32, #tpu.memory_space<vmem>> -> memref<128x16xf32, #tpu.memory_space<vmem>>
        %dma_start3A_576 = arith.constant 0 : i32
        %dma_start3A_577 = tpu.memref_slice %arg6[%add3A_569, %dma_start3A_576] : memref<80x128xi32, #tpu.memory_space<vmem>> -> memref<1x128xi32, #tpu.memory_space<vmem>>
        %dma_start3A_578 = tpu.memref_squeeze %dma_start3A_577 : memref<1x128xi32, #tpu.memory_space<vmem>> -> memref<128xi32, #tpu.memory_space<vmem>>
        %dma_start3A_579 = arith.constant 0 : i32
        %dma_start3A_580 = arith.constant 0 : i32
        %dma_start3A_581 = tpu.memref_slice %arg10[%dma_start3A_579, %dma_start3A_580] : memref<10240x16xf32, #tpu.memory_space<vmem_shared>> -> memref<10240x16xf32, #tpu.memory_space<vmem_shared>>
        %dma_start3A_582 = tpu.memref_slice %arg12[%dma_start3A_571] : memref<8x!tpu.dma_semaphore, #tpu.memory_space<semaphore_mem>> -> memref<1x!tpu.dma_semaphore, #tpu.memory_space<semaphore_mem>>
        %dma_start3A_583 = tpu.memref_squeeze %dma_start3A_582 : memref<1x!tpu.dma_semaphore, #tpu.memory_space<semaphore_mem>> -> memref<!tpu.dma_semaphore, #tpu.memory_space<semaphore_mem>>
        tpu.enqueue_indirect_dma source(%dma_start3A_581 : memref<10240x16xf32, #tpu.memory_space<vmem_shared>>) target(%dma_start3A_575 : memref<128x16xf32, #tpu.memory_space<vmem>>) offsets(%dma_start3A_578 : memref<128xi32, #tpu.memory_space<vmem>>) semaphore(%dma_start3A_583 : memref<!tpu.dma_semaphore, #tpu.memory_space<semaphore_mem>>)
      } else {
      }
      %add3A_440 = arith.constant 2 : i32
      %add3A_441 = arith.addi %mul3A_145, %add3A_440 : i32
      %dma_wait3A_442 = arith.constant 2 : i32
      %dma_wait3A_443 = arith.constant 2 : i32
      %dma_wait3A_444 = arith.constant 0 : i32
      %dma_wait3A_445 = arith.constant 0 : i32
      %dma_wait3A_446 = tpu.memref_slice %arg8[%dma_wait3A_442, %dma_wait3A_444, %dma_wait3A_445] : memref<8x128x16xf32, #tpu.memory_space<vmem>> -> memref<1x128x16xf32, #tpu.memory_space<vmem>>
      %dma_wait3A_447 = tpu.memref_squeeze %dma_wait3A_446 : memref<1x128x16xf32, #tpu.memory_space<vmem>> -> memref<128x16xf32, #tpu.memory_space<vmem>>
      %dma_wait3A_448 = arith.constant 0 : i32
      %dma_wait3A_449 = tpu.memref_slice %arg7[%add3A_441, %dma_wait3A_448] : memref<80x128xi32, #tpu.memory_space<vmem>> -> memref<1x128xi32, #tpu.memory_space<vmem>>
      %dma_wait3A_450 = tpu.memref_squeeze %dma_wait3A_449 : memref<1x128xi32, #tpu.memory_space<vmem>> -> memref<128xi32, #tpu.memory_space<vmem>>
      %dma_wait3A_451 = arith.constant 0 : i32
      %dma_wait3A_452 = arith.constant 0 : i32
      %dma_wait3A_453 = tpu.memref_slice %arg11[%dma_wait3A_451, %dma_wait3A_452] : memref<10240x16xf32, #tpu.memory_space<vmem_shared>> -> memref<10240x16xf32, #tpu.memory_space<vmem_shared>>
      %dma_wait3A_454 = tpu.memref_slice %arg13[%dma_wait3A_443] : memref<8x!tpu.dma_semaphore, #tpu.memory_space<semaphore_mem>> -> memref<1x!tpu.dma_semaphore, #tpu.memory_space<semaphore_mem>>
      %dma_wait3A_455 = tpu.memref_squeeze %dma_wait3A_454 : memref<1x!tpu.dma_semaphore, #tpu.memory_space<semaphore_mem>> -> memref<!tpu.dma_semaphore, #tpu.memory_space<semaphore_mem>>
      tpu.wait_indirect_dma semaphore(%dma_wait3A_455 : memref<!tpu.dma_semaphore, #tpu.memory_space<semaphore_mem>>) src(%dma_wait3A_447 : memref<128x16xf32, #tpu.memory_space<vmem>>) dst(%dma_wait3A_453 : memref<10240x16xf32, #tpu.memory_space<vmem_shared>>)
      %lt3A_456 = arith.constant 9 : i32
      %lt3A_457 = arith.cmpi slt, %scan3A_143, %lt3A_456 : i32
      %convert_element_type3A_458 = arith.extui %lt3A_457 : i1 to i32
      %cond3A_459 = arith.constant 0 : i32
      %cond3A_460 = arith.cmpi ne, %convert_element_type3A_458, %cond3A_459 : i32
      scf.if %cond3A_460 {
        %add3A_566 = arith.constant 8 : i32
        %add3A_567 = arith.addi %mul3A_145, %add3A_566 : i32
        %add3A_568 = arith.constant 2 : i32
        %add3A_569 = arith.addi %add3A_567, %add3A_568 : i32
        %dma_start3A_570 = arith.constant 2 : i32
        %dma_start3A_571 = arith.constant 2 : i32
        %dma_start3A_572 = arith.constant 0 : i32
        %dma_start3A_573 = arith.constant 0 : i32
        %dma_start3A_574 = tpu.memref_slice %arg8[%dma_start3A_570, %dma_start3A_572, %dma_start3A_573] : memref<8x128x16xf32, #tpu.memory_space<vmem>> -> memref<1x128x16xf32, #tpu.memory_space<vmem>>
        %dma_start3A_575 = tpu.memref_squeeze %dma_start3A_574 : memref<1x128x16xf32, #tpu.memory_space<vmem>> -> memref<128x16xf32, #tpu.memory_space<vmem>>
        %dma_start3A_576 = arith.constant 0 : i32
        %dma_start3A_577 = tpu.memref_slice %arg6[%add3A_569, %dma_start3A_576] : memref<80x128xi32, #tpu.memory_space<vmem>> -> memref<1x128xi32, #tpu.memory_space<vmem>>
        %dma_start3A_578 = tpu.memref_squeeze %dma_start3A_577 : memref<1x128xi32, #tpu.memory_space<vmem>> -> memref<128xi32, #tpu.memory_space<vmem>>
        %dma_start3A_579 = arith.constant 0 : i32
        %dma_start3A_580 = arith.constant 0 : i32
        %dma_start3A_581 = tpu.memref_slice %arg10[%dma_start3A_579, %dma_start3A_580] : memref<10240x16xf32, #tpu.memory_space<vmem_shared>> -> memref<10240x16xf32, #tpu.memory_space<vmem_shared>>
        %dma_start3A_582 = tpu.memref_slice %arg12[%dma_start3A_571] : memref<8x!tpu.dma_semaphore, #tpu.memory_space<semaphore_mem>> -> memref<1x!tpu.dma_semaphore, #tpu.memory_space<semaphore_mem>>
        %dma_start3A_583 = tpu.memref_squeeze %dma_start3A_582 : memref<1x!tpu.dma_semaphore, #tpu.memory_space<semaphore_mem>> -> memref<!tpu.dma_semaphore, #tpu.memory_space<semaphore_mem>>
        tpu.enqueue_indirect_dma source(%dma_start3A_581 : memref<10240x16xf32, #tpu.memory_space<vmem_shared>>) target(%dma_start3A_575 : memref<128x16xf32, #tpu.memory_space<vmem>>) offsets(%dma_start3A_578 : memref<128xi32, #tpu.memory_space<vmem>>) semaphore(%dma_start3A_583 : memref<!tpu.dma_semaphore, #tpu.memory_space<semaphore_mem>>)
      } else {
      }
      %add3A_461 = arith.constant 3 : i32
      %add3A_462 = arith.addi %mul3A_145, %add3A_461 : i32
      %dma_wait3A_463 = arith.constant 3 : i32
      %dma_wait3A_464 = arith.constant 3 : i32
      %dma_wait3A_465 = arith.constant 0 : i32
      %dma_wait3A_466 = arith.constant 0 : i32
      %dma_wait3A_467 = tpu.memref_slice %arg8[%dma_wait3A_463, %dma_wait3A_465, %dma_wait3A_466] : memref<8x128x16xf32, #tpu.memory_space<vmem>> -> memref<1x128x16xf32, #tpu.memory_space<vmem>>
      %dma_wait3A_468 = tpu.memref_squeeze %dma_wait3A_467 : memref<1x128x16xf32, #tpu.memory_space<vmem>> -> memref<128x16xf32, #tpu.memory_space<vmem>>
      %dma_wait3A_469 = arith.constant 0 : i32
      %dma_wait3A_470 = tpu.memref_slice %arg7[%add3A_462, %dma_wait3A_469] : memref<80x128xi32, #tpu.memory_space<vmem>> -> memref<1x128xi32, #tpu.memory_space<vmem>>
      %dma_wait3A_471 = tpu.memref_squeeze %dma_wait3A_470 : memref<1x128xi32, #tpu.memory_space<vmem>> -> memref<128xi32, #tpu.memory_space<vmem>>
      %dma_wait3A_472 = arith.constant 0 : i32
      %dma_wait3A_473 = arith.constant 0 : i32
      %dma_wait3A_474 = tpu.memref_slice %arg11[%dma_wait3A_472, %dma_wait3A_473] : memref<10240x16xf32, #tpu.memory_space<vmem_shared>> -> memref<10240x16xf32, #tpu.memory_space<vmem_shared>>
      %dma_wait3A_475 = tpu.memref_slice %arg13[%dma_wait3A_464] : memref<8x!tpu.dma_semaphore, #tpu.memory_space<semaphore_mem>> -> memref<1x!tpu.dma_semaphore, #tpu.memory_space<semaphore_mem>>
      %dma_wait3A_476 = tpu.memref_squeeze %dma_wait3A_475 : memref<1x!tpu.dma_semaphore, #tpu.memory_space<semaphore_mem>> -> memref<!tpu.dma_semaphore, #tpu.memory_space<semaphore_mem>>
      tpu.wait_indirect_dma semaphore(%dma_wait3A_476 : memref<!tpu.dma_semaphore, #tpu.memory_space<semaphore_mem>>) src(%dma_wait3A_468 : memref<128x16xf32, #tpu.memory_space<vmem>>) dst(%dma_wait3A_474 : memref<10240x16xf32, #tpu.memory_space<vmem_shared>>)
      %lt3A_477 = arith.constant 9 : i32
      %lt3A_478 = arith.cmpi slt, %scan3A_143, %lt3A_477 : i32
      %convert_element_type3A_479 = arith.extui %lt3A_478 : i1 to i32
      %cond3A_480 = arith.constant 0 : i32
      %cond3A_481 = arith.cmpi ne, %convert_element_type3A_479, %cond3A_480 : i32
      scf.if %cond3A_481 {
        %add3A_566 = arith.constant 8 : i32
        %add3A_567 = arith.addi %mul3A_145, %add3A_566 : i32
        %add3A_568 = arith.constant 3 : i32
        %add3A_569 = arith.addi %add3A_567, %add3A_568 : i32
        %dma_start3A_570 = arith.constant 3 : i32
        %dma_start3A_571 = arith.constant 3 : i32
        %dma_start3A_572 = arith.constant 0 : i32
        %dma_start3A_573 = arith.constant 0 : i32
        %dma_start3A_574 = tpu.memref_slice %arg8[%dma_start3A_570, %dma_start3A_572, %dma_start3A_573] : memref<8x128x16xf32, #tpu.memory_space<vmem>> -> memref<1x128x16xf32, #tpu.memory_space<vmem>>
        %dma_start3A_575 = tpu.memref_squeeze %dma_start3A_574 : memref<1x128x16xf32, #tpu.memory_space<vmem>> -> memref<128x16xf32, #tpu.memory_space<vmem>>
        %dma_start3A_576 = arith.constant 0 : i32
        %dma_start3A_577 = tpu.memref_slice %arg6[%add3A_569, %dma_start3A_576] : memref<80x128xi32, #tpu.memory_space<vmem>> -> memref<1x128xi32, #tpu.memory_space<vmem>>
        %dma_start3A_578 = tpu.memref_squeeze %dma_start3A_577 : memref<1x128xi32, #tpu.memory_space<vmem>> -> memref<128xi32, #tpu.memory_space<vmem>>
        %dma_start3A_579 = arith.constant 0 : i32
        %dma_start3A_580 = arith.constant 0 : i32
        %dma_start3A_581 = tpu.memref_slice %arg10[%dma_start3A_579, %dma_start3A_580] : memref<10240x16xf32, #tpu.memory_space<vmem_shared>> -> memref<10240x16xf32, #tpu.memory_space<vmem_shared>>
        %dma_start3A_582 = tpu.memref_slice %arg12[%dma_start3A_571] : memref<8x!tpu.dma_semaphore, #tpu.memory_space<semaphore_mem>> -> memref<1x!tpu.dma_semaphore, #tpu.memory_space<semaphore_mem>>
        %dma_start3A_583 = tpu.memref_squeeze %dma_start3A_582 : memref<1x!tpu.dma_semaphore, #tpu.memory_space<semaphore_mem>> -> memref<!tpu.dma_semaphore, #tpu.memory_space<semaphore_mem>>
        tpu.enqueue_indirect_dma source(%dma_start3A_581 : memref<10240x16xf32, #tpu.memory_space<vmem_shared>>) target(%dma_start3A_575 : memref<128x16xf32, #tpu.memory_space<vmem>>) offsets(%dma_start3A_578 : memref<128xi32, #tpu.memory_space<vmem>>) semaphore(%dma_start3A_583 : memref<!tpu.dma_semaphore, #tpu.memory_space<semaphore_mem>>)
      } else {
      }
      %add3A_482 = arith.constant 4 : i32
      %add3A_483 = arith.addi %mul3A_145, %add3A_482 : i32
      %dma_wait3A_484 = arith.constant 4 : i32
      %dma_wait3A_485 = arith.constant 4 : i32
      %dma_wait3A_486 = arith.constant 0 : i32
      %dma_wait3A_487 = arith.constant 0 : i32
      %dma_wait3A_488 = tpu.memref_slice %arg8[%dma_wait3A_484, %dma_wait3A_486, %dma_wait3A_487] : memref<8x128x16xf32, #tpu.memory_space<vmem>> -> memref<1x128x16xf32, #tpu.memory_space<vmem>>
      %dma_wait3A_489 = tpu.memref_squeeze %dma_wait3A_488 : memref<1x128x16xf32, #tpu.memory_space<vmem>> -> memref<128x16xf32, #tpu.memory_space<vmem>>
      %dma_wait3A_490 = arith.constant 0 : i32
      %dma_wait3A_491 = tpu.memref_slice %arg7[%add3A_483, %dma_wait3A_490] : memref<80x128xi32, #tpu.memory_space<vmem>> -> memref<1x128xi32, #tpu.memory_space<vmem>>
      %dma_wait3A_492 = tpu.memref_squeeze %dma_wait3A_491 : memref<1x128xi32, #tpu.memory_space<vmem>> -> memref<128xi32, #tpu.memory_space<vmem>>
      %dma_wait3A_493 = arith.constant 0 : i32
      %dma_wait3A_494 = arith.constant 0 : i32
      %dma_wait3A_495 = tpu.memref_slice %arg11[%dma_wait3A_493, %dma_wait3A_494] : memref<10240x16xf32, #tpu.memory_space<vmem_shared>> -> memref<10240x16xf32, #tpu.memory_space<vmem_shared>>
      %dma_wait3A_496 = tpu.memref_slice %arg13[%dma_wait3A_485] : memref<8x!tpu.dma_semaphore, #tpu.memory_space<semaphore_mem>> -> memref<1x!tpu.dma_semaphore, #tpu.memory_space<semaphore_mem>>
      %dma_wait3A_497 = tpu.memref_squeeze %dma_wait3A_496 : memref<1x!tpu.dma_semaphore, #tpu.memory_space<semaphore_mem>> -> memref<!tpu.dma_semaphore, #tpu.memory_space<semaphore_mem>>
      tpu.wait_indirect_dma semaphore(%dma_wait3A_497 : memref<!tpu.dma_semaphore, #tpu.memory_space<semaphore_mem>>) src(%dma_wait3A_489 : memref<128x16xf32, #tpu.memory_space<vmem>>) dst(%dma_wait3A_495 : memref<10240x16xf32, #tpu.memory_space<vmem_shared>>)
      %lt3A_498 = arith.constant 9 : i32
      %lt3A_499 = arith.cmpi slt, %scan3A_143, %lt3A_498 : i32
      %convert_element_type3A_500 = arith.extui %lt3A_499 : i1 to i32
      %cond3A_501 = arith.constant 0 : i32
      %cond3A_502 = arith.cmpi ne, %convert_element_type3A_500, %cond3A_501 : i32
      scf.if %cond3A_502 {
        %add3A_566 = arith.constant 8 : i32
        %add3A_567 = arith.addi %mul3A_145, %add3A_566 : i32
        %add3A_568 = arith.constant 4 : i32
        %add3A_569 = arith.addi %add3A_567, %add3A_568 : i32
        %dma_start3A_570 = arith.constant 4 : i32
        %dma_start3A_571 = arith.constant 4 : i32
        %dma_start3A_572 = arith.constant 0 : i32
        %dma_start3A_573 = arith.constant 0 : i32
        %dma_start3A_574 = tpu.memref_slice %arg8[%dma_start3A_570, %dma_start3A_572, %dma_start3A_573] : memref<8x128x16xf32, #tpu.memory_space<vmem>> -> memref<1x128x16xf32, #tpu.memory_space<vmem>>
        %dma_start3A_575 = tpu.memref_squeeze %dma_start3A_574 : memref<1x128x16xf32, #tpu.memory_space<vmem>> -> memref<128x16xf32, #tpu.memory_space<vmem>>
        %dma_start3A_576 = arith.constant 0 : i32
        %dma_start3A_577 = tpu.memref_slice %arg6[%add3A_569, %dma_start3A_576] : memref<80x128xi32, #tpu.memory_space<vmem>> -> memref<1x128xi32, #tpu.memory_space<vmem>>
        %dma_start3A_578 = tpu.memref_squeeze %dma_start3A_577 : memref<1x128xi32, #tpu.memory_space<vmem>> -> memref<128xi32, #tpu.memory_space<vmem>>
        %dma_start3A_579 = arith.constant 0 : i32
        %dma_start3A_580 = arith.constant 0 : i32
        %dma_start3A_581 = tpu.memref_slice %arg10[%dma_start3A_579, %dma_start3A_580] : memref<10240x16xf32, #tpu.memory_space<vmem_shared>> -> memref<10240x16xf32, #tpu.memory_space<vmem_shared>>
        %dma_start3A_582 = tpu.memref_slice %arg12[%dma_start3A_571] : memref<8x!tpu.dma_semaphore, #tpu.memory_space<semaphore_mem>> -> memref<1x!tpu.dma_semaphore, #tpu.memory_space<semaphore_mem>>
        %dma_start3A_583 = tpu.memref_squeeze %dma_start3A_582 : memref<1x!tpu.dma_semaphore, #tpu.memory_space<semaphore_mem>> -> memref<!tpu.dma_semaphore, #tpu.memory_space<semaphore_mem>>
        tpu.enqueue_indirect_dma source(%dma_start3A_581 : memref<10240x16xf32, #tpu.memory_space<vmem_shared>>) target(%dma_start3A_575 : memref<128x16xf32, #tpu.memory_space<vmem>>) offsets(%dma_start3A_578 : memref<128xi32, #tpu.memory_space<vmem>>) semaphore(%dma_start3A_583 : memref<!tpu.dma_semaphore, #tpu.memory_space<semaphore_mem>>)
      } else {
      }
      %add3A_503 = arith.constant 5 : i32
      %add3A_504 = arith.addi %mul3A_145, %add3A_503 : i32
      %dma_wait3A_505 = arith.constant 5 : i32
      %dma_wait3A_506 = arith.constant 5 : i32
      %dma_wait3A_507 = arith.constant 0 : i32
      %dma_wait3A_508 = arith.constant 0 : i32
      %dma_wait3A_509 = tpu.memref_slice %arg8[%dma_wait3A_505, %dma_wait3A_507, %dma_wait3A_508] : memref<8x128x16xf32, #tpu.memory_space<vmem>> -> memref<1x128x16xf32, #tpu.memory_space<vmem>>
      %dma_wait3A_510 = tpu.memref_squeeze %dma_wait3A_509 : memref<1x128x16xf32, #tpu.memory_space<vmem>> -> memref<128x16xf32, #tpu.memory_space<vmem>>
      %dma_wait3A_511 = arith.constant 0 : i32
      %dma_wait3A_512 = tpu.memref_slice %arg7[%add3A_504, %dma_wait3A_511] : memref<80x128xi32, #tpu.memory_space<vmem>> -> memref<1x128xi32, #tpu.memory_space<vmem>>
      %dma_wait3A_513 = tpu.memref_squeeze %dma_wait3A_512 : memref<1x128xi32, #tpu.memory_space<vmem>> -> memref<128xi32, #tpu.memory_space<vmem>>
      %dma_wait3A_514 = arith.constant 0 : i32
      %dma_wait3A_515 = arith.constant 0 : i32
      %dma_wait3A_516 = tpu.memref_slice %arg11[%dma_wait3A_514, %dma_wait3A_515] : memref<10240x16xf32, #tpu.memory_space<vmem_shared>> -> memref<10240x16xf32, #tpu.memory_space<vmem_shared>>
      %dma_wait3A_517 = tpu.memref_slice %arg13[%dma_wait3A_506] : memref<8x!tpu.dma_semaphore, #tpu.memory_space<semaphore_mem>> -> memref<1x!tpu.dma_semaphore, #tpu.memory_space<semaphore_mem>>
      %dma_wait3A_518 = tpu.memref_squeeze %dma_wait3A_517 : memref<1x!tpu.dma_semaphore, #tpu.memory_space<semaphore_mem>> -> memref<!tpu.dma_semaphore, #tpu.memory_space<semaphore_mem>>
      tpu.wait_indirect_dma semaphore(%dma_wait3A_518 : memref<!tpu.dma_semaphore, #tpu.memory_space<semaphore_mem>>) src(%dma_wait3A_510 : memref<128x16xf32, #tpu.memory_space<vmem>>) dst(%dma_wait3A_516 : memref<10240x16xf32, #tpu.memory_space<vmem_shared>>)
      %lt3A_519 = arith.constant 9 : i32
      %lt3A_520 = arith.cmpi slt, %scan3A_143, %lt3A_519 : i32
      %convert_element_type3A_521 = arith.extui %lt3A_520 : i1 to i32
      %cond3A_522 = arith.constant 0 : i32
      %cond3A_523 = arith.cmpi ne, %convert_element_type3A_521, %cond3A_522 : i32
      scf.if %cond3A_523 {
        %add3A_566 = arith.constant 8 : i32
        %add3A_567 = arith.addi %mul3A_145, %add3A_566 : i32
        %add3A_568 = arith.constant 5 : i32
        %add3A_569 = arith.addi %add3A_567, %add3A_568 : i32
        %dma_start3A_570 = arith.constant 5 : i32
        %dma_start3A_571 = arith.constant 5 : i32
        %dma_start3A_572 = arith.constant 0 : i32
        %dma_start3A_573 = arith.constant 0 : i32
        %dma_start3A_574 = tpu.memref_slice %arg8[%dma_start3A_570, %dma_start3A_572, %dma_start3A_573] : memref<8x128x16xf32, #tpu.memory_space<vmem>> -> memref<1x128x16xf32, #tpu.memory_space<vmem>>
        %dma_start3A_575 = tpu.memref_squeeze %dma_start3A_574 : memref<1x128x16xf32, #tpu.memory_space<vmem>> -> memref<128x16xf32, #tpu.memory_space<vmem>>
        %dma_start3A_576 = arith.constant 0 : i32
        %dma_start3A_577 = tpu.memref_slice %arg6[%add3A_569, %dma_start3A_576] : memref<80x128xi32, #tpu.memory_space<vmem>> -> memref<1x128xi32, #tpu.memory_space<vmem>>
        %dma_start3A_578 = tpu.memref_squeeze %dma_start3A_577 : memref<1x128xi32, #tpu.memory_space<vmem>> -> memref<128xi32, #tpu.memory_space<vmem>>
        %dma_start3A_579 = arith.constant 0 : i32
        %dma_start3A_580 = arith.constant 0 : i32
        %dma_start3A_581 = tpu.memref_slice %arg10[%dma_start3A_579, %dma_start3A_580] : memref<10240x16xf32, #tpu.memory_space<vmem_shared>> -> memref<10240x16xf32, #tpu.memory_space<vmem_shared>>
        %dma_start3A_582 = tpu.memref_slice %arg12[%dma_start3A_571] : memref<8x!tpu.dma_semaphore, #tpu.memory_space<semaphore_mem>> -> memref<1x!tpu.dma_semaphore, #tpu.memory_space<semaphore_mem>>
        %dma_start3A_583 = tpu.memref_squeeze %dma_start3A_582 : memref<1x!tpu.dma_semaphore, #tpu.memory_space<semaphore_mem>> -> memref<!tpu.dma_semaphore, #tpu.memory_space<semaphore_mem>>
        tpu.enqueue_indirect_dma source(%dma_start3A_581 : memref<10240x16xf32, #tpu.memory_space<vmem_shared>>) target(%dma_start3A_575 : memref<128x16xf32, #tpu.memory_space<vmem>>) offsets(%dma_start3A_578 : memref<128xi32, #tpu.memory_space<vmem>>) semaphore(%dma_start3A_583 : memref<!tpu.dma_semaphore, #tpu.memory_space<semaphore_mem>>)
      } else {
      }
      %add3A_524 = arith.constant 6 : i32
      %add3A_525 = arith.addi %mul3A_145, %add3A_524 : i32
      %dma_wait3A_526 = arith.constant 6 : i32
      %dma_wait3A_527 = arith.constant 6 : i32
      %dma_wait3A_528 = arith.constant 0 : i32
      %dma_wait3A_529 = arith.constant 0 : i32
      %dma_wait3A_530 = tpu.memref_slice %arg8[%dma_wait3A_526, %dma_wait3A_528, %dma_wait3A_529] : memref<8x128x16xf32, #tpu.memory_space<vmem>> -> memref<1x128x16xf32, #tpu.memory_space<vmem>>
      %dma_wait3A_531 = tpu.memref_squeeze %dma_wait3A_530 : memref<1x128x16xf32, #tpu.memory_space<vmem>> -> memref<128x16xf32, #tpu.memory_space<vmem>>
      %dma_wait3A_532 = arith.constant 0 : i32
      %dma_wait3A_533 = tpu.memref_slice %arg7[%add3A_525, %dma_wait3A_532] : memref<80x128xi32, #tpu.memory_space<vmem>> -> memref<1x128xi32, #tpu.memory_space<vmem>>
      %dma_wait3A_534 = tpu.memref_squeeze %dma_wait3A_533 : memref<1x128xi32, #tpu.memory_space<vmem>> -> memref<128xi32, #tpu.memory_space<vmem>>
      %dma_wait3A_535 = arith.constant 0 : i32
      %dma_wait3A_536 = arith.constant 0 : i32
      %dma_wait3A_537 = tpu.memref_slice %arg11[%dma_wait3A_535, %dma_wait3A_536] : memref<10240x16xf32, #tpu.memory_space<vmem_shared>> -> memref<10240x16xf32, #tpu.memory_space<vmem_shared>>
      %dma_wait3A_538 = tpu.memref_slice %arg13[%dma_wait3A_527] : memref<8x!tpu.dma_semaphore, #tpu.memory_space<semaphore_mem>> -> memref<1x!tpu.dma_semaphore, #tpu.memory_space<semaphore_mem>>
      %dma_wait3A_539 = tpu.memref_squeeze %dma_wait3A_538 : memref<1x!tpu.dma_semaphore, #tpu.memory_space<semaphore_mem>> -> memref<!tpu.dma_semaphore, #tpu.memory_space<semaphore_mem>>
      tpu.wait_indirect_dma semaphore(%dma_wait3A_539 : memref<!tpu.dma_semaphore, #tpu.memory_space<semaphore_mem>>) src(%dma_wait3A_531 : memref<128x16xf32, #tpu.memory_space<vmem>>) dst(%dma_wait3A_537 : memref<10240x16xf32, #tpu.memory_space<vmem_shared>>)
      %lt3A_540 = arith.constant 9 : i32
      %lt3A_541 = arith.cmpi slt, %scan3A_143, %lt3A_540 : i32
      %convert_element_type3A_542 = arith.extui %lt3A_541 : i1 to i32
      %cond3A_543 = arith.constant 0 : i32
      %cond3A_544 = arith.cmpi ne, %convert_element_type3A_542, %cond3A_543 : i32
      scf.if %cond3A_544 {
        %add3A_566 = arith.constant 8 : i32
        %add3A_567 = arith.addi %mul3A_145, %add3A_566 : i32
        %add3A_568 = arith.constant 6 : i32
        %add3A_569 = arith.addi %add3A_567, %add3A_568 : i32
        %dma_start3A_570 = arith.constant 6 : i32
        %dma_start3A_571 = arith.constant 6 : i32
        %dma_start3A_572 = arith.constant 0 : i32
        %dma_start3A_573 = arith.constant 0 : i32
        %dma_start3A_574 = tpu.memref_slice %arg8[%dma_start3A_570, %dma_start3A_572, %dma_start3A_573] : memref<8x128x16xf32, #tpu.memory_space<vmem>> -> memref<1x128x16xf32, #tpu.memory_space<vmem>>
        %dma_start3A_575 = tpu.memref_squeeze %dma_start3A_574 : memref<1x128x16xf32, #tpu.memory_space<vmem>> -> memref<128x16xf32, #tpu.memory_space<vmem>>
        %dma_start3A_576 = arith.constant 0 : i32
        %dma_start3A_577 = tpu.memref_slice %arg6[%add3A_569, %dma_start3A_576] : memref<80x128xi32, #tpu.memory_space<vmem>> -> memref<1x128xi32, #tpu.memory_space<vmem>>
        %dma_start3A_578 = tpu.memref_squeeze %dma_start3A_577 : memref<1x128xi32, #tpu.memory_space<vmem>> -> memref<128xi32, #tpu.memory_space<vmem>>
        %dma_start3A_579 = arith.constant 0 : i32
        %dma_start3A_580 = arith.constant 0 : i32
        %dma_start3A_581 = tpu.memref_slice %arg10[%dma_start3A_579, %dma_start3A_580] : memref<10240x16xf32, #tpu.memory_space<vmem_shared>> -> memref<10240x16xf32, #tpu.memory_space<vmem_shared>>
        %dma_start3A_582 = tpu.memref_slice %arg12[%dma_start3A_571] : memref<8x!tpu.dma_semaphore, #tpu.memory_space<semaphore_mem>> -> memref<1x!tpu.dma_semaphore, #tpu.memory_space<semaphore_mem>>
        %dma_start3A_583 = tpu.memref_squeeze %dma_start3A_582 : memref<1x!tpu.dma_semaphore, #tpu.memory_space<semaphore_mem>> -> memref<!tpu.dma_semaphore, #tpu.memory_space<semaphore_mem>>
        tpu.enqueue_indirect_dma source(%dma_start3A_581 : memref<10240x16xf32, #tpu.memory_space<vmem_shared>>) target(%dma_start3A_575 : memref<128x16xf32, #tpu.memory_space<vmem>>) offsets(%dma_start3A_578 : memref<128xi32, #tpu.memory_space<vmem>>) semaphore(%dma_start3A_583 : memref<!tpu.dma_semaphore, #tpu.memory_space<semaphore_mem>>)
      } else {
      }
      %add3A_545 = arith.constant 7 : i32
      %add3A_546 = arith.addi %mul3A_145, %add3A_545 : i32
      %dma_wait3A_547 = arith.constant 7 : i32
      %dma_wait3A_548 = arith.constant 7 : i32
      %dma_wait3A_549 = arith.constant 0 : i32
      %dma_wait3A_550 = arith.constant 0 : i32
      %dma_wait3A_551 = tpu.memref_slice %arg8[%dma_wait3A_547, %dma_wait3A_549, %dma_wait3A_550] : memref<8x128x16xf32, #tpu.memory_space<vmem>> -> memref<1x128x16xf32, #tpu.memory_space<vmem>>
      %dma_wait3A_552 = tpu.memref_squeeze %dma_wait3A_551 : memref<1x128x16xf32, #tpu.memory_space<vmem>> -> memref<128x16xf32, #tpu.memory_space<vmem>>
      %dma_wait3A_553 = arith.constant 0 : i32
      %dma_wait3A_554 = tpu.memref_slice %arg7[%add3A_546, %dma_wait3A_553] : memref<80x128xi32, #tpu.memory_space<vmem>> -> memref<1x128xi32, #tpu.memory_space<vmem>>
      %dma_wait3A_555 = tpu.memref_squeeze %dma_wait3A_554 : memref<1x128xi32, #tpu.memory_space<vmem>> -> memref<128xi32, #tpu.memory_space<vmem>>
      %dma_wait3A_556 = arith.constant 0 : i32
      %dma_wait3A_557 = arith.constant 0 : i32
      %dma_wait3A_558 = tpu.memref_slice %arg11[%dma_wait3A_556, %dma_wait3A_557] : memref<10240x16xf32, #tpu.memory_space<vmem_shared>> -> memref<10240x16xf32, #tpu.memory_space<vmem_shared>>
      %dma_wait3A_559 = tpu.memref_slice %arg13[%dma_wait3A_548] : memref<8x!tpu.dma_semaphore, #tpu.memory_space<semaphore_mem>> -> memref<1x!tpu.dma_semaphore, #tpu.memory_space<semaphore_mem>>
      %dma_wait3A_560 = tpu.memref_squeeze %dma_wait3A_559 : memref<1x!tpu.dma_semaphore, #tpu.memory_space<semaphore_mem>> -> memref<!tpu.dma_semaphore, #tpu.memory_space<semaphore_mem>>
      tpu.wait_indirect_dma semaphore(%dma_wait3A_560 : memref<!tpu.dma_semaphore, #tpu.memory_space<semaphore_mem>>) src(%dma_wait3A_552 : memref<128x16xf32, #tpu.memory_space<vmem>>) dst(%dma_wait3A_558 : memref<10240x16xf32, #tpu.memory_space<vmem_shared>>)
      %lt3A_561 = arith.constant 9 : i32
      %lt3A_562 = arith.cmpi slt, %scan3A_143, %lt3A_561 : i32
      %convert_element_type3A_563 = arith.extui %lt3A_562 : i1 to i32
      %cond3A_564 = arith.constant 0 : i32
      %cond3A_565 = arith.cmpi ne, %convert_element_type3A_563, %cond3A_564 : i32
      scf.if %cond3A_565 {
        %add3A_566 = arith.constant 8 : i32
        %add3A_567 = arith.addi %mul3A_145, %add3A_566 : i32
        %add3A_568 = arith.constant 7 : i32
        %add3A_569 = arith.addi %add3A_567, %add3A_568 : i32
        %dma_start3A_570 = arith.constant 7 : i32
        %dma_start3A_571 = arith.constant 7 : i32
        %dma_start3A_572 = arith.constant 0 : i32
        %dma_start3A_573 = arith.constant 0 : i32
        %dma_start3A_574 = tpu.memref_slice %arg8[%dma_start3A_570, %dma_start3A_572, %dma_start3A_573] : memref<8x128x16xf32, #tpu.memory_space<vmem>> -> memref<1x128x16xf32, #tpu.memory_space<vmem>>
        %dma_start3A_575 = tpu.memref_squeeze %dma_start3A_574 : memref<1x128x16xf32, #tpu.memory_space<vmem>> -> memref<128x16xf32, #tpu.memory_space<vmem>>
        %dma_start3A_576 = arith.constant 0 : i32
        %dma_start3A_577 = tpu.memref_slice %arg6[%add3A_569, %dma_start3A_576] : memref<80x128xi32, #tpu.memory_space<vmem>> -> memref<1x128xi32, #tpu.memory_space<vmem>>
        %dma_start3A_578 = tpu.memref_squeeze %dma_start3A_577 : memref<1x128xi32, #tpu.memory_space<vmem>> -> memref<128xi32, #tpu.memory_space<vmem>>
        %dma_start3A_579 = arith.constant 0 : i32
        %dma_start3A_580 = arith.constant 0 : i32
        %dma_start3A_581 = tpu.memref_slice %arg10[%dma_start3A_579, %dma_start3A_580] : memref<10240x16xf32, #tpu.memory_space<vmem_shared>> -> memref<10240x16xf32, #tpu.memory_space<vmem_shared>>
        %dma_start3A_582 = tpu.memref_slice %arg12[%dma_start3A_571] : memref<8x!tpu.dma_semaphore, #tpu.memory_space<semaphore_mem>> -> memref<1x!tpu.dma_semaphore, #tpu.memory_space<semaphore_mem>>
        %dma_start3A_583 = tpu.memref_squeeze %dma_start3A_582 : memref<1x!tpu.dma_semaphore, #tpu.memory_space<semaphore_mem>> -> memref<!tpu.dma_semaphore, #tpu.memory_space<semaphore_mem>>
        tpu.enqueue_indirect_dma source(%dma_start3A_581 : memref<10240x16xf32, #tpu.memory_space<vmem_shared>>) target(%dma_start3A_575 : memref<128x16xf32, #tpu.memory_space<vmem>>) offsets(%dma_start3A_578 : memref<128xi32, #tpu.memory_space<vmem>>) semaphore(%dma_start3A_583 : memref<!tpu.dma_semaphore, #tpu.memory_space<semaphore_mem>>)
      } else {
      }
    }
    %scan3A_137 = arith.constant 10 : i32
    %barrier3A_138 = arith.constant 0 : index
    tpu.barrier barrier_id(%barrier3A_138)
    %mul3A_139 = arith.constant 640 : i32
    %mul3A_140 = arith.muli %arg1, %mul3A_139 : i32
    "tpu.region"() ({
      %run_scoped3A = tpu.sem_alloc : memref<!tpu.dma_semaphore, #tpu.memory_space<semaphore_mem>>
      %dma_start3A_143 = arith.constant 0 : i32
      %dma_start3A_144 = tpu.memref_slice %arg11[%mul3A_140, %dma_start3A_143] : memref<10240x16xf32, #tpu.memory_space<vmem_shared>> -> memref<640x16xf32, #tpu.memory_space<vmem_shared>>
      %dma_start3A_145 = arith.constant 0 : i32
      %dma_start3A_146 = tpu.memref_slice %arg11[%mul3A_140, %dma_start3A_145] : memref<10240x16xf32, #tpu.memory_space<vmem_shared>> -> memref<640x16xf32, #tpu.memory_space<vmem_shared>>
      tpu.enqueue_dma source(%dma_start3A_146 : memref<640x16xf32, #tpu.memory_space<vmem_shared>>) target(%arg9 : memref<640x16xf32, #tpu.memory_space<vmem>>) target_semaphore(%run_scoped3A : memref<!tpu.dma_semaphore, #tpu.memory_space<semaphore_mem>>)
      %dma_wait3A = arith.constant 0 : i32
      %dma_wait3A_147 = tpu.memref_slice %arg11[%mul3A_140, %dma_wait3A] : memref<10240x16xf32, #tpu.memory_space<vmem_shared>> -> memref<640x16xf32, #tpu.memory_space<vmem_shared>>
      %dma_wait3A_148 = arith.constant 0 : i32
      %dma_wait3A_149 = tpu.memref_slice %arg11[%mul3A_140, %dma_wait3A_148] : memref<10240x16xf32, #tpu.memory_space<vmem_shared>> -> memref<640x16xf32, #tpu.memory_space<vmem_shared>>
      tpu.wait_dma2 semaphore(%run_scoped3A : memref<!tpu.dma_semaphore, #tpu.memory_space<semaphore_mem>>) src(%dma_wait3A_149 : memref<640x16xf32, #tpu.memory_space<vmem_shared>>) dst(%arg9 : memref<640x16xf32, #tpu.memory_space<vmem>>)
      tpu.yield
    }) : () -> ()
    %mul3A_141 = arith.constant 640 : i32
    %mul3A_142 = arith.muli %arg1, %mul3A_141 : i32
    "tpu.region"() ({
      %run_scoped3A = tpu.sem_alloc : memref<!tpu.dma_semaphore, #tpu.memory_space<semaphore_mem>>
      %dma_start3A_143 = arith.constant 0 : i32
      %dma_start3A_144 = tpu.memref_slice %arg5[%arg0, %mul3A_142, %dma_start3A_143] : memref<2x10240x16xf32, #tpu.memory_space<hbm>> -> memref<1x640x16xf32, #tpu.memory_space<hbm>>
      %dma_start3A_145 = tpu.memref_squeeze %dma_start3A_144 : memref<1x640x16xf32, #tpu.memory_space<hbm>> -> memref<640x16xf32, #tpu.memory_space<hbm>>
      %dma_start3A_146 = arith.constant 0 : i32
      %dma_start3A_147 = tpu.memref_slice %arg5[%arg0, %mul3A_142, %dma_start3A_146] : memref<2x10240x16xf32, #tpu.memory_space<hbm>> -> memref<1x640x16xf32, #tpu.memory_space<hbm>>
      %dma_start3A_148 = tpu.memref_squeeze %dma_start3A_147 : memref<1x640x16xf32, #tpu.memory_space<hbm>> -> memref<640x16xf32, #tpu.memory_space<hbm>>
      tpu.enqueue_dma source(%arg9 : memref<640x16xf32, #tpu.memory_space<vmem>>) target(%dma_start3A_148 : memref<640x16xf32, #tpu.memory_space<hbm>>) target_semaphore(%run_scoped3A : memref<!tpu.dma_semaphore, #tpu.memory_space<semaphore_mem>>)
      %dma_wait3A = arith.constant 0 : i32
      %dma_wait3A_149 = tpu.memref_slice %arg5[%arg0, %mul3A_142, %dma_wait3A] : memref<2x10240x16xf32, #tpu.memory_space<hbm>> -> memref<1x640x16xf32, #tpu.memory_space<hbm>>
      %dma_wait3A_150 = tpu.memref_squeeze %dma_wait3A_149 : memref<1x640x16xf32, #tpu.memory_space<hbm>> -> memref<640x16xf32, #tpu.memory_space<hbm>>
      %dma_wait3A_151 = arith.constant 0 : i32
      %dma_wait3A_152 = tpu.memref_slice %arg5[%arg0, %mul3A_142, %dma_wait3A_151] : memref<2x10240x16xf32, #tpu.memory_space<hbm>> -> memref<1x640x16xf32, #tpu.memory_space<hbm>>
      %dma_wait3A_153 = tpu.memref_squeeze %dma_wait3A_152 : memref<1x640x16xf32, #tpu.memory_space<hbm>> -> memref<640x16xf32, #tpu.memory_space<hbm>>
      tpu.wait_dma2 semaphore(%run_scoped3A : memref<!tpu.dma_semaphore, #tpu.memory_space<semaphore_mem>>) src(%arg9 : memref<640x16xf32, #tpu.memory_space<vmem>>) dst(%dma_wait3A_153 : memref<640x16xf32, #tpu.memory_space<hbm>>)
      tpu.yield
    }) : () -> ()
    return
  }
}

#map = affine_map<(d0, d1) -> (0, 0)>
module attributes {stable_mosaic.version = 14 : i64} {
  func.func @_deg_body(%arg0: i32, %arg1: i32, %arg2: memref<32x10240xi32, #tpu.memory_space<hbm>>, %arg3: memref<32x10240xf32, #tpu.memory_space<hbm>>, %arg4: memref<10240xi32, #tpu.memory_space<vmem>>, %arg5: memref<10240xf32, #tpu.memory_space<vmem>>) attributes {dimension_semantics = [#tpu.dimension_semantics<core_parallel>, #tpu.dimension_semantics<subcore_parallel>], iteration_bounds = array<i64: 2, 16>, scalar_prefetch = 0 : i64, scratch_operands = 2 : i64, tpu.core_type = #tpu.core_type<sc_vector_subcore>, window_params = [{transform_indices = #map}, {transform_indices = #map}]} {
    %mul3A = arith.constant 16 : i32
    %mul3A_0 = arith.muli %arg0, %mul3A : i32
    %add3A = arith.addi %mul3A_0, %arg1 : i32
    "tpu.region"() ({
      %run_scoped3A = tpu.sem_alloc : memref<!tpu.dma_semaphore, #tpu.memory_space<semaphore_mem>>
      %dma_start3A = arith.constant 0 : i32
      %dma_start3A_15 = tpu.memref_slice %arg2[%add3A, %dma_start3A] : memref<32x10240xi32, #tpu.memory_space<hbm>> -> memref<1x10240xi32, #tpu.memory_space<hbm>>
      %dma_start3A_16 = tpu.memref_squeeze %dma_start3A_15 : memref<1x10240xi32, #tpu.memory_space<hbm>> -> memref<10240xi32, #tpu.memory_space<hbm>>
      %dma_start3A_17 = arith.constant 0 : i32
      %dma_start3A_18 = tpu.memref_slice %arg2[%add3A, %dma_start3A_17] : memref<32x10240xi32, #tpu.memory_space<hbm>> -> memref<1x10240xi32, #tpu.memory_space<hbm>>
      %dma_start3A_19 = tpu.memref_squeeze %dma_start3A_18 : memref<1x10240xi32, #tpu.memory_space<hbm>> -> memref<10240xi32, #tpu.memory_space<hbm>>
      tpu.enqueue_dma source(%dma_start3A_19 : memref<10240xi32, #tpu.memory_space<hbm>>) target(%arg4 : memref<10240xi32, #tpu.memory_space<vmem>>) target_semaphore(%run_scoped3A : memref<!tpu.dma_semaphore, #tpu.memory_space<semaphore_mem>>)
      %dma_wait3A = arith.constant 0 : i32
      %dma_wait3A_20 = tpu.memref_slice %arg2[%add3A, %dma_wait3A] : memref<32x10240xi32, #tpu.memory_space<hbm>> -> memref<1x10240xi32, #tpu.memory_space<hbm>>
      %dma_wait3A_21 = tpu.memref_squeeze %dma_wait3A_20 : memref<1x10240xi32, #tpu.memory_space<hbm>> -> memref<10240xi32, #tpu.memory_space<hbm>>
      %dma_wait3A_22 = arith.constant 0 : i32
      %dma_wait3A_23 = tpu.memref_slice %arg2[%add3A, %dma_wait3A_22] : memref<32x10240xi32, #tpu.memory_space<hbm>> -> memref<1x10240xi32, #tpu.memory_space<hbm>>
      %dma_wait3A_24 = tpu.memref_squeeze %dma_wait3A_23 : memref<1x10240xi32, #tpu.memory_space<hbm>> -> memref<10240xi32, #tpu.memory_space<hbm>>
      tpu.wait_dma2 semaphore(%run_scoped3A : memref<!tpu.dma_semaphore, #tpu.memory_space<semaphore_mem>>) src(%dma_wait3A_24 : memref<10240xi32, #tpu.memory_space<hbm>>) dst(%arg4 : memref<10240xi32, #tpu.memory_space<vmem>>)
      tpu.yield
    }) : () -> ()
    %broadcast_in_dim3A = arith.constant 0.000000e+00 : f32
    %broadcast_in_dim3A_1 = vector.broadcast %broadcast_in_dim3A : f32 to vector<16xf32>
    %broadcast_in_dim3A_2 = arith.constant 1.000000e+00 : f32
    %broadcast_in_dim3A_3 = vector.broadcast %broadcast_in_dim3A_2 : f32 to vector<16xf32>
    %scan3A = arith.constant 0 : i32
    %scan3A_4 = arith.constant 0 : i32
    %scan3A_5 = arith.constant 640 : i32
    %scan3A_6 = arith.addi %scan3A_4, %scan3A_5 : i32
    %scan3A_7 = arith.constant 1 : i32
    scf.for %scan3A_15 = %scan3A_4 to %scan3A_6 step %scan3A_7  : i32 {
      %mul3A_16 = arith.constant 16 : i32
      %mul3A_17 = arith.muli %scan3A_15, %mul3A_16 : i32
      %swap3A = arith.index_cast %mul3A_17 : i32 to index
      %swap3A_18 = tpu.vector_load %arg5[%swap3A] {strides = array<i32>} : memref<10240xf32, #tpu.memory_space<vmem>>, vector<16xf32>,
      tpu.vector_store %arg5[%swap3A], %broadcast_in_dim3A_1 {strides = array<i32>} : memref<10240xf32, #tpu.memory_space<vmem>>, vector<16xf32>,
    }
    %scan3A_8 = arith.constant 640 : i32
    %scan3A_9 = arith.constant 0 : i32
    %scan3A_10 = arith.constant 0 : i32
    %scan3A_11 = arith.constant 640 : i32
    %scan3A_12 = arith.addi %scan3A_10, %scan3A_11 : i32
    %scan3A_13 = arith.constant 1 : i32
    scf.for %scan3A_15 = %scan3A_10 to %scan3A_12 step %scan3A_13  : i32 {
      %mul3A_16 = arith.constant 16 : i32
      %mul3A_17 = arith.muli %scan3A_15, %mul3A_16 : i32
      %get3A = arith.index_cast %mul3A_17 : i32 to index
      %get3A_18 = tpu.vector_load %arg4[%get3A] {strides = array<i32>} : memref<10240xi32, #tpu.memory_space<vmem>>, vector<16xi32>,
      tpu.vector_store_idx %arg5[%get3A_18], %broadcast_in_dim3A_3 {add = true} : memref<10240xf32, #tpu.memory_space<vmem>>[vector<16xi32>], vector<16xf32>,
    }
    %scan3A_14 = arith.constant 640 : i32
    "tpu.region"() ({
      %run_scoped3A = tpu.sem_alloc : memref<!tpu.dma_semaphore, #tpu.memory_space<semaphore_mem>>
      %dma_start3A = arith.constant 0 : i32
      %dma_start3A_15 = tpu.memref_slice %arg3[%add3A, %dma_start3A] : memref<32x10240xf32, #tpu.memory_space<hbm>> -> memref<1x10240xf32, #tpu.memory_space<hbm>>
      %dma_start3A_16 = tpu.memref_squeeze %dma_start3A_15 : memref<1x10240xf32, #tpu.memory_space<hbm>> -> memref<10240xf32, #tpu.memory_space<hbm>>
      %dma_start3A_17 = arith.constant 0 : i32
      %dma_start3A_18 = tpu.memref_slice %arg3[%add3A, %dma_start3A_17] : memref<32x10240xf32, #tpu.memory_space<hbm>> -> memref<1x10240xf32, #tpu.memory_space<hbm>>
      %dma_start3A_19 = tpu.memref_squeeze %dma_start3A_18 : memref<1x10240xf32, #tpu.memory_space<hbm>> -> memref<10240xf32, #tpu.memory_space<hbm>>
      tpu.enqueue_dma source(%arg5 : memref<10240xf32, #tpu.memory_space<vmem>>) target(%dma_start3A_19 : memref<10240xf32, #tpu.memory_space<hbm>>) target_semaphore(%run_scoped3A : memref<!tpu.dma_semaphore, #tpu.memory_space<semaphore_mem>>)
      %dma_wait3A = arith.constant 0 : i32
      %dma_wait3A_20 = tpu.memref_slice %arg3[%add3A, %dma_wait3A] : memref<32x10240xf32, #tpu.memory_space<hbm>> -> memref<1x10240xf32, #tpu.memory_space<hbm>>
      %dma_wait3A_21 = tpu.memref_squeeze %dma_wait3A_20 : memref<1x10240xf32, #tpu.memory_space<hbm>> -> memref<10240xf32, #tpu.memory_space<hbm>>
      %dma_wait3A_22 = arith.constant 0 : i32
      %dma_wait3A_23 = tpu.memref_slice %arg3[%add3A, %dma_wait3A_22] : memref<32x10240xf32, #tpu.memory_space<hbm>> -> memref<1x10240xf32, #tpu.memory_space<hbm>>
      %dma_wait3A_24 = tpu.memref_squeeze %dma_wait3A_23 : memref<1x10240xf32, #tpu.memory_space<hbm>> -> memref<10240xf32, #tpu.memory_space<hbm>>
      tpu.wait_dma2 semaphore(%run_scoped3A : memref<!tpu.dma_semaphore, #tpu.memory_space<semaphore_mem>>) src(%arg5 : memref<10240xf32, #tpu.memory_space<vmem>>) dst(%dma_wait3A_24 : memref<10240xf32, #tpu.memory_space<hbm>>)
      tpu.yield
    }) : () -> ()
    return
  }
}

#map = affine_map<(d0, d1) -> (0, 0)>
#map1 = affine_map<(d0, d1) -> (0, 0, 0)>
module attributes {stable_mosaic.version = 14 : i64} {
  func.func @_agg_body(%arg0: i32, %arg1: i32, %arg2: memref<10240x16xf32, #tpu.memory_space<hbm>>, %arg3: memref<32x80x128xi32, #tpu.memory_space<hbm>>, %arg4: memref<32x80x128xi32, #tpu.memory_space<hbm>>, %arg5: memref<2x10240x16xf32, #tpu.memory_space<hbm>>, %arg6: memref<80x128xi32, #tpu.memory_space<vmem>>, %arg7: memref<80x128xi32, #tpu.memory_space<vmem>>, %arg8: memref<8x128x16xf32, #tpu.memory_space<vmem>>, %arg9: memref<640x16xf32, #tpu.memory_space<vmem>>, %arg10: memref<10240x16xf32, #tpu.memory_space<vmem_shared>>, %arg11: memref<10240x16xf32, #tpu.memory_space<vmem_shared>>, %arg12: memref<8x!tpu.dma_semaphore, #tpu.memory_space<semaphore_mem>>, %arg13: memref<8x!tpu.dma_semaphore, #tpu.memory_space<semaphore_mem>>) attributes {dimension_semantics = [#tpu.dimension_semantics<core_parallel>, #tpu.dimension_semantics<subcore_parallel>], iteration_bounds = array<i64: 2, 16>, scalar_prefetch = 0 : i64, scratch_operands = 8 : i64, tpu.core_type = #tpu.core_type<sc_vector_subcore>, window_params = [{transform_indices = #map}, {transform_indices = #map1}, {transform_indices = #map1}, {transform_indices = #map1}]} {
    %mul3A = arith.constant 16 : i32
    %mul3A_0 = arith.muli %arg0, %mul3A : i32
    %add3A = arith.addi %mul3A_0, %arg1 : i32
    %mul3A_1 = arith.constant 640 : i32
    %mul3A_2 = arith.muli %arg1, %mul3A_1 : i32
    %mul3A_3 = arith.constant 640 : i32
    %mul3A_4 = arith.muli %arg1, %mul3A_3 : i32
    "tpu.region"() ({
      %run_scoped3A = tpu.sem_alloc : memref<!tpu.dma_semaphore, #tpu.memory_space<semaphore_mem>>
      %dma_start3A_143 = arith.constant 0 : i32
      %dma_start3A_144 = tpu.memref_slice %arg10[%mul3A_4, %dma_start3A_143] : memref<10240x16xf32, #tpu.memory_space<vmem_shared>> -> memref<640x16xf32, #tpu.memory_space<vmem_shared>>
      %dma_start3A_145 = arith.constant 0 : i32
      %dma_start3A_146 = tpu.memref_slice %arg2[%mul3A_2, %dma_start3A_145] : memref<10240x16xf32, #tpu.memory_space<hbm>> -> memref<640x16xf32, #tpu.memory_space<hbm>>
      tpu.enqueue_dma source(%dma_start3A_146 : memref<640x16xf32, #tpu.memory_space<hbm>>) target(%dma_start3A_144 : memref<640x16xf32, #tpu.memory_space<vmem_shared>>) target_semaphore(%run_scoped3A : memref<!tpu.dma_semaphore, #tpu.memory_space<semaphore_mem>>)
      %dma_wait3A = arith.constant 0 : i32
      %dma_wait3A_147 = tpu.memref_slice %arg10[%mul3A_4, %dma_wait3A] : memref<10240x16xf32, #tpu.memory_space<vmem_shared>> -> memref<640x16xf32, #tpu.memory_space<vmem_shared>>
      %dma_wait3A_148 = arith.constant 0 : i32
      %dma_wait3A_149 = tpu.memref_slice %arg2[%mul3A_2, %dma_wait3A_148] : memref<10240x16xf32, #tpu.memory_space<hbm>> -> memref<640x16xf32, #tpu.memory_space<hbm>>
      tpu.wait_dma2 semaphore(%run_scoped3A : memref<!tpu.dma_semaphore, #tpu.memory_space<semaphore_mem>>) src(%dma_wait3A_149 : memref<640x16xf32, #tpu.memory_space<hbm>>) dst(%dma_wait3A_147 : memref<640x16xf32, #tpu.memory_space<vmem_shared>>)
      tpu.yield
    }) : () -> ()
    %broadcast_in_dim3A = arith.constant 0.000000e+00 : f32
    %broadcast_in_dim3A_5 = vector.broadcast %broadcast_in_dim3A : f32 to vector<16xf32>
    %scan3A = arith.constant 0 : i32
    %scan3A_6 = arith.constant 0 : i32
    %scan3A_7 = arith.constant 640 : i32
    %scan3A_8 = arith.addi %scan3A_6, %scan3A_7 : i32
    %scan3A_9 = arith.constant 1 : i32
    scf.for %scan3A_143 = %scan3A_6 to %scan3A_8 step %scan3A_9  : i32 {
      %swap3A = arith.index_cast %scan3A_143 : i32 to index
      %swap3A_144 = arith.constant 0 : index
      %swap3A_145 = tpu.vector_load %arg9[%swap3A, %swap3A_144] {strides = array<i32>} : memref<640x16xf32, #tpu.memory_space<vmem>>, vector<16xf32>,
      tpu.vector_store %arg9[%swap3A, %swap3A_144], %broadcast_in_dim3A_5 {strides = array<i32>} : memref<640x16xf32, #tpu.memory_space<vmem>>, vector<16xf32>,
    }
    %scan3A_10 = arith.constant 640 : i32
    %mul3A_11 = arith.constant 640 : i32
    %mul3A_12 = arith.muli %arg1, %mul3A_11 : i32
    "tpu.region"() ({
      %run_scoped3A = tpu.sem_alloc : memref<!tpu.dma_semaphore, #tpu.memory_space<semaphore_mem>>
      %dma_start3A_143 = arith.constant 0 : i32
      %dma_start3A_144 = tpu.memref_slice %arg11[%mul3A_12, %dma_start3A_143] : memref<10240x16xf32, #tpu.memory_space<vmem_shared>> -> memref<640x16xf32, #tpu.memory_space<vmem_shared>>
      %dma_start3A_145 = arith.constant 0 : i32
      %dma_start3A_146 = tpu.memref_slice %arg11[%mul3A_12, %dma_start3A_145] : memref<10240x16xf32, #tpu.memory_space<vmem_shared>> -> memref<640x16xf32, #tpu.memory_space<vmem_shared>>
      tpu.enqueue_dma source(%arg9 : memref<640x16xf32, #tpu.memory_space<vmem>>) target(%dma_start3A_146 : memref<640x16xf32, #tpu.memory_space<vmem_shared>>) target_semaphore(%run_scoped3A : memref<!tpu.dma_semaphore, #tpu.memory_space<semaphore_mem>>)
      %dma_wait3A = arith.constant 0 : i32
      %dma_wait3A_147 = tpu.memref_slice %arg11[%mul3A_12, %dma_wait3A] : memref<10240x16xf32, #tpu.memory_space<vmem_shared>> -> memref<640x16xf32, #tpu.memory_space<vmem_shared>>
      %dma_wait3A_148 = arith.constant 0 : i32
      %dma_wait3A_149 = tpu.memref_slice %arg11[%mul3A_12, %dma_wait3A_148] : memref<10240x16xf32, #tpu.memory_space<vmem_shared>> -> memref<640x16xf32, #tpu.memory_space<vmem_shared>>
      tpu.wait_dma2 semaphore(%run_scoped3A : memref<!tpu.dma_semaphore, #tpu.memory_space<semaphore_mem>>) src(%arg9 : memref<640x16xf32, #tpu.memory_space<vmem>>) dst(%dma_wait3A_149 : memref<640x16xf32, #tpu.memory_space<vmem_shared>>)
      tpu.yield
    }) : () -> ()
    "tpu.region"() ({
      %run_scoped3A = tpu.sem_alloc : memref<!tpu.dma_semaphore, #tpu.memory_space<semaphore_mem>>
      %dma_start3A_143 = arith.constant 0 : i32
      %dma_start3A_144 = arith.constant 0 : i32
      %dma_start3A_145 = tpu.memref_slice %arg3[%add3A, %dma_start3A_143, %dma_start3A_144] : memref<32x80x128xi32, #tpu.memory_space<hbm>> -> memref<1x80x128xi32, #tpu.memory_space<hbm>>
      %dma_start3A_146 = tpu.memref_squeeze %dma_start3A_145 : memref<1x80x128xi32, #tpu.memory_space<hbm>> -> memref<80x128xi32, #tpu.memory_space<hbm>>
      %dma_start3A_147 = arith.constant 0 : i32
      %dma_start3A_148 = arith.constant 0 : i32
      %dma_start3A_149 = tpu.memref_slice %arg3[%add3A, %dma_start3A_147, %dma_start3A_148] : memref<32x80x128xi32, #tpu.memory_space<hbm>> -> memref<1x80x128xi32, #tpu.memory_space<hbm>>
      %dma_start3A_150 = tpu.memref_squeeze %dma_start3A_149 : memref<1x80x128xi32, #tpu.memory_space<hbm>> -> memref<80x128xi32, #tpu.memory_space<hbm>>
      tpu.enqueue_dma source(%dma_start3A_150 : memref<80x128xi32, #tpu.memory_space<hbm>>) target(%arg6 : memref<80x128xi32, #tpu.memory_space<vmem>>) target_semaphore(%run_scoped3A : memref<!tpu.dma_semaphore, #tpu.memory_space<semaphore_mem>>)
      %dma_wait3A = arith.constant 0 : i32
      %dma_wait3A_151 = arith.constant 0 : i32
      %dma_wait3A_152 = tpu.memref_slice %arg3[%add3A, %dma_wait3A, %dma_wait3A_151] : memref<32x80x128xi32, #tpu.memory_space<hbm>> -> memref<1x80x128xi32, #tpu.memory_space<hbm>>
      %dma_wait3A_153 = tpu.memref_squeeze %dma_wait3A_152 : memref<1x80x128xi32, #tpu.memory_space<hbm>> -> memref<80x128xi32, #tpu.memory_space<hbm>>
      %dma_wait3A_154 = arith.constant 0 : i32
      %dma_wait3A_155 = arith.constant 0 : i32
      %dma_wait3A_156 = tpu.memref_slice %arg3[%add3A, %dma_wait3A_154, %dma_wait3A_155] : memref<32x80x128xi32, #tpu.memory_space<hbm>> -> memref<1x80x128xi32, #tpu.memory_space<hbm>>
      %dma_wait3A_157 = tpu.memref_squeeze %dma_wait3A_156 : memref<1x80x128xi32, #tpu.memory_space<hbm>> -> memref<80x128xi32, #tpu.memory_space<hbm>>
      tpu.wait_dma2 semaphore(%run_scoped3A : memref<!tpu.dma_semaphore, #tpu.memory_space<semaphore_mem>>) src(%dma_wait3A_157 : memref<80x128xi32, #tpu.memory_space<hbm>>) dst(%arg6 : memref<80x128xi32, #tpu.memory_space<vmem>>)
      tpu.yield
    }) : () -> ()
    "tpu.region"() ({
      %run_scoped3A = tpu.sem_alloc : memref<!tpu.dma_semaphore, #tpu.memory_space<semaphore_mem>>
      %dma_start3A_143 = arith.constant 0 : i32
      %dma_start3A_144 = arith.constant 0 : i32
      %dma_start3A_145 = tpu.memref_slice %arg4[%add3A, %dma_start3A_143, %dma_start3A_144] : memref<32x80x128xi32, #tpu.memory_space<hbm>> -> memref<1x80x128xi32, #tpu.memory_space<hbm>>
      %dma_start3A_146 = tpu.memref_squeeze %dma_start3A_145 : memref<1x80x128xi32, #tpu.memory_space<hbm>> -> memref<80x128xi32, #tpu.memory_space<hbm>>
      %dma_start3A_147 = arith.constant 0 : i32
      %dma_start3A_148 = arith.constant 0 : i32
      %dma_start3A_149 = tpu.memref_slice %arg4[%add3A, %dma_start3A_147, %dma_start3A_148] : memref<32x80x128xi32, #tpu.memory_space<hbm>> -> memref<1x80x128xi32, #tpu.memory_space<hbm>>
      %dma_start3A_150 = tpu.memref_squeeze %dma_start3A_149 : memref<1x80x128xi32, #tpu.memory_space<hbm>> -> memref<80x128xi32, #tpu.memory_space<hbm>>
      tpu.enqueue_dma source(%dma_start3A_150 : memref<80x128xi32, #tpu.memory_space<hbm>>) target(%arg7 : memref<80x128xi32, #tpu.memory_space<vmem>>) target_semaphore(%run_scoped3A : memref<!tpu.dma_semaphore, #tpu.memory_space<semaphore_mem>>)
      %dma_wait3A = arith.constant 0 : i32
      %dma_wait3A_151 = arith.constant 0 : i32
      %dma_wait3A_152 = tpu.memref_slice %arg4[%add3A, %dma_wait3A, %dma_wait3A_151] : memref<32x80x128xi32, #tpu.memory_space<hbm>> -> memref<1x80x128xi32, #tpu.memory_space<hbm>>
      %dma_wait3A_153 = tpu.memref_squeeze %dma_wait3A_152 : memref<1x80x128xi32, #tpu.memory_space<hbm>> -> memref<80x128xi32, #tpu.memory_space<hbm>>
      %dma_wait3A_154 = arith.constant 0 : i32
      %dma_wait3A_155 = arith.constant 0 : i32
      %dma_wait3A_156 = tpu.memref_slice %arg4[%add3A, %dma_wait3A_154, %dma_wait3A_155] : memref<32x80x128xi32, #tpu.memory_space<hbm>> -> memref<1x80x128xi32, #tpu.memory_space<hbm>>
      %dma_wait3A_157 = tpu.memref_squeeze %dma_wait3A_156 : memref<1x80x128xi32, #tpu.memory_space<hbm>> -> memref<80x128xi32, #tpu.memory_space<hbm>>
      tpu.wait_dma2 semaphore(%run_scoped3A : memref<!tpu.dma_semaphore, #tpu.memory_space<semaphore_mem>>) src(%dma_wait3A_157 : memref<80x128xi32, #tpu.memory_space<hbm>>) dst(%arg7 : memref<80x128xi32, #tpu.memory_space<vmem>>)
      tpu.yield
    }) : () -> ()
    %barrier3A = arith.constant 0 : index
    tpu.barrier barrier_id(%barrier3A)
    %dma_start3A = arith.constant 0 : i32
    %dma_start3A_13 = arith.constant 0 : i32
    %dma_start3A_14 = arith.constant 0 : i32
    %dma_start3A_15 = arith.constant 0 : i32
    %dma_start3A_16 = arith.constant 0 : i32
    %dma_start3A_17 = tpu.memref_slice %arg8[%dma_start3A_13, %dma_start3A_15, %dma_start3A_16] : memref<8x128x16xf32, #tpu.memory_space<vmem>> -> memref<1x128x16xf32, #tpu.memory_space<vmem>>
    %dma_start3A_18 = tpu.memref_squeeze %dma_start3A_17 : memref<1x128x16xf32, #tpu.memory_space<vmem>> -> memref<128x16xf32, #tpu.memory_space<vmem>>
    %dma_start3A_19 = arith.constant 0 : i32
    %dma_start3A_20 = tpu.memref_slice %arg6[%dma_start3A, %dma_start3A_19] : memref<80x128xi32, #tpu.memory_space<vmem>> -> memref<1x128xi32, #tpu.memory_space<vmem>>
    %dma_start3A_21 = tpu.memref_squeeze %dma_start3A_20 : memref<1x128xi32, #tpu.memory_space<vmem>> -> memref<128xi32, #tpu.memory_space<vmem>>
    %dma_start3A_22 = arith.constant 0 : i32
    %dma_start3A_23 = arith.constant 0 : i32
    %dma_start3A_24 = tpu.memref_slice %arg10[%dma_start3A_22, %dma_start3A_23] : memref<10240x16xf32, #tpu.memory_space<vmem_shared>> -> memref<10240x16xf32, #tpu.memory_space<vmem_shared>>
    %dma_start3A_25 = tpu.memref_slice %arg12[%dma_start3A_14] : memref<8x!tpu.dma_semaphore, #tpu.memory_space<semaphore_mem>> -> memref<1x!tpu.dma_semaphore, #tpu.memory_space<semaphore_mem>>
    %dma_start3A_26 = tpu.memref_squeeze %dma_start3A_25 : memref<1x!tpu.dma_semaphore, #tpu.memory_space<semaphore_mem>> -> memref<!tpu.dma_semaphore, #tpu.memory_space<semaphore_mem>>
    tpu.enqueue_indirect_dma source(%dma_start3A_24 : memref<10240x16xf32, #tpu.memory_space<vmem_shared>>) target(%dma_start3A_18 : memref<128x16xf32, #tpu.memory_space<vmem>>) offsets(%dma_start3A_21 : memref<128xi32, #tpu.memory_space<vmem>>) semaphore(%dma_start3A_26 : memref<!tpu.dma_semaphore, #tpu.memory_space<semaphore_mem>>)
    %dma_start3A_27 = arith.constant 1 : i32
    %dma_start3A_28 = arith.constant 1 : i32
    %dma_start3A_29 = arith.constant 1 : i32
    %dma_start3A_30 = arith.constant 0 : i32
    %dma_start3A_31 = arith.constant 0 : i32
    %dma_start3A_32 = tpu.memref_slice %arg8[%dma_start3A_28, %dma_start3A_30, %dma_start3A_31] : memref<8x128x16xf32, #tpu.memory_space<vmem>> -> memref<1x128x16xf32, #tpu.memory_space<vmem>>
    %dma_start3A_33 = tpu.memref_squeeze %dma_start3A_32 : memref<1x128x16xf32, #tpu.memory_space<vmem>> -> memref<128x16xf32, #tpu.memory_space<vmem>>
    %dma_start3A_34 = arith.constant 0 : i32
    %dma_start3A_35 = tpu.memref_slice %arg6[%dma_start3A_27, %dma_start3A_34] : memref<80x128xi32, #tpu.memory_space<vmem>> -> memref<1x128xi32, #tpu.memory_space<vmem>>
    %dma_start3A_36 = tpu.memref_squeeze %dma_start3A_35 : memref<1x128xi32, #tpu.memory_space<vmem>> -> memref<128xi32, #tpu.memory_space<vmem>>
    %dma_start3A_37 = arith.constant 0 : i32
    %dma_start3A_38 = arith.constant 0 : i32
    %dma_start3A_39 = tpu.memref_slice %arg10[%dma_start3A_37, %dma_start3A_38] : memref<10240x16xf32, #tpu.memory_space<vmem_shared>> -> memref<10240x16xf32, #tpu.memory_space<vmem_shared>>
    %dma_start3A_40 = tpu.memref_slice %arg12[%dma_start3A_29] : memref<8x!tpu.dma_semaphore, #tpu.memory_space<semaphore_mem>> -> memref<1x!tpu.dma_semaphore, #tpu.memory_space<semaphore_mem>>
    %dma_start3A_41 = tpu.memref_squeeze %dma_start3A_40 : memref<1x!tpu.dma_semaphore, #tpu.memory_space<semaphore_mem>> -> memref<!tpu.dma_semaphore, #tpu.memory_space<semaphore_mem>>
    tpu.enqueue_indirect_dma source(%dma_start3A_39 : memref<10240x16xf32, #tpu.memory_space<vmem_shared>>) target(%dma_start3A_33 : memref<128x16xf32, #tpu.memory_space<vmem>>) offsets(%dma_start3A_36 : memref<128xi32, #tpu.memory_space<vmem>>) semaphore(%dma_start3A_41 : memref<!tpu.dma_semaphore, #tpu.memory_space<semaphore_mem>>)
    %dma_start3A_42 = arith.constant 2 : i32
    %dma_start3A_43 = arith.constant 2 : i32
    %dma_start3A_44 = arith.constant 2 : i32
    %dma_start3A_45 = arith.constant 0 : i32
    %dma_start3A_46 = arith.constant 0 : i32
    %dma_start3A_47 = tpu.memref_slice %arg8[%dma_start3A_43, %dma_start3A_45, %dma_start3A_46] : memref<8x128x16xf32, #tpu.memory_space<vmem>> -> memref<1x128x16xf32, #tpu.memory_space<vmem>>
    %dma_start3A_48 = tpu.memref_squeeze %dma_start3A_47 : memref<1x128x16xf32, #tpu.memory_space<vmem>> -> memref<128x16xf32, #tpu.memory_space<vmem>>
    %dma_start3A_49 = arith.constant 0 : i32
    %dma_start3A_50 = tpu.memref_slice %arg6[%dma_start3A_42, %dma_start3A_49] : memref<80x128xi32, #tpu.memory_space<vmem>> -> memref<1x128xi32, #tpu.memory_space<vmem>>
    %dma_start3A_51 = tpu.memref_squeeze %dma_start3A_50 : memref<1x128xi32, #tpu.memory_space<vmem>> -> memref<128xi32, #tpu.memory_space<vmem>>
    %dma_start3A_52 = arith.constant 0 : i32
    %dma_start3A_53 = arith.constant 0 : i32
    %dma_start3A_54 = tpu.memref_slice %arg10[%dma_start3A_52, %dma_start3A_53] : memref<10240x16xf32, #tpu.memory_space<vmem_shared>> -> memref<10240x16xf32, #tpu.memory_space<vmem_shared>>
    %dma_start3A_55 = tpu.memref_slice %arg12[%dma_start3A_44] : memref<8x!tpu.dma_semaphore, #tpu.memory_space<semaphore_mem>> -> memref<1x!tpu.dma_semaphore, #tpu.memory_space<semaphore_mem>>
    %dma_start3A_56 = tpu.memref_squeeze %dma_start3A_55 : memref<1x!tpu.dma_semaphore, #tpu.memory_space<semaphore_mem>> -> memref<!tpu.dma_semaphore, #tpu.memory_space<semaphore_mem>>
    tpu.enqueue_indirect_dma source(%dma_start3A_54 : memref<10240x16xf32, #tpu.memory_space<vmem_shared>>) target(%dma_start3A_48 : memref<128x16xf32, #tpu.memory_space<vmem>>) offsets(%dma_start3A_51 : memref<128xi32, #tpu.memory_space<vmem>>) semaphore(%dma_start3A_56 : memref<!tpu.dma_semaphore, #tpu.memory_space<semaphore_mem>>)
    %dma_start3A_57 = arith.constant 3 : i32
    %dma_start3A_58 = arith.constant 3 : i32
    %dma_start3A_59 = arith.constant 3 : i32
    %dma_start3A_60 = arith.constant 0 : i32
    %dma_start3A_61 = arith.constant 0 : i32
    %dma_start3A_62 = tpu.memref_slice %arg8[%dma_start3A_58, %dma_start3A_60, %dma_start3A_61] : memref<8x128x16xf32, #tpu.memory_space<vmem>> -> memref<1x128x16xf32, #tpu.memory_space<vmem>>
    %dma_start3A_63 = tpu.memref_squeeze %dma_start3A_62 : memref<1x128x16xf32, #tpu.memory_space<vmem>> -> memref<128x16xf32, #tpu.memory_space<vmem>>
    %dma_start3A_64 = arith.constant 0 : i32
    %dma_start3A_65 = tpu.memref_slice %arg6[%dma_start3A_57, %dma_start3A_64] : memref<80x128xi32, #tpu.memory_space<vmem>> -> memref<1x128xi32, #tpu.memory_space<vmem>>
    %dma_start3A_66 = tpu.memref_squeeze %dma_start3A_65 : memref<1x128xi32, #tpu.memory_space<vmem>> -> memref<128xi32, #tpu.memory_space<vmem>>
    %dma_start3A_67 = arith.constant 0 : i32
    %dma_start3A_68 = arith.constant 0 : i32
    %dma_start3A_69 = tpu.memref_slice %arg10[%dma_start3A_67, %dma_start3A_68] : memref<10240x16xf32, #tpu.memory_space<vmem_shared>> -> memref<10240x16xf32, #tpu.memory_space<vmem_shared>>
    %dma_start3A_70 = tpu.memref_slice %arg12[%dma_start3A_59] : memref<8x!tpu.dma_semaphore, #tpu.memory_space<semaphore_mem>> -> memref<1x!tpu.dma_semaphore, #tpu.memory_space<semaphore_mem>>
    %dma_start3A_71 = tpu.memref_squeeze %dma_start3A_70 : memref<1x!tpu.dma_semaphore, #tpu.memory_space<semaphore_mem>> -> memref<!tpu.dma_semaphore, #tpu.memory_space<semaphore_mem>>
    tpu.enqueue_indirect_dma source(%dma_start3A_69 : memref<10240x16xf32, #tpu.memory_space<vmem_shared>>) target(%dma_start3A_63 : memref<128x16xf32, #tpu.memory_space<vmem>>) offsets(%dma_start3A_66 : memref<128xi32, #tpu.memory_space<vmem>>) semaphore(%dma_start3A_71 : memref<!tpu.dma_semaphore, #tpu.memory_space<semaphore_mem>>)
    %dma_start3A_72 = arith.constant 4 : i32
    %dma_start3A_73 = arith.constant 4 : i32
    %dma_start3A_74 = arith.constant 4 : i32
    %dma_start3A_75 = arith.constant 0 : i32
    %dma_start3A_76 = arith.constant 0 : i32
    %dma_start3A_77 = tpu.memref_slice %arg8[%dma_start3A_73, %dma_start3A_75, %dma_start3A_76] : memref<8x128x16xf32, #tpu.memory_space<vmem>> -> memref<1x128x16xf32, #tpu.memory_space<vmem>>
    %dma_start3A_78 = tpu.memref_squeeze %dma_start3A_77 : memref<1x128x16xf32, #tpu.memory_space<vmem>> -> memref<128x16xf32, #tpu.memory_space<vmem>>
    %dma_start3A_79 = arith.constant 0 : i32
    %dma_start3A_80 = tpu.memref_slice %arg6[%dma_start3A_72, %dma_start3A_79] : memref<80x128xi32, #tpu.memory_space<vmem>> -> memref<1x128xi32, #tpu.memory_space<vmem>>
    %dma_start3A_81 = tpu.memref_squeeze %dma_start3A_80 : memref<1x128xi32, #tpu.memory_space<vmem>> -> memref<128xi32, #tpu.memory_space<vmem>>
    %dma_start3A_82 = arith.constant 0 : i32
    %dma_start3A_83 = arith.constant 0 : i32
    %dma_start3A_84 = tpu.memref_slice %arg10[%dma_start3A_82, %dma_start3A_83] : memref<10240x16xf32, #tpu.memory_space<vmem_shared>> -> memref<10240x16xf32, #tpu.memory_space<vmem_shared>>
    %dma_start3A_85 = tpu.memref_slice %arg12[%dma_start3A_74] : memref<8x!tpu.dma_semaphore, #tpu.memory_space<semaphore_mem>> -> memref<1x!tpu.dma_semaphore, #tpu.memory_space<semaphore_mem>>
    %dma_start3A_86 = tpu.memref_squeeze %dma_start3A_85 : memref<1x!tpu.dma_semaphore, #tpu.memory_space<semaphore_mem>> -> memref<!tpu.dma_semaphore, #tpu.memory_space<semaphore_mem>>
    tpu.enqueue_indirect_dma source(%dma_start3A_84 : memref<10240x16xf32, #tpu.memory_space<vmem_shared>>) target(%dma_start3A_78 : memref<128x16xf32, #tpu.memory_space<vmem>>) offsets(%dma_start3A_81 : memref<128xi32, #tpu.memory_space<vmem>>) semaphore(%dma_start3A_86 : memref<!tpu.dma_semaphore, #tpu.memory_space<semaphore_mem>>)
    %dma_start3A_87 = arith.constant 5 : i32
    %dma_start3A_88 = arith.constant 5 : i32
    %dma_start3A_89 = arith.constant 5 : i32
    %dma_start3A_90 = arith.constant 0 : i32
    %dma_start3A_91 = arith.constant 0 : i32
    %dma_start3A_92 = tpu.memref_slice %arg8[%dma_start3A_88, %dma_start3A_90, %dma_start3A_91] : memref<8x128x16xf32, #tpu.memory_space<vmem>> -> memref<1x128x16xf32, #tpu.memory_space<vmem>>
    %dma_start3A_93 = tpu.memref_squeeze %dma_start3A_92 : memref<1x128x16xf32, #tpu.memory_space<vmem>> -> memref<128x16xf32, #tpu.memory_space<vmem>>
    %dma_start3A_94 = arith.constant 0 : i32
    %dma_start3A_95 = tpu.memref_slice %arg6[%dma_start3A_87, %dma_start3A_94] : memref<80x128xi32, #tpu.memory_space<vmem>> -> memref<1x128xi32, #tpu.memory_space<vmem>>
    %dma_start3A_96 = tpu.memref_squeeze %dma_start3A_95 : memref<1x128xi32, #tpu.memory_space<vmem>> -> memref<128xi32, #tpu.memory_space<vmem>>
    %dma_start3A_97 = arith.constant 0 : i32
    %dma_start3A_98 = arith.constant 0 : i32
    %dma_start3A_99 = tpu.memref_slice %arg10[%dma_start3A_97, %dma_start3A_98] : memref<10240x16xf32, #tpu.memory_space<vmem_shared>> -> memref<10240x16xf32, #tpu.memory_space<vmem_shared>>
    %dma_start3A_100 = tpu.memref_slice %arg12[%dma_start3A_89] : memref<8x!tpu.dma_semaphore, #tpu.memory_space<semaphore_mem>> -> memref<1x!tpu.dma_semaphore, #tpu.memory_space<semaphore_mem>>
    %dma_start3A_101 = tpu.memref_squeeze %dma_start3A_100 : memref<1x!tpu.dma_semaphore, #tpu.memory_space<semaphore_mem>> -> memref<!tpu.dma_semaphore, #tpu.memory_space<semaphore_mem>>
    tpu.enqueue_indirect_dma source(%dma_start3A_99 : memref<10240x16xf32, #tpu.memory_space<vmem_shared>>) target(%dma_start3A_93 : memref<128x16xf32, #tpu.memory_space<vmem>>) offsets(%dma_start3A_96 : memref<128xi32, #tpu.memory_space<vmem>>) semaphore(%dma_start3A_101 : memref<!tpu.dma_semaphore, #tpu.memory_space<semaphore_mem>>)
    %dma_start3A_102 = arith.constant 6 : i32
    %dma_start3A_103 = arith.constant 6 : i32
    %dma_start3A_104 = arith.constant 6 : i32
    %dma_start3A_105 = arith.constant 0 : i32
    %dma_start3A_106 = arith.constant 0 : i32
    %dma_start3A_107 = tpu.memref_slice %arg8[%dma_start3A_103, %dma_start3A_105, %dma_start3A_106] : memref<8x128x16xf32, #tpu.memory_space<vmem>> -> memref<1x128x16xf32, #tpu.memory_space<vmem>>
    %dma_start3A_108 = tpu.memref_squeeze %dma_start3A_107 : memref<1x128x16xf32, #tpu.memory_space<vmem>> -> memref<128x16xf32, #tpu.memory_space<vmem>>
    %dma_start3A_109 = arith.constant 0 : i32
    %dma_start3A_110 = tpu.memref_slice %arg6[%dma_start3A_102, %dma_start3A_109] : memref<80x128xi32, #tpu.memory_space<vmem>> -> memref<1x128xi32, #tpu.memory_space<vmem>>
    %dma_start3A_111 = tpu.memref_squeeze %dma_start3A_110 : memref<1x128xi32, #tpu.memory_space<vmem>> -> memref<128xi32, #tpu.memory_space<vmem>>
    %dma_start3A_112 = arith.constant 0 : i32
    %dma_start3A_113 = arith.constant 0 : i32
    %dma_start3A_114 = tpu.memref_slice %arg10[%dma_start3A_112, %dma_start3A_113] : memref<10240x16xf32, #tpu.memory_space<vmem_shared>> -> memref<10240x16xf32, #tpu.memory_space<vmem_shared>>
    %dma_start3A_115 = tpu.memref_slice %arg12[%dma_start3A_104] : memref<8x!tpu.dma_semaphore, #tpu.memory_space<semaphore_mem>> -> memref<1x!tpu.dma_semaphore, #tpu.memory_space<semaphore_mem>>
    %dma_start3A_116 = tpu.memref_squeeze %dma_start3A_115 : memref<1x!tpu.dma_semaphore, #tpu.memory_space<semaphore_mem>> -> memref<!tpu.dma_semaphore, #tpu.memory_space<semaphore_mem>>
    tpu.enqueue_indirect_dma source(%dma_start3A_114 : memref<10240x16xf32, #tpu.memory_space<vmem_shared>>) target(%dma_start3A_108 : memref<128x16xf32, #tpu.memory_space<vmem>>) offsets(%dma_start3A_111 : memref<128xi32, #tpu.memory_space<vmem>>) semaphore(%dma_start3A_116 : memref<!tpu.dma_semaphore, #tpu.memory_space<semaphore_mem>>)
    %dma_start3A_117 = arith.constant 7 : i32
    %dma_start3A_118 = arith.constant 7 : i32
    %dma_start3A_119 = arith.constant 7 : i32
    %dma_start3A_120 = arith.constant 0 : i32
    %dma_start3A_121 = arith.constant 0 : i32
    %dma_start3A_122 = tpu.memref_slice %arg8[%dma_start3A_118, %dma_start3A_120, %dma_start3A_121] : memref<8x128x16xf32, #tpu.memory_space<vmem>> -> memref<1x128x16xf32, #tpu.memory_space<vmem>>
    %dma_start3A_123 = tpu.memref_squeeze %dma_start3A_122 : memref<1x128x16xf32, #tpu.memory_space<vmem>> -> memref<128x16xf32, #tpu.memory_space<vmem>>
    %dma_start3A_124 = arith.constant 0 : i32
    %dma_start3A_125 = tpu.memref_slice %arg6[%dma_start3A_117, %dma_start3A_124] : memref<80x128xi32, #tpu.memory_space<vmem>> -> memref<1x128xi32, #tpu.memory_space<vmem>>
    %dma_start3A_126 = tpu.memref_squeeze %dma_start3A_125 : memref<1x128xi32, #tpu.memory_space<vmem>> -> memref<128xi32, #tpu.memory_space<vmem>>
    %dma_start3A_127 = arith.constant 0 : i32
    %dma_start3A_128 = arith.constant 0 : i32
    %dma_start3A_129 = tpu.memref_slice %arg10[%dma_start3A_127, %dma_start3A_128] : memref<10240x16xf32, #tpu.memory_space<vmem_shared>> -> memref<10240x16xf32, #tpu.memory_space<vmem_shared>>
    %dma_start3A_130 = tpu.memref_slice %arg12[%dma_start3A_119] : memref<8x!tpu.dma_semaphore, #tpu.memory_space<semaphore_mem>> -> memref<1x!tpu.dma_semaphore, #tpu.memory_space<semaphore_mem>>
    %dma_start3A_131 = tpu.memref_squeeze %dma_start3A_130 : memref<1x!tpu.dma_semaphore, #tpu.memory_space<semaphore_mem>> -> memref<!tpu.dma_semaphore, #tpu.memory_space<semaphore_mem>>
    tpu.enqueue_indirect_dma source(%dma_start3A_129 : memref<10240x16xf32, #tpu.memory_space<vmem_shared>>) target(%dma_start3A_123 : memref<128x16xf32, #tpu.memory_space<vmem>>) offsets(%dma_start3A_126 : memref<128xi32, #tpu.memory_space<vmem>>) semaphore(%dma_start3A_131 : memref<!tpu.dma_semaphore, #tpu.memory_space<semaphore_mem>>)
    %scan3A_132 = arith.constant 0 : i32
    %scan3A_133 = arith.constant 0 : i32
    %scan3A_134 = arith.constant 10 : i32
    %scan3A_135 = arith.addi %scan3A_133, %scan3A_134 : i32
    %scan3A_136 = arith.constant 1 : i32
    scf.for %scan3A_143 = %scan3A_133 to %scan3A_135 step %scan3A_136  : i32 {
      %mul3A_144 = arith.constant 8 : i32
      %mul3A_145 = arith.muli %scan3A_143, %mul3A_144 : i32
      %add3A_146 = arith.constant 0 : i32
      %add3A_147 = arith.addi %mul3A_145, %add3A_146 : i32
      %dma_wait3A = arith.constant 0 : i32
      %dma_wait3A_148 = arith.constant 0 : i32
      %dma_wait3A_149 = arith.constant 0 : i32
      %dma_wait3A_150 = arith.constant 0 : i32
      %dma_wait3A_151 = tpu.memref_slice %arg8[%dma_wait3A, %dma_wait3A_149, %dma_wait3A_150] : memref<8x128x16xf32, #tpu.memory_space<vmem>> -> memref<1x128x16xf32, #tpu.memory_space<vmem>>
      %dma_wait3A_152 = tpu.memref_squeeze %dma_wait3A_151 : memref<1x128x16xf32, #tpu.memory_space<vmem>> -> memref<128x16xf32, #tpu.memory_space<vmem>>
      %dma_wait3A_153 = arith.constant 0 : i32
      %dma_wait3A_154 = tpu.memref_slice %arg6[%add3A_147, %dma_wait3A_153] : memref<80x128xi32, #tpu.memory_space<vmem>> -> memref<1x128xi32, #tpu.memory_space<vmem>>
      %dma_wait3A_155 = tpu.memref_squeeze %dma_wait3A_154 : memref<1x128xi32, #tpu.memory_space<vmem>> -> memref<128xi32, #tpu.memory_space<vmem>>
      %dma_wait3A_156 = arith.constant 0 : i32
      %dma_wait3A_157 = arith.constant 0 : i32
      %dma_wait3A_158 = tpu.memref_slice %arg10[%dma_wait3A_156, %dma_wait3A_157] : memref<10240x16xf32, #tpu.memory_space<vmem_shared>> -> memref<10240x16xf32, #tpu.memory_space<vmem_shared>>
      %dma_wait3A_159 = tpu.memref_slice %arg12[%dma_wait3A_148] : memref<8x!tpu.dma_semaphore, #tpu.memory_space<semaphore_mem>> -> memref<1x!tpu.dma_semaphore, #tpu.memory_space<semaphore_mem>>
      %dma_wait3A_160 = tpu.memref_squeeze %dma_wait3A_159 : memref<1x!tpu.dma_semaphore, #tpu.memory_space<semaphore_mem>> -> memref<!tpu.dma_semaphore, #tpu.memory_space<semaphore_mem>>
      tpu.wait_indirect_dma semaphore(%dma_wait3A_160 : memref<!tpu.dma_semaphore, #tpu.memory_space<semaphore_mem>>) src(%dma_wait3A_158 : memref<10240x16xf32, #tpu.memory_space<vmem_shared>>) dst(%dma_wait3A_152 : memref<128x16xf32, #tpu.memory_space<vmem>>)
      %add3A_161 = arith.constant 0 : i32
      %add3A_162 = arith.addi %mul3A_145, %add3A_161 : i32
      %dma_start3A_163 = arith.constant 0 : i32
      %dma_start3A_164 = arith.constant 0 : i32
      %dma_start3A_165 = arith.constant 0 : i32
      %dma_start3A_166 = arith.constant 0 : i32
      %dma_start3A_167 = tpu.memref_slice %arg8[%dma_start3A_163, %dma_start3A_165, %dma_start3A_166] : memref<8x128x16xf32, #tpu.memory_space<vmem>> -> memref<1x128x16xf32, #tpu.memory_space<vmem>>
      %dma_start3A_168 = tpu.memref_squeeze %dma_start3A_167 : memref<1x128x16xf32, #tpu.memory_space<vmem>> -> memref<128x16xf32, #tpu.memory_space<vmem>>
      %dma_start3A_169 = arith.constant 0 : i32
      %dma_start3A_170 = tpu.memref_slice %arg7[%add3A_162, %dma_start3A_169] : memref<80x128xi32, #tpu.memory_space<vmem>> -> memref<1x128xi32, #tpu.memory_space<vmem>>
      %dma_start3A_171 = tpu.memref_squeeze %dma_start3A_170 : memref<1x128xi32, #tpu.memory_space<vmem>> -> memref<128xi32, #tpu.memory_space<vmem>>
      %dma_start3A_172 = arith.constant 0 : i32
      %dma_start3A_173 = arith.constant 0 : i32
      %dma_start3A_174 = tpu.memref_slice %arg11[%dma_start3A_172, %dma_start3A_173] : memref<10240x16xf32, #tpu.memory_space<vmem_shared>> -> memref<10240x16xf32, #tpu.memory_space<vmem_shared>>
      %dma_start3A_175 = tpu.memref_slice %arg13[%dma_start3A_164] : memref<8x!tpu.dma_semaphore, #tpu.memory_space<semaphore_mem>> -> memref<1x!tpu.dma_semaphore, #tpu.memory_space<semaphore_mem>>
      %dma_start3A_176 = tpu.memref_squeeze %dma_start3A_175 : memref<1x!tpu.dma_semaphore, #tpu.memory_space<semaphore_mem>> -> memref<!tpu.dma_semaphore, #tpu.memory_space<semaphore_mem>>
      tpu.enqueue_indirect_dma source(%dma_start3A_168 : memref<128x16xf32, #tpu.memory_space<vmem>>) target(%dma_start3A_174 : memref<10240x16xf32, #tpu.memory_space<vmem_shared>>) offsets(%dma_start3A_171 : memref<128xi32, #tpu.memory_space<vmem>>) semaphore(%dma_start3A_176 : memref<!tpu.dma_semaphore, #tpu.memory_space<semaphore_mem>>) {add = true}
      %add3A_177 = arith.constant 1 : i32
      %add3A_178 = arith.addi %mul3A_145, %add3A_177 : i32
      %dma_wait3A_179 = arith.constant 1 : i32
      %dma_wait3A_180 = arith.constant 1 : i32
      %dma_wait3A_181 = arith.constant 0 : i32
      %dma_wait3A_182 = arith.constant 0 : i32
      %dma_wait3A_183 = tpu.memref_slice %arg8[%dma_wait3A_179, %dma_wait3A_181, %dma_wait3A_182] : memref<8x128x16xf32, #tpu.memory_space<vmem>> -> memref<1x128x16xf32, #tpu.memory_space<vmem>>
      %dma_wait3A_184 = tpu.memref_squeeze %dma_wait3A_183 : memref<1x128x16xf32, #tpu.memory_space<vmem>> -> memref<128x16xf32, #tpu.memory_space<vmem>>
      %dma_wait3A_185 = arith.constant 0 : i32
      %dma_wait3A_186 = tpu.memref_slice %arg6[%add3A_178, %dma_wait3A_185] : memref<80x128xi32, #tpu.memory_space<vmem>> -> memref<1x128xi32, #tpu.memory_space<vmem>>
      %dma_wait3A_187 = tpu.memref_squeeze %dma_wait3A_186 : memref<1x128xi32, #tpu.memory_space<vmem>> -> memref<128xi32, #tpu.memory_space<vmem>>
      %dma_wait3A_188 = arith.constant 0 : i32
      %dma_wait3A_189 = arith.constant 0 : i32
      %dma_wait3A_190 = tpu.memref_slice %arg10[%dma_wait3A_188, %dma_wait3A_189] : memref<10240x16xf32, #tpu.memory_space<vmem_shared>> -> memref<10240x16xf32, #tpu.memory_space<vmem_shared>>
      %dma_wait3A_191 = tpu.memref_slice %arg12[%dma_wait3A_180] : memref<8x!tpu.dma_semaphore, #tpu.memory_space<semaphore_mem>> -> memref<1x!tpu.dma_semaphore, #tpu.memory_space<semaphore_mem>>
      %dma_wait3A_192 = tpu.memref_squeeze %dma_wait3A_191 : memref<1x!tpu.dma_semaphore, #tpu.memory_space<semaphore_mem>> -> memref<!tpu.dma_semaphore, #tpu.memory_space<semaphore_mem>>
      tpu.wait_indirect_dma semaphore(%dma_wait3A_192 : memref<!tpu.dma_semaphore, #tpu.memory_space<semaphore_mem>>) src(%dma_wait3A_190 : memref<10240x16xf32, #tpu.memory_space<vmem_shared>>) dst(%dma_wait3A_184 : memref<128x16xf32, #tpu.memory_space<vmem>>)
      %add3A_193 = arith.constant 1 : i32
      %add3A_194 = arith.addi %mul3A_145, %add3A_193 : i32
      %dma_start3A_195 = arith.constant 1 : i32
      %dma_start3A_196 = arith.constant 1 : i32
      %dma_start3A_197 = arith.constant 0 : i32
      %dma_start3A_198 = arith.constant 0 : i32
      %dma_start3A_199 = tpu.memref_slice %arg8[%dma_start3A_195, %dma_start3A_197, %dma_start3A_198] : memref<8x128x16xf32, #tpu.memory_space<vmem>> -> memref<1x128x16xf32, #tpu.memory_space<vmem>>
      %dma_start3A_200 = tpu.memref_squeeze %dma_start3A_199 : memref<1x128x16xf32, #tpu.memory_space<vmem>> -> memref<128x16xf32, #tpu.memory_space<vmem>>
      %dma_start3A_201 = arith.constant 0 : i32
      %dma_start3A_202 = tpu.memref_slice %arg7[%add3A_194, %dma_start3A_201] : memref<80x128xi32, #tpu.memory_space<vmem>> -> memref<1x128xi32, #tpu.memory_space<vmem>>
      %dma_start3A_203 = tpu.memref_squeeze %dma_start3A_202 : memref<1x128xi32, #tpu.memory_space<vmem>> -> memref<128xi32, #tpu.memory_space<vmem>>
      %dma_start3A_204 = arith.constant 0 : i32
      %dma_start3A_205 = arith.constant 0 : i32
      %dma_start3A_206 = tpu.memref_slice %arg11[%dma_start3A_204, %dma_start3A_205] : memref<10240x16xf32, #tpu.memory_space<vmem_shared>> -> memref<10240x16xf32, #tpu.memory_space<vmem_shared>>
      %dma_start3A_207 = tpu.memref_slice %arg13[%dma_start3A_196] : memref<8x!tpu.dma_semaphore, #tpu.memory_space<semaphore_mem>> -> memref<1x!tpu.dma_semaphore, #tpu.memory_space<semaphore_mem>>
      %dma_start3A_208 = tpu.memref_squeeze %dma_start3A_207 : memref<1x!tpu.dma_semaphore, #tpu.memory_space<semaphore_mem>> -> memref<!tpu.dma_semaphore, #tpu.memory_space<semaphore_mem>>
      tpu.enqueue_indirect_dma source(%dma_start3A_200 : memref<128x16xf32, #tpu.memory_space<vmem>>) target(%dma_start3A_206 : memref<10240x16xf32, #tpu.memory_space<vmem_shared>>) offsets(%dma_start3A_203 : memref<128xi32, #tpu.memory_space<vmem>>) semaphore(%dma_start3A_208 : memref<!tpu.dma_semaphore, #tpu.memory_space<semaphore_mem>>) {add = true}
      %add3A_209 = arith.constant 2 : i32
      %add3A_210 = arith.addi %mul3A_145, %add3A_209 : i32
      %dma_wait3A_211 = arith.constant 2 : i32
      %dma_wait3A_212 = arith.constant 2 : i32
      %dma_wait3A_213 = arith.constant 0 : i32
      %dma_wait3A_214 = arith.constant 0 : i32
      %dma_wait3A_215 = tpu.memref_slice %arg8[%dma_wait3A_211, %dma_wait3A_213, %dma_wait3A_214] : memref<8x128x16xf32, #tpu.memory_space<vmem>> -> memref<1x128x16xf32, #tpu.memory_space<vmem>>
      %dma_wait3A_216 = tpu.memref_squeeze %dma_wait3A_215 : memref<1x128x16xf32, #tpu.memory_space<vmem>> -> memref<128x16xf32, #tpu.memory_space<vmem>>
      %dma_wait3A_217 = arith.constant 0 : i32
      %dma_wait3A_218 = tpu.memref_slice %arg6[%add3A_210, %dma_wait3A_217] : memref<80x128xi32, #tpu.memory_space<vmem>> -> memref<1x128xi32, #tpu.memory_space<vmem>>
      %dma_wait3A_219 = tpu.memref_squeeze %dma_wait3A_218 : memref<1x128xi32, #tpu.memory_space<vmem>> -> memref<128xi32, #tpu.memory_space<vmem>>
      %dma_wait3A_220 = arith.constant 0 : i32
      %dma_wait3A_221 = arith.constant 0 : i32
      %dma_wait3A_222 = tpu.memref_slice %arg10[%dma_wait3A_220, %dma_wait3A_221] : memref<10240x16xf32, #tpu.memory_space<vmem_shared>> -> memref<10240x16xf32, #tpu.memory_space<vmem_shared>>
      %dma_wait3A_223 = tpu.memref_slice %arg12[%dma_wait3A_212] : memref<8x!tpu.dma_semaphore, #tpu.memory_space<semaphore_mem>> -> memref<1x!tpu.dma_semaphore, #tpu.memory_space<semaphore_mem>>
      %dma_wait3A_224 = tpu.memref_squeeze %dma_wait3A_223 : memref<1x!tpu.dma_semaphore, #tpu.memory_space<semaphore_mem>> -> memref<!tpu.dma_semaphore, #tpu.memory_space<semaphore_mem>>
      tpu.wait_indirect_dma semaphore(%dma_wait3A_224 : memref<!tpu.dma_semaphore, #tpu.memory_space<semaphore_mem>>) src(%dma_wait3A_222 : memref<10240x16xf32, #tpu.memory_space<vmem_shared>>) dst(%dma_wait3A_216 : memref<128x16xf32, #tpu.memory_space<vmem>>)
      %add3A_225 = arith.constant 2 : i32
      %add3A_226 = arith.addi %mul3A_145, %add3A_225 : i32
      %dma_start3A_227 = arith.constant 2 : i32
      %dma_start3A_228 = arith.constant 2 : i32
      %dma_start3A_229 = arith.constant 0 : i32
      %dma_start3A_230 = arith.constant 0 : i32
      %dma_start3A_231 = tpu.memref_slice %arg8[%dma_start3A_227, %dma_start3A_229, %dma_start3A_230] : memref<8x128x16xf32, #tpu.memory_space<vmem>> -> memref<1x128x16xf32, #tpu.memory_space<vmem>>
      %dma_start3A_232 = tpu.memref_squeeze %dma_start3A_231 : memref<1x128x16xf32, #tpu.memory_space<vmem>> -> memref<128x16xf32, #tpu.memory_space<vmem>>
      %dma_start3A_233 = arith.constant 0 : i32
      %dma_start3A_234 = tpu.memref_slice %arg7[%add3A_226, %dma_start3A_233] : memref<80x128xi32, #tpu.memory_space<vmem>> -> memref<1x128xi32, #tpu.memory_space<vmem>>
      %dma_start3A_235 = tpu.memref_squeeze %dma_start3A_234 : memref<1x128xi32, #tpu.memory_space<vmem>> -> memref<128xi32, #tpu.memory_space<vmem>>
      %dma_start3A_236 = arith.constant 0 : i32
      %dma_start3A_237 = arith.constant 0 : i32
      %dma_start3A_238 = tpu.memref_slice %arg11[%dma_start3A_236, %dma_start3A_237] : memref<10240x16xf32, #tpu.memory_space<vmem_shared>> -> memref<10240x16xf32, #tpu.memory_space<vmem_shared>>
      %dma_start3A_239 = tpu.memref_slice %arg13[%dma_start3A_228] : memref<8x!tpu.dma_semaphore, #tpu.memory_space<semaphore_mem>> -> memref<1x!tpu.dma_semaphore, #tpu.memory_space<semaphore_mem>>
      %dma_start3A_240 = tpu.memref_squeeze %dma_start3A_239 : memref<1x!tpu.dma_semaphore, #tpu.memory_space<semaphore_mem>> -> memref<!tpu.dma_semaphore, #tpu.memory_space<semaphore_mem>>
      tpu.enqueue_indirect_dma source(%dma_start3A_232 : memref<128x16xf32, #tpu.memory_space<vmem>>) target(%dma_start3A_238 : memref<10240x16xf32, #tpu.memory_space<vmem_shared>>) offsets(%dma_start3A_235 : memref<128xi32, #tpu.memory_space<vmem>>) semaphore(%dma_start3A_240 : memref<!tpu.dma_semaphore, #tpu.memory_space<semaphore_mem>>) {add = true}
      %add3A_241 = arith.constant 3 : i32
      %add3A_242 = arith.addi %mul3A_145, %add3A_241 : i32
      %dma_wait3A_243 = arith.constant 3 : i32
      %dma_wait3A_244 = arith.constant 3 : i32
      %dma_wait3A_245 = arith.constant 0 : i32
      %dma_wait3A_246 = arith.constant 0 : i32
      %dma_wait3A_247 = tpu.memref_slice %arg8[%dma_wait3A_243, %dma_wait3A_245, %dma_wait3A_246] : memref<8x128x16xf32, #tpu.memory_space<vmem>> -> memref<1x128x16xf32, #tpu.memory_space<vmem>>
      %dma_wait3A_248 = tpu.memref_squeeze %dma_wait3A_247 : memref<1x128x16xf32, #tpu.memory_space<vmem>> -> memref<128x16xf32, #tpu.memory_space<vmem>>
      %dma_wait3A_249 = arith.constant 0 : i32
      %dma_wait3A_250 = tpu.memref_slice %arg6[%add3A_242, %dma_wait3A_249] : memref<80x128xi32, #tpu.memory_space<vmem>> -> memref<1x128xi32, #tpu.memory_space<vmem>>
      %dma_wait3A_251 = tpu.memref_squeeze %dma_wait3A_250 : memref<1x128xi32, #tpu.memory_space<vmem>> -> memref<128xi32, #tpu.memory_space<vmem>>
      %dma_wait3A_252 = arith.constant 0 : i32
      %dma_wait3A_253 = arith.constant 0 : i32
      %dma_wait3A_254 = tpu.memref_slice %arg10[%dma_wait3A_252, %dma_wait3A_253] : memref<10240x16xf32, #tpu.memory_space<vmem_shared>> -> memref<10240x16xf32, #tpu.memory_space<vmem_shared>>
      %dma_wait3A_255 = tpu.memref_slice %arg12[%dma_wait3A_244] : memref<8x!tpu.dma_semaphore, #tpu.memory_space<semaphore_mem>> -> memref<1x!tpu.dma_semaphore, #tpu.memory_space<semaphore_mem>>
      %dma_wait3A_256 = tpu.memref_squeeze %dma_wait3A_255 : memref<1x!tpu.dma_semaphore, #tpu.memory_space<semaphore_mem>> -> memref<!tpu.dma_semaphore, #tpu.memory_space<semaphore_mem>>
      tpu.wait_indirect_dma semaphore(%dma_wait3A_256 : memref<!tpu.dma_semaphore, #tpu.memory_space<semaphore_mem>>) src(%dma_wait3A_254 : memref<10240x16xf32, #tpu.memory_space<vmem_shared>>) dst(%dma_wait3A_248 : memref<128x16xf32, #tpu.memory_space<vmem>>)
      %add3A_257 = arith.constant 3 : i32
      %add3A_258 = arith.addi %mul3A_145, %add3A_257 : i32
      %dma_start3A_259 = arith.constant 3 : i32
      %dma_start3A_260 = arith.constant 3 : i32
      %dma_start3A_261 = arith.constant 0 : i32
      %dma_start3A_262 = arith.constant 0 : i32
      %dma_start3A_263 = tpu.memref_slice %arg8[%dma_start3A_259, %dma_start3A_261, %dma_start3A_262] : memref<8x128x16xf32, #tpu.memory_space<vmem>> -> memref<1x128x16xf32, #tpu.memory_space<vmem>>
      %dma_start3A_264 = tpu.memref_squeeze %dma_start3A_263 : memref<1x128x16xf32, #tpu.memory_space<vmem>> -> memref<128x16xf32, #tpu.memory_space<vmem>>
      %dma_start3A_265 = arith.constant 0 : i32
      %dma_start3A_266 = tpu.memref_slice %arg7[%add3A_258, %dma_start3A_265] : memref<80x128xi32, #tpu.memory_space<vmem>> -> memref<1x128xi32, #tpu.memory_space<vmem>>
      %dma_start3A_267 = tpu.memref_squeeze %dma_start3A_266 : memref<1x128xi32, #tpu.memory_space<vmem>> -> memref<128xi32, #tpu.memory_space<vmem>>
      %dma_start3A_268 = arith.constant 0 : i32
      %dma_start3A_269 = arith.constant 0 : i32
      %dma_start3A_270 = tpu.memref_slice %arg11[%dma_start3A_268, %dma_start3A_269] : memref<10240x16xf32, #tpu.memory_space<vmem_shared>> -> memref<10240x16xf32, #tpu.memory_space<vmem_shared>>
      %dma_start3A_271 = tpu.memref_slice %arg13[%dma_start3A_260] : memref<8x!tpu.dma_semaphore, #tpu.memory_space<semaphore_mem>> -> memref<1x!tpu.dma_semaphore, #tpu.memory_space<semaphore_mem>>
      %dma_start3A_272 = tpu.memref_squeeze %dma_start3A_271 : memref<1x!tpu.dma_semaphore, #tpu.memory_space<semaphore_mem>> -> memref<!tpu.dma_semaphore, #tpu.memory_space<semaphore_mem>>
      tpu.enqueue_indirect_dma source(%dma_start3A_264 : memref<128x16xf32, #tpu.memory_space<vmem>>) target(%dma_start3A_270 : memref<10240x16xf32, #tpu.memory_space<vmem_shared>>) offsets(%dma_start3A_267 : memref<128xi32, #tpu.memory_space<vmem>>) semaphore(%dma_start3A_272 : memref<!tpu.dma_semaphore, #tpu.memory_space<semaphore_mem>>) {add = true}
      %add3A_273 = arith.constant 4 : i32
      %add3A_274 = arith.addi %mul3A_145, %add3A_273 : i32
      %dma_wait3A_275 = arith.constant 4 : i32
      %dma_wait3A_276 = arith.constant 4 : i32
      %dma_wait3A_277 = arith.constant 0 : i32
      %dma_wait3A_278 = arith.constant 0 : i32
      %dma_wait3A_279 = tpu.memref_slice %arg8[%dma_wait3A_275, %dma_wait3A_277, %dma_wait3A_278] : memref<8x128x16xf32, #tpu.memory_space<vmem>> -> memref<1x128x16xf32, #tpu.memory_space<vmem>>
      %dma_wait3A_280 = tpu.memref_squeeze %dma_wait3A_279 : memref<1x128x16xf32, #tpu.memory_space<vmem>> -> memref<128x16xf32, #tpu.memory_space<vmem>>
      %dma_wait3A_281 = arith.constant 0 : i32
      %dma_wait3A_282 = tpu.memref_slice %arg6[%add3A_274, %dma_wait3A_281] : memref<80x128xi32, #tpu.memory_space<vmem>> -> memref<1x128xi32, #tpu.memory_space<vmem>>
      %dma_wait3A_283 = tpu.memref_squeeze %dma_wait3A_282 : memref<1x128xi32, #tpu.memory_space<vmem>> -> memref<128xi32, #tpu.memory_space<vmem>>
      %dma_wait3A_284 = arith.constant 0 : i32
      %dma_wait3A_285 = arith.constant 0 : i32
      %dma_wait3A_286 = tpu.memref_slice %arg10[%dma_wait3A_284, %dma_wait3A_285] : memref<10240x16xf32, #tpu.memory_space<vmem_shared>> -> memref<10240x16xf32, #tpu.memory_space<vmem_shared>>
      %dma_wait3A_287 = tpu.memref_slice %arg12[%dma_wait3A_276] : memref<8x!tpu.dma_semaphore, #tpu.memory_space<semaphore_mem>> -> memref<1x!tpu.dma_semaphore, #tpu.memory_space<semaphore_mem>>
      %dma_wait3A_288 = tpu.memref_squeeze %dma_wait3A_287 : memref<1x!tpu.dma_semaphore, #tpu.memory_space<semaphore_mem>> -> memref<!tpu.dma_semaphore, #tpu.memory_space<semaphore_mem>>
      tpu.wait_indirect_dma semaphore(%dma_wait3A_288 : memref<!tpu.dma_semaphore, #tpu.memory_space<semaphore_mem>>) src(%dma_wait3A_286 : memref<10240x16xf32, #tpu.memory_space<vmem_shared>>) dst(%dma_wait3A_280 : memref<128x16xf32, #tpu.memory_space<vmem>>)
      %add3A_289 = arith.constant 4 : i32
      %add3A_290 = arith.addi %mul3A_145, %add3A_289 : i32
      %dma_start3A_291 = arith.constant 4 : i32
      %dma_start3A_292 = arith.constant 4 : i32
      %dma_start3A_293 = arith.constant 0 : i32
      %dma_start3A_294 = arith.constant 0 : i32
      %dma_start3A_295 = tpu.memref_slice %arg8[%dma_start3A_291, %dma_start3A_293, %dma_start3A_294] : memref<8x128x16xf32, #tpu.memory_space<vmem>> -> memref<1x128x16xf32, #tpu.memory_space<vmem>>
      %dma_start3A_296 = tpu.memref_squeeze %dma_start3A_295 : memref<1x128x16xf32, #tpu.memory_space<vmem>> -> memref<128x16xf32, #tpu.memory_space<vmem>>
      %dma_start3A_297 = arith.constant 0 : i32
      %dma_start3A_298 = tpu.memref_slice %arg7[%add3A_290, %dma_start3A_297] : memref<80x128xi32, #tpu.memory_space<vmem>> -> memref<1x128xi32, #tpu.memory_space<vmem>>
      %dma_start3A_299 = tpu.memref_squeeze %dma_start3A_298 : memref<1x128xi32, #tpu.memory_space<vmem>> -> memref<128xi32, #tpu.memory_space<vmem>>
      %dma_start3A_300 = arith.constant 0 : i32
      %dma_start3A_301 = arith.constant 0 : i32
      %dma_start3A_302 = tpu.memref_slice %arg11[%dma_start3A_300, %dma_start3A_301] : memref<10240x16xf32, #tpu.memory_space<vmem_shared>> -> memref<10240x16xf32, #tpu.memory_space<vmem_shared>>
      %dma_start3A_303 = tpu.memref_slice %arg13[%dma_start3A_292] : memref<8x!tpu.dma_semaphore, #tpu.memory_space<semaphore_mem>> -> memref<1x!tpu.dma_semaphore, #tpu.memory_space<semaphore_mem>>
      %dma_start3A_304 = tpu.memref_squeeze %dma_start3A_303 : memref<1x!tpu.dma_semaphore, #tpu.memory_space<semaphore_mem>> -> memref<!tpu.dma_semaphore, #tpu.memory_space<semaphore_mem>>
      tpu.enqueue_indirect_dma source(%dma_start3A_296 : memref<128x16xf32, #tpu.memory_space<vmem>>) target(%dma_start3A_302 : memref<10240x16xf32, #tpu.memory_space<vmem_shared>>) offsets(%dma_start3A_299 : memref<128xi32, #tpu.memory_space<vmem>>) semaphore(%dma_start3A_304 : memref<!tpu.dma_semaphore, #tpu.memory_space<semaphore_mem>>) {add = true}
      %add3A_305 = arith.constant 5 : i32
      %add3A_306 = arith.addi %mul3A_145, %add3A_305 : i32
      %dma_wait3A_307 = arith.constant 5 : i32
      %dma_wait3A_308 = arith.constant 5 : i32
      %dma_wait3A_309 = arith.constant 0 : i32
      %dma_wait3A_310 = arith.constant 0 : i32
      %dma_wait3A_311 = tpu.memref_slice %arg8[%dma_wait3A_307, %dma_wait3A_309, %dma_wait3A_310] : memref<8x128x16xf32, #tpu.memory_space<vmem>> -> memref<1x128x16xf32, #tpu.memory_space<vmem>>
      %dma_wait3A_312 = tpu.memref_squeeze %dma_wait3A_311 : memref<1x128x16xf32, #tpu.memory_space<vmem>> -> memref<128x16xf32, #tpu.memory_space<vmem>>
      %dma_wait3A_313 = arith.constant 0 : i32
      %dma_wait3A_314 = tpu.memref_slice %arg6[%add3A_306, %dma_wait3A_313] : memref<80x128xi32, #tpu.memory_space<vmem>> -> memref<1x128xi32, #tpu.memory_space<vmem>>
      %dma_wait3A_315 = tpu.memref_squeeze %dma_wait3A_314 : memref<1x128xi32, #tpu.memory_space<vmem>> -> memref<128xi32, #tpu.memory_space<vmem>>
      %dma_wait3A_316 = arith.constant 0 : i32
      %dma_wait3A_317 = arith.constant 0 : i32
      %dma_wait3A_318 = tpu.memref_slice %arg10[%dma_wait3A_316, %dma_wait3A_317] : memref<10240x16xf32, #tpu.memory_space<vmem_shared>> -> memref<10240x16xf32, #tpu.memory_space<vmem_shared>>
      %dma_wait3A_319 = tpu.memref_slice %arg12[%dma_wait3A_308] : memref<8x!tpu.dma_semaphore, #tpu.memory_space<semaphore_mem>> -> memref<1x!tpu.dma_semaphore, #tpu.memory_space<semaphore_mem>>
      %dma_wait3A_320 = tpu.memref_squeeze %dma_wait3A_319 : memref<1x!tpu.dma_semaphore, #tpu.memory_space<semaphore_mem>> -> memref<!tpu.dma_semaphore, #tpu.memory_space<semaphore_mem>>
      tpu.wait_indirect_dma semaphore(%dma_wait3A_320 : memref<!tpu.dma_semaphore, #tpu.memory_space<semaphore_mem>>) src(%dma_wait3A_318 : memref<10240x16xf32, #tpu.memory_space<vmem_shared>>) dst(%dma_wait3A_312 : memref<128x16xf32, #tpu.memory_space<vmem>>)
      %add3A_321 = arith.constant 5 : i32
      %add3A_322 = arith.addi %mul3A_145, %add3A_321 : i32
      %dma_start3A_323 = arith.constant 5 : i32
      %dma_start3A_324 = arith.constant 5 : i32
      %dma_start3A_325 = arith.constant 0 : i32
      %dma_start3A_326 = arith.constant 0 : i32
      %dma_start3A_327 = tpu.memref_slice %arg8[%dma_start3A_323, %dma_start3A_325, %dma_start3A_326] : memref<8x128x16xf32, #tpu.memory_space<vmem>> -> memref<1x128x16xf32, #tpu.memory_space<vmem>>
      %dma_start3A_328 = tpu.memref_squeeze %dma_start3A_327 : memref<1x128x16xf32, #tpu.memory_space<vmem>> -> memref<128x16xf32, #tpu.memory_space<vmem>>
      %dma_start3A_329 = arith.constant 0 : i32
      %dma_start3A_330 = tpu.memref_slice %arg7[%add3A_322, %dma_start3A_329] : memref<80x128xi32, #tpu.memory_space<vmem>> -> memref<1x128xi32, #tpu.memory_space<vmem>>
      %dma_start3A_331 = tpu.memref_squeeze %dma_start3A_330 : memref<1x128xi32, #tpu.memory_space<vmem>> -> memref<128xi32, #tpu.memory_space<vmem>>
      %dma_start3A_332 = arith.constant 0 : i32
      %dma_start3A_333 = arith.constant 0 : i32
      %dma_start3A_334 = tpu.memref_slice %arg11[%dma_start3A_332, %dma_start3A_333] : memref<10240x16xf32, #tpu.memory_space<vmem_shared>> -> memref<10240x16xf32, #tpu.memory_space<vmem_shared>>
      %dma_start3A_335 = tpu.memref_slice %arg13[%dma_start3A_324] : memref<8x!tpu.dma_semaphore, #tpu.memory_space<semaphore_mem>> -> memref<1x!tpu.dma_semaphore, #tpu.memory_space<semaphore_mem>>
      %dma_start3A_336 = tpu.memref_squeeze %dma_start3A_335 : memref<1x!tpu.dma_semaphore, #tpu.memory_space<semaphore_mem>> -> memref<!tpu.dma_semaphore, #tpu.memory_space<semaphore_mem>>
      tpu.enqueue_indirect_dma source(%dma_start3A_328 : memref<128x16xf32, #tpu.memory_space<vmem>>) target(%dma_start3A_334 : memref<10240x16xf32, #tpu.memory_space<vmem_shared>>) offsets(%dma_start3A_331 : memref<128xi32, #tpu.memory_space<vmem>>) semaphore(%dma_start3A_336 : memref<!tpu.dma_semaphore, #tpu.memory_space<semaphore_mem>>) {add = true}
      %add3A_337 = arith.constant 6 : i32
      %add3A_338 = arith.addi %mul3A_145, %add3A_337 : i32
      %dma_wait3A_339 = arith.constant 6 : i32
      %dma_wait3A_340 = arith.constant 6 : i32
      %dma_wait3A_341 = arith.constant 0 : i32
      %dma_wait3A_342 = arith.constant 0 : i32
      %dma_wait3A_343 = tpu.memref_slice %arg8[%dma_wait3A_339, %dma_wait3A_341, %dma_wait3A_342] : memref<8x128x16xf32, #tpu.memory_space<vmem>> -> memref<1x128x16xf32, #tpu.memory_space<vmem>>
      %dma_wait3A_344 = tpu.memref_squeeze %dma_wait3A_343 : memref<1x128x16xf32, #tpu.memory_space<vmem>> -> memref<128x16xf32, #tpu.memory_space<vmem>>
      %dma_wait3A_345 = arith.constant 0 : i32
      %dma_wait3A_346 = tpu.memref_slice %arg6[%add3A_338, %dma_wait3A_345] : memref<80x128xi32, #tpu.memory_space<vmem>> -> memref<1x128xi32, #tpu.memory_space<vmem>>
      %dma_wait3A_347 = tpu.memref_squeeze %dma_wait3A_346 : memref<1x128xi32, #tpu.memory_space<vmem>> -> memref<128xi32, #tpu.memory_space<vmem>>
      %dma_wait3A_348 = arith.constant 0 : i32
      %dma_wait3A_349 = arith.constant 0 : i32
      %dma_wait3A_350 = tpu.memref_slice %arg10[%dma_wait3A_348, %dma_wait3A_349] : memref<10240x16xf32, #tpu.memory_space<vmem_shared>> -> memref<10240x16xf32, #tpu.memory_space<vmem_shared>>
      %dma_wait3A_351 = tpu.memref_slice %arg12[%dma_wait3A_340] : memref<8x!tpu.dma_semaphore, #tpu.memory_space<semaphore_mem>> -> memref<1x!tpu.dma_semaphore, #tpu.memory_space<semaphore_mem>>
      %dma_wait3A_352 = tpu.memref_squeeze %dma_wait3A_351 : memref<1x!tpu.dma_semaphore, #tpu.memory_space<semaphore_mem>> -> memref<!tpu.dma_semaphore, #tpu.memory_space<semaphore_mem>>
      tpu.wait_indirect_dma semaphore(%dma_wait3A_352 : memref<!tpu.dma_semaphore, #tpu.memory_space<semaphore_mem>>) src(%dma_wait3A_350 : memref<10240x16xf32, #tpu.memory_space<vmem_shared>>) dst(%dma_wait3A_344 : memref<128x16xf32, #tpu.memory_space<vmem>>)
      %add3A_353 = arith.constant 6 : i32
      %add3A_354 = arith.addi %mul3A_145, %add3A_353 : i32
      %dma_start3A_355 = arith.constant 6 : i32
      %dma_start3A_356 = arith.constant 6 : i32
      %dma_start3A_357 = arith.constant 0 : i32
      %dma_start3A_358 = arith.constant 0 : i32
      %dma_start3A_359 = tpu.memref_slice %arg8[%dma_start3A_355, %dma_start3A_357, %dma_start3A_358] : memref<8x128x16xf32, #tpu.memory_space<vmem>> -> memref<1x128x16xf32, #tpu.memory_space<vmem>>
      %dma_start3A_360 = tpu.memref_squeeze %dma_start3A_359 : memref<1x128x16xf32, #tpu.memory_space<vmem>> -> memref<128x16xf32, #tpu.memory_space<vmem>>
      %dma_start3A_361 = arith.constant 0 : i32
      %dma_start3A_362 = tpu.memref_slice %arg7[%add3A_354, %dma_start3A_361] : memref<80x128xi32, #tpu.memory_space<vmem>> -> memref<1x128xi32, #tpu.memory_space<vmem>>
      %dma_start3A_363 = tpu.memref_squeeze %dma_start3A_362 : memref<1x128xi32, #tpu.memory_space<vmem>> -> memref<128xi32, #tpu.memory_space<vmem>>
      %dma_start3A_364 = arith.constant 0 : i32
      %dma_start3A_365 = arith.constant 0 : i32
      %dma_start3A_366 = tpu.memref_slice %arg11[%dma_start3A_364, %dma_start3A_365] : memref<10240x16xf32, #tpu.memory_space<vmem_shared>> -> memref<10240x16xf32, #tpu.memory_space<vmem_shared>>
      %dma_start3A_367 = tpu.memref_slice %arg13[%dma_start3A_356] : memref<8x!tpu.dma_semaphore, #tpu.memory_space<semaphore_mem>> -> memref<1x!tpu.dma_semaphore, #tpu.memory_space<semaphore_mem>>
      %dma_start3A_368 = tpu.memref_squeeze %dma_start3A_367 : memref<1x!tpu.dma_semaphore, #tpu.memory_space<semaphore_mem>> -> memref<!tpu.dma_semaphore, #tpu.memory_space<semaphore_mem>>
      tpu.enqueue_indirect_dma source(%dma_start3A_360 : memref<128x16xf32, #tpu.memory_space<vmem>>) target(%dma_start3A_366 : memref<10240x16xf32, #tpu.memory_space<vmem_shared>>) offsets(%dma_start3A_363 : memref<128xi32, #tpu.memory_space<vmem>>) semaphore(%dma_start3A_368 : memref<!tpu.dma_semaphore, #tpu.memory_space<semaphore_mem>>) {add = true}
      %add3A_369 = arith.constant 7 : i32
      %add3A_370 = arith.addi %mul3A_145, %add3A_369 : i32
      %dma_wait3A_371 = arith.constant 7 : i32
      %dma_wait3A_372 = arith.constant 7 : i32
      %dma_wait3A_373 = arith.constant 0 : i32
      %dma_wait3A_374 = arith.constant 0 : i32
      %dma_wait3A_375 = tpu.memref_slice %arg8[%dma_wait3A_371, %dma_wait3A_373, %dma_wait3A_374] : memref<8x128x16xf32, #tpu.memory_space<vmem>> -> memref<1x128x16xf32, #tpu.memory_space<vmem>>
      %dma_wait3A_376 = tpu.memref_squeeze %dma_wait3A_375 : memref<1x128x16xf32, #tpu.memory_space<vmem>> -> memref<128x16xf32, #tpu.memory_space<vmem>>
      %dma_wait3A_377 = arith.constant 0 : i32
      %dma_wait3A_378 = tpu.memref_slice %arg6[%add3A_370, %dma_wait3A_377] : memref<80x128xi32, #tpu.memory_space<vmem>> -> memref<1x128xi32, #tpu.memory_space<vmem>>
      %dma_wait3A_379 = tpu.memref_squeeze %dma_wait3A_378 : memref<1x128xi32, #tpu.memory_space<vmem>> -> memref<128xi32, #tpu.memory_space<vmem>>
      %dma_wait3A_380 = arith.constant 0 : i32
      %dma_wait3A_381 = arith.constant 0 : i32
      %dma_wait3A_382 = tpu.memref_slice %arg10[%dma_wait3A_380, %dma_wait3A_381] : memref<10240x16xf32, #tpu.memory_space<vmem_shared>> -> memref<10240x16xf32, #tpu.memory_space<vmem_shared>>
      %dma_wait3A_383 = tpu.memref_slice %arg12[%dma_wait3A_372] : memref<8x!tpu.dma_semaphore, #tpu.memory_space<semaphore_mem>> -> memref<1x!tpu.dma_semaphore, #tpu.memory_space<semaphore_mem>>
      %dma_wait3A_384 = tpu.memref_squeeze %dma_wait3A_383 : memref<1x!tpu.dma_semaphore, #tpu.memory_space<semaphore_mem>> -> memref<!tpu.dma_semaphore, #tpu.memory_space<semaphore_mem>>
      tpu.wait_indirect_dma semaphore(%dma_wait3A_384 : memref<!tpu.dma_semaphore, #tpu.memory_space<semaphore_mem>>) src(%dma_wait3A_382 : memref<10240x16xf32, #tpu.memory_space<vmem_shared>>) dst(%dma_wait3A_376 : memref<128x16xf32, #tpu.memory_space<vmem>>)
      %add3A_385 = arith.constant 7 : i32
      %add3A_386 = arith.addi %mul3A_145, %add3A_385 : i32
      %dma_start3A_387 = arith.constant 7 : i32
      %dma_start3A_388 = arith.constant 7 : i32
      %dma_start3A_389 = arith.constant 0 : i32
      %dma_start3A_390 = arith.constant 0 : i32
      %dma_start3A_391 = tpu.memref_slice %arg8[%dma_start3A_387, %dma_start3A_389, %dma_start3A_390] : memref<8x128x16xf32, #tpu.memory_space<vmem>> -> memref<1x128x16xf32, #tpu.memory_space<vmem>>
      %dma_start3A_392 = tpu.memref_squeeze %dma_start3A_391 : memref<1x128x16xf32, #tpu.memory_space<vmem>> -> memref<128x16xf32, #tpu.memory_space<vmem>>
      %dma_start3A_393 = arith.constant 0 : i32
      %dma_start3A_394 = tpu.memref_slice %arg7[%add3A_386, %dma_start3A_393] : memref<80x128xi32, #tpu.memory_space<vmem>> -> memref<1x128xi32, #tpu.memory_space<vmem>>
      %dma_start3A_395 = tpu.memref_squeeze %dma_start3A_394 : memref<1x128xi32, #tpu.memory_space<vmem>> -> memref<128xi32, #tpu.memory_space<vmem>>
      %dma_start3A_396 = arith.constant 0 : i32
      %dma_start3A_397 = arith.constant 0 : i32
      %dma_start3A_398 = tpu.memref_slice %arg11[%dma_start3A_396, %dma_start3A_397] : memref<10240x16xf32, #tpu.memory_space<vmem_shared>> -> memref<10240x16xf32, #tpu.memory_space<vmem_shared>>
      %dma_start3A_399 = tpu.memref_slice %arg13[%dma_start3A_388] : memref<8x!tpu.dma_semaphore, #tpu.memory_space<semaphore_mem>> -> memref<1x!tpu.dma_semaphore, #tpu.memory_space<semaphore_mem>>
      %dma_start3A_400 = tpu.memref_squeeze %dma_start3A_399 : memref<1x!tpu.dma_semaphore, #tpu.memory_space<semaphore_mem>> -> memref<!tpu.dma_semaphore, #tpu.memory_space<semaphore_mem>>
      tpu.enqueue_indirect_dma source(%dma_start3A_392 : memref<128x16xf32, #tpu.memory_space<vmem>>) target(%dma_start3A_398 : memref<10240x16xf32, #tpu.memory_space<vmem_shared>>) offsets(%dma_start3A_395 : memref<128xi32, #tpu.memory_space<vmem>>) semaphore(%dma_start3A_400 : memref<!tpu.dma_semaphore, #tpu.memory_space<semaphore_mem>>) {add = true}
      %add3A_401 = arith.constant 0 : i32
      %add3A_402 = arith.addi %mul3A_145, %add3A_401 : i32
      %dma_wait3A_403 = arith.constant 0 : i32
      %dma_wait3A_404 = arith.constant 0 : i32
      %dma_wait3A_405 = arith.constant 0 : i32
      %dma_wait3A_406 = arith.constant 0 : i32
      %dma_wait3A_407 = tpu.memref_slice %arg8[%dma_wait3A_403, %dma_wait3A_405, %dma_wait3A_406] : memref<8x128x16xf32, #tpu.memory_space<vmem>> -> memref<1x128x16xf32, #tpu.memory_space<vmem>>
      %dma_wait3A_408 = tpu.memref_squeeze %dma_wait3A_407 : memref<1x128x16xf32, #tpu.memory_space<vmem>> -> memref<128x16xf32, #tpu.memory_space<vmem>>
      %dma_wait3A_409 = arith.constant 0 : i32
      %dma_wait3A_410 = tpu.memref_slice %arg7[%add3A_402, %dma_wait3A_409] : memref<80x128xi32, #tpu.memory_space<vmem>> -> memref<1x128xi32, #tpu.memory_space<vmem>>
      %dma_wait3A_411 = tpu.memref_squeeze %dma_wait3A_410 : memref<1x128xi32, #tpu.memory_space<vmem>> -> memref<128xi32, #tpu.memory_space<vmem>>
      %dma_wait3A_412 = arith.constant 0 : i32
      %dma_wait3A_413 = arith.constant 0 : i32
      %dma_wait3A_414 = tpu.memref_slice %arg11[%dma_wait3A_412, %dma_wait3A_413] : memref<10240x16xf32, #tpu.memory_space<vmem_shared>> -> memref<10240x16xf32, #tpu.memory_space<vmem_shared>>
      %dma_wait3A_415 = tpu.memref_slice %arg13[%dma_wait3A_404] : memref<8x!tpu.dma_semaphore, #tpu.memory_space<semaphore_mem>> -> memref<1x!tpu.dma_semaphore, #tpu.memory_space<semaphore_mem>>
      %dma_wait3A_416 = tpu.memref_squeeze %dma_wait3A_415 : memref<1x!tpu.dma_semaphore, #tpu.memory_space<semaphore_mem>> -> memref<!tpu.dma_semaphore, #tpu.memory_space<semaphore_mem>>
      tpu.wait_indirect_dma semaphore(%dma_wait3A_416 : memref<!tpu.dma_semaphore, #tpu.memory_space<semaphore_mem>>) src(%dma_wait3A_408 : memref<128x16xf32, #tpu.memory_space<vmem>>) dst(%dma_wait3A_414 : memref<10240x16xf32, #tpu.memory_space<vmem_shared>>)
      %lt3A = arith.constant 9 : i32
      %lt3A_417 = arith.cmpi slt, %scan3A_143, %lt3A : i32
      %convert_element_type3A = arith.extui %lt3A_417 : i1 to i32
      %cond3A = arith.constant 0 : i32
      %cond3A_418 = arith.cmpi ne, %convert_element_type3A, %cond3A : i32
      scf.if %cond3A_418 {
        %add3A_566 = arith.constant 8 : i32
        %add3A_567 = arith.addi %mul3A_145, %add3A_566 : i32
        %add3A_568 = arith.constant 0 : i32
        %add3A_569 = arith.addi %add3A_567, %add3A_568 : i32
        %dma_start3A_570 = arith.constant 0 : i32
        %dma_start3A_571 = arith.constant 0 : i32
        %dma_start3A_572 = arith.constant 0 : i32
        %dma_start3A_573 = arith.constant 0 : i32
        %dma_start3A_574 = tpu.memref_slice %arg8[%dma_start3A_570, %dma_start3A_572, %dma_start3A_573] : memref<8x128x16xf32, #tpu.memory_space<vmem>> -> memref<1x128x16xf32, #tpu.memory_space<vmem>>
        %dma_start3A_575 = tpu.memref_squeeze %dma_start3A_574 : memref<1x128x16xf32, #tpu.memory_space<vmem>> -> memref<128x16xf32, #tpu.memory_space<vmem>>
        %dma_start3A_576 = arith.constant 0 : i32
        %dma_start3A_577 = tpu.memref_slice %arg6[%add3A_569, %dma_start3A_576] : memref<80x128xi32, #tpu.memory_space<vmem>> -> memref<1x128xi32, #tpu.memory_space<vmem>>
        %dma_start3A_578 = tpu.memref_squeeze %dma_start3A_577 : memref<1x128xi32, #tpu.memory_space<vmem>> -> memref<128xi32, #tpu.memory_space<vmem>>
        %dma_start3A_579 = arith.constant 0 : i32
        %dma_start3A_580 = arith.constant 0 : i32
        %dma_start3A_581 = tpu.memref_slice %arg10[%dma_start3A_579, %dma_start3A_580] : memref<10240x16xf32, #tpu.memory_space<vmem_shared>> -> memref<10240x16xf32, #tpu.memory_space<vmem_shared>>
        %dma_start3A_582 = tpu.memref_slice %arg12[%dma_start3A_571] : memref<8x!tpu.dma_semaphore, #tpu.memory_space<semaphore_mem>> -> memref<1x!tpu.dma_semaphore, #tpu.memory_space<semaphore_mem>>
        %dma_start3A_583 = tpu.memref_squeeze %dma_start3A_582 : memref<1x!tpu.dma_semaphore, #tpu.memory_space<semaphore_mem>> -> memref<!tpu.dma_semaphore, #tpu.memory_space<semaphore_mem>>
        tpu.enqueue_indirect_dma source(%dma_start3A_581 : memref<10240x16xf32, #tpu.memory_space<vmem_shared>>) target(%dma_start3A_575 : memref<128x16xf32, #tpu.memory_space<vmem>>) offsets(%dma_start3A_578 : memref<128xi32, #tpu.memory_space<vmem>>) semaphore(%dma_start3A_583 : memref<!tpu.dma_semaphore, #tpu.memory_space<semaphore_mem>>)
      } else {
      }
      %add3A_419 = arith.constant 1 : i32
      %add3A_420 = arith.addi %mul3A_145, %add3A_419 : i32
      %dma_wait3A_421 = arith.constant 1 : i32
      %dma_wait3A_422 = arith.constant 1 : i32
      %dma_wait3A_423 = arith.constant 0 : i32
      %dma_wait3A_424 = arith.constant 0 : i32
      %dma_wait3A_425 = tpu.memref_slice %arg8[%dma_wait3A_421, %dma_wait3A_423, %dma_wait3A_424] : memref<8x128x16xf32, #tpu.memory_space<vmem>> -> memref<1x128x16xf32, #tpu.memory_space<vmem>>
      %dma_wait3A_426 = tpu.memref_squeeze %dma_wait3A_425 : memref<1x128x16xf32, #tpu.memory_space<vmem>> -> memref<128x16xf32, #tpu.memory_space<vmem>>
      %dma_wait3A_427 = arith.constant 0 : i32
      %dma_wait3A_428 = tpu.memref_slice %arg7[%add3A_420, %dma_wait3A_427] : memref<80x128xi32, #tpu.memory_space<vmem>> -> memref<1x128xi32, #tpu.memory_space<vmem>>
      %dma_wait3A_429 = tpu.memref_squeeze %dma_wait3A_428 : memref<1x128xi32, #tpu.memory_space<vmem>> -> memref<128xi32, #tpu.memory_space<vmem>>
      %dma_wait3A_430 = arith.constant 0 : i32
      %dma_wait3A_431 = arith.constant 0 : i32
      %dma_wait3A_432 = tpu.memref_slice %arg11[%dma_wait3A_430, %dma_wait3A_431] : memref<10240x16xf32, #tpu.memory_space<vmem_shared>> -> memref<10240x16xf32, #tpu.memory_space<vmem_shared>>
      %dma_wait3A_433 = tpu.memref_slice %arg13[%dma_wait3A_422] : memref<8x!tpu.dma_semaphore, #tpu.memory_space<semaphore_mem>> -> memref<1x!tpu.dma_semaphore, #tpu.memory_space<semaphore_mem>>
      %dma_wait3A_434 = tpu.memref_squeeze %dma_wait3A_433 : memref<1x!tpu.dma_semaphore, #tpu.memory_space<semaphore_mem>> -> memref<!tpu.dma_semaphore, #tpu.memory_space<semaphore_mem>>
      tpu.wait_indirect_dma semaphore(%dma_wait3A_434 : memref<!tpu.dma_semaphore, #tpu.memory_space<semaphore_mem>>) src(%dma_wait3A_426 : memref<128x16xf32, #tpu.memory_space<vmem>>) dst(%dma_wait3A_432 : memref<10240x16xf32, #tpu.memory_space<vmem_shared>>)
      %lt3A_435 = arith.constant 9 : i32
      %lt3A_436 = arith.cmpi slt, %scan3A_143, %lt3A_435 : i32
      %convert_element_type3A_437 = arith.extui %lt3A_436 : i1 to i32
      %cond3A_438 = arith.constant 0 : i32
      %cond3A_439 = arith.cmpi ne, %convert_element_type3A_437, %cond3A_438 : i32
      scf.if %cond3A_439 {
        %add3A_566 = arith.constant 8 : i32
        %add3A_567 = arith.addi %mul3A_145, %add3A_566 : i32
        %add3A_568 = arith.constant 1 : i32
        %add3A_569 = arith.addi %add3A_567, %add3A_568 : i32
        %dma_start3A_570 = arith.constant 1 : i32
        %dma_start3A_571 = arith.constant 1 : i32
        %dma_start3A_572 = arith.constant 0 : i32
        %dma_start3A_573 = arith.constant 0 : i32
        %dma_start3A_574 = tpu.memref_slice %arg8[%dma_start3A_570, %dma_start3A_572, %dma_start3A_573] : memref<8x128x16xf32, #tpu.memory_space<vmem>> -> memref<1x128x16xf32, #tpu.memory_space<vmem>>
        %dma_start3A_575 = tpu.memref_squeeze %dma_start3A_574 : memref<1x128x16xf32, #tpu.memory_space<vmem>> -> memref<128x16xf32, #tpu.memory_space<vmem>>
        %dma_start3A_576 = arith.constant 0 : i32
        %dma_start3A_577 = tpu.memref_slice %arg6[%add3A_569, %dma_start3A_576] : memref<80x128xi32, #tpu.memory_space<vmem>> -> memref<1x128xi32, #tpu.memory_space<vmem>>
        %dma_start3A_578 = tpu.memref_squeeze %dma_start3A_577 : memref<1x128xi32, #tpu.memory_space<vmem>> -> memref<128xi32, #tpu.memory_space<vmem>>
        %dma_start3A_579 = arith.constant 0 : i32
        %dma_start3A_580 = arith.constant 0 : i32
        %dma_start3A_581 = tpu.memref_slice %arg10[%dma_start3A_579, %dma_start3A_580] : memref<10240x16xf32, #tpu.memory_space<vmem_shared>> -> memref<10240x16xf32, #tpu.memory_space<vmem_shared>>
        %dma_start3A_582 = tpu.memref_slice %arg12[%dma_start3A_571] : memref<8x!tpu.dma_semaphore, #tpu.memory_space<semaphore_mem>> -> memref<1x!tpu.dma_semaphore, #tpu.memory_space<semaphore_mem>>
        %dma_start3A_583 = tpu.memref_squeeze %dma_start3A_582 : memref<1x!tpu.dma_semaphore, #tpu.memory_space<semaphore_mem>> -> memref<!tpu.dma_semaphore, #tpu.memory_space<semaphore_mem>>
        tpu.enqueue_indirect_dma source(%dma_start3A_581 : memref<10240x16xf32, #tpu.memory_space<vmem_shared>>) target(%dma_start3A_575 : memref<128x16xf32, #tpu.memory_space<vmem>>) offsets(%dma_start3A_578 : memref<128xi32, #tpu.memory_space<vmem>>) semaphore(%dma_start3A_583 : memref<!tpu.dma_semaphore, #tpu.memory_space<semaphore_mem>>)
      } else {
      }
      %add3A_440 = arith.constant 2 : i32
      %add3A_441 = arith.addi %mul3A_145, %add3A_440 : i32
      %dma_wait3A_442 = arith.constant 2 : i32
      %dma_wait3A_443 = arith.constant 2 : i32
      %dma_wait3A_444 = arith.constant 0 : i32
      %dma_wait3A_445 = arith.constant 0 : i32
      %dma_wait3A_446 = tpu.memref_slice %arg8[%dma_wait3A_442, %dma_wait3A_444, %dma_wait3A_445] : memref<8x128x16xf32, #tpu.memory_space<vmem>> -> memref<1x128x16xf32, #tpu.memory_space<vmem>>
      %dma_wait3A_447 = tpu.memref_squeeze %dma_wait3A_446 : memref<1x128x16xf32, #tpu.memory_space<vmem>> -> memref<128x16xf32, #tpu.memory_space<vmem>>
      %dma_wait3A_448 = arith.constant 0 : i32
      %dma_wait3A_449 = tpu.memref_slice %arg7[%add3A_441, %dma_wait3A_448] : memref<80x128xi32, #tpu.memory_space<vmem>> -> memref<1x128xi32, #tpu.memory_space<vmem>>
      %dma_wait3A_450 = tpu.memref_squeeze %dma_wait3A_449 : memref<1x128xi32, #tpu.memory_space<vmem>> -> memref<128xi32, #tpu.memory_space<vmem>>
      %dma_wait3A_451 = arith.constant 0 : i32
      %dma_wait3A_452 = arith.constant 0 : i32
      %dma_wait3A_453 = tpu.memref_slice %arg11[%dma_wait3A_451, %dma_wait3A_452] : memref<10240x16xf32, #tpu.memory_space<vmem_shared>> -> memref<10240x16xf32, #tpu.memory_space<vmem_shared>>
      %dma_wait3A_454 = tpu.memref_slice %arg13[%dma_wait3A_443] : memref<8x!tpu.dma_semaphore, #tpu.memory_space<semaphore_mem>> -> memref<1x!tpu.dma_semaphore, #tpu.memory_space<semaphore_mem>>
      %dma_wait3A_455 = tpu.memref_squeeze %dma_wait3A_454 : memref<1x!tpu.dma_semaphore, #tpu.memory_space<semaphore_mem>> -> memref<!tpu.dma_semaphore, #tpu.memory_space<semaphore_mem>>
      tpu.wait_indirect_dma semaphore(%dma_wait3A_455 : memref<!tpu.dma_semaphore, #tpu.memory_space<semaphore_mem>>) src(%dma_wait3A_447 : memref<128x16xf32, #tpu.memory_space<vmem>>) dst(%dma_wait3A_453 : memref<10240x16xf32, #tpu.memory_space<vmem_shared>>)
      %lt3A_456 = arith.constant 9 : i32
      %lt3A_457 = arith.cmpi slt, %scan3A_143, %lt3A_456 : i32
      %convert_element_type3A_458 = arith.extui %lt3A_457 : i1 to i32
      %cond3A_459 = arith.constant 0 : i32
      %cond3A_460 = arith.cmpi ne, %convert_element_type3A_458, %cond3A_459 : i32
      scf.if %cond3A_460 {
        %add3A_566 = arith.constant 8 : i32
        %add3A_567 = arith.addi %mul3A_145, %add3A_566 : i32
        %add3A_568 = arith.constant 2 : i32
        %add3A_569 = arith.addi %add3A_567, %add3A_568 : i32
        %dma_start3A_570 = arith.constant 2 : i32
        %dma_start3A_571 = arith.constant 2 : i32
        %dma_start3A_572 = arith.constant 0 : i32
        %dma_start3A_573 = arith.constant 0 : i32
        %dma_start3A_574 = tpu.memref_slice %arg8[%dma_start3A_570, %dma_start3A_572, %dma_start3A_573] : memref<8x128x16xf32, #tpu.memory_space<vmem>> -> memref<1x128x16xf32, #tpu.memory_space<vmem>>
        %dma_start3A_575 = tpu.memref_squeeze %dma_start3A_574 : memref<1x128x16xf32, #tpu.memory_space<vmem>> -> memref<128x16xf32, #tpu.memory_space<vmem>>
        %dma_start3A_576 = arith.constant 0 : i32
        %dma_start3A_577 = tpu.memref_slice %arg6[%add3A_569, %dma_start3A_576] : memref<80x128xi32, #tpu.memory_space<vmem>> -> memref<1x128xi32, #tpu.memory_space<vmem>>
        %dma_start3A_578 = tpu.memref_squeeze %dma_start3A_577 : memref<1x128xi32, #tpu.memory_space<vmem>> -> memref<128xi32, #tpu.memory_space<vmem>>
        %dma_start3A_579 = arith.constant 0 : i32
        %dma_start3A_580 = arith.constant 0 : i32
        %dma_start3A_581 = tpu.memref_slice %arg10[%dma_start3A_579, %dma_start3A_580] : memref<10240x16xf32, #tpu.memory_space<vmem_shared>> -> memref<10240x16xf32, #tpu.memory_space<vmem_shared>>
        %dma_start3A_582 = tpu.memref_slice %arg12[%dma_start3A_571] : memref<8x!tpu.dma_semaphore, #tpu.memory_space<semaphore_mem>> -> memref<1x!tpu.dma_semaphore, #tpu.memory_space<semaphore_mem>>
        %dma_start3A_583 = tpu.memref_squeeze %dma_start3A_582 : memref<1x!tpu.dma_semaphore, #tpu.memory_space<semaphore_mem>> -> memref<!tpu.dma_semaphore, #tpu.memory_space<semaphore_mem>>
        tpu.enqueue_indirect_dma source(%dma_start3A_581 : memref<10240x16xf32, #tpu.memory_space<vmem_shared>>) target(%dma_start3A_575 : memref<128x16xf32, #tpu.memory_space<vmem>>) offsets(%dma_start3A_578 : memref<128xi32, #tpu.memory_space<vmem>>) semaphore(%dma_start3A_583 : memref<!tpu.dma_semaphore, #tpu.memory_space<semaphore_mem>>)
      } else {
      }
      %add3A_461 = arith.constant 3 : i32
      %add3A_462 = arith.addi %mul3A_145, %add3A_461 : i32
      %dma_wait3A_463 = arith.constant 3 : i32
      %dma_wait3A_464 = arith.constant 3 : i32
      %dma_wait3A_465 = arith.constant 0 : i32
      %dma_wait3A_466 = arith.constant 0 : i32
      %dma_wait3A_467 = tpu.memref_slice %arg8[%dma_wait3A_463, %dma_wait3A_465, %dma_wait3A_466] : memref<8x128x16xf32, #tpu.memory_space<vmem>> -> memref<1x128x16xf32, #tpu.memory_space<vmem>>
      %dma_wait3A_468 = tpu.memref_squeeze %dma_wait3A_467 : memref<1x128x16xf32, #tpu.memory_space<vmem>> -> memref<128x16xf32, #tpu.memory_space<vmem>>
      %dma_wait3A_469 = arith.constant 0 : i32
      %dma_wait3A_470 = tpu.memref_slice %arg7[%add3A_462, %dma_wait3A_469] : memref<80x128xi32, #tpu.memory_space<vmem>> -> memref<1x128xi32, #tpu.memory_space<vmem>>
      %dma_wait3A_471 = tpu.memref_squeeze %dma_wait3A_470 : memref<1x128xi32, #tpu.memory_space<vmem>> -> memref<128xi32, #tpu.memory_space<vmem>>
      %dma_wait3A_472 = arith.constant 0 : i32
      %dma_wait3A_473 = arith.constant 0 : i32
      %dma_wait3A_474 = tpu.memref_slice %arg11[%dma_wait3A_472, %dma_wait3A_473] : memref<10240x16xf32, #tpu.memory_space<vmem_shared>> -> memref<10240x16xf32, #tpu.memory_space<vmem_shared>>
      %dma_wait3A_475 = tpu.memref_slice %arg13[%dma_wait3A_464] : memref<8x!tpu.dma_semaphore, #tpu.memory_space<semaphore_mem>> -> memref<1x!tpu.dma_semaphore, #tpu.memory_space<semaphore_mem>>
      %dma_wait3A_476 = tpu.memref_squeeze %dma_wait3A_475 : memref<1x!tpu.dma_semaphore, #tpu.memory_space<semaphore_mem>> -> memref<!tpu.dma_semaphore, #tpu.memory_space<semaphore_mem>>
      tpu.wait_indirect_dma semaphore(%dma_wait3A_476 : memref<!tpu.dma_semaphore, #tpu.memory_space<semaphore_mem>>) src(%dma_wait3A_468 : memref<128x16xf32, #tpu.memory_space<vmem>>) dst(%dma_wait3A_474 : memref<10240x16xf32, #tpu.memory_space<vmem_shared>>)
      %lt3A_477 = arith.constant 9 : i32
      %lt3A_478 = arith.cmpi slt, %scan3A_143, %lt3A_477 : i32
      %convert_element_type3A_479 = arith.extui %lt3A_478 : i1 to i32
      %cond3A_480 = arith.constant 0 : i32
      %cond3A_481 = arith.cmpi ne, %convert_element_type3A_479, %cond3A_480 : i32
      scf.if %cond3A_481 {
        %add3A_566 = arith.constant 8 : i32
        %add3A_567 = arith.addi %mul3A_145, %add3A_566 : i32
        %add3A_568 = arith.constant 3 : i32
        %add3A_569 = arith.addi %add3A_567, %add3A_568 : i32
        %dma_start3A_570 = arith.constant 3 : i32
        %dma_start3A_571 = arith.constant 3 : i32
        %dma_start3A_572 = arith.constant 0 : i32
        %dma_start3A_573 = arith.constant 0 : i32
        %dma_start3A_574 = tpu.memref_slice %arg8[%dma_start3A_570, %dma_start3A_572, %dma_start3A_573] : memref<8x128x16xf32, #tpu.memory_space<vmem>> -> memref<1x128x16xf32, #tpu.memory_space<vmem>>
        %dma_start3A_575 = tpu.memref_squeeze %dma_start3A_574 : memref<1x128x16xf32, #tpu.memory_space<vmem>> -> memref<128x16xf32, #tpu.memory_space<vmem>>
        %dma_start3A_576 = arith.constant 0 : i32
        %dma_start3A_577 = tpu.memref_slice %arg6[%add3A_569, %dma_start3A_576] : memref<80x128xi32, #tpu.memory_space<vmem>> -> memref<1x128xi32, #tpu.memory_space<vmem>>
        %dma_start3A_578 = tpu.memref_squeeze %dma_start3A_577 : memref<1x128xi32, #tpu.memory_space<vmem>> -> memref<128xi32, #tpu.memory_space<vmem>>
        %dma_start3A_579 = arith.constant 0 : i32
        %dma_start3A_580 = arith.constant 0 : i32
        %dma_start3A_581 = tpu.memref_slice %arg10[%dma_start3A_579, %dma_start3A_580] : memref<10240x16xf32, #tpu.memory_space<vmem_shared>> -> memref<10240x16xf32, #tpu.memory_space<vmem_shared>>
        %dma_start3A_582 = tpu.memref_slice %arg12[%dma_start3A_571] : memref<8x!tpu.dma_semaphore, #tpu.memory_space<semaphore_mem>> -> memref<1x!tpu.dma_semaphore, #tpu.memory_space<semaphore_mem>>
        %dma_start3A_583 = tpu.memref_squeeze %dma_start3A_582 : memref<1x!tpu.dma_semaphore, #tpu.memory_space<semaphore_mem>> -> memref<!tpu.dma_semaphore, #tpu.memory_space<semaphore_mem>>
        tpu.enqueue_indirect_dma source(%dma_start3A_581 : memref<10240x16xf32, #tpu.memory_space<vmem_shared>>) target(%dma_start3A_575 : memref<128x16xf32, #tpu.memory_space<vmem>>) offsets(%dma_start3A_578 : memref<128xi32, #tpu.memory_space<vmem>>) semaphore(%dma_start3A_583 : memref<!tpu.dma_semaphore, #tpu.memory_space<semaphore_mem>>)
      } else {
      }
      %add3A_482 = arith.constant 4 : i32
      %add3A_483 = arith.addi %mul3A_145, %add3A_482 : i32
      %dma_wait3A_484 = arith.constant 4 : i32
      %dma_wait3A_485 = arith.constant 4 : i32
      %dma_wait3A_486 = arith.constant 0 : i32
      %dma_wait3A_487 = arith.constant 0 : i32
      %dma_wait3A_488 = tpu.memref_slice %arg8[%dma_wait3A_484, %dma_wait3A_486, %dma_wait3A_487] : memref<8x128x16xf32, #tpu.memory_space<vmem>> -> memref<1x128x16xf32, #tpu.memory_space<vmem>>
      %dma_wait3A_489 = tpu.memref_squeeze %dma_wait3A_488 : memref<1x128x16xf32, #tpu.memory_space<vmem>> -> memref<128x16xf32, #tpu.memory_space<vmem>>
      %dma_wait3A_490 = arith.constant 0 : i32
      %dma_wait3A_491 = tpu.memref_slice %arg7[%add3A_483, %dma_wait3A_490] : memref<80x128xi32, #tpu.memory_space<vmem>> -> memref<1x128xi32, #tpu.memory_space<vmem>>
      %dma_wait3A_492 = tpu.memref_squeeze %dma_wait3A_491 : memref<1x128xi32, #tpu.memory_space<vmem>> -> memref<128xi32, #tpu.memory_space<vmem>>
      %dma_wait3A_493 = arith.constant 0 : i32
      %dma_wait3A_494 = arith.constant 0 : i32
      %dma_wait3A_495 = tpu.memref_slice %arg11[%dma_wait3A_493, %dma_wait3A_494] : memref<10240x16xf32, #tpu.memory_space<vmem_shared>> -> memref<10240x16xf32, #tpu.memory_space<vmem_shared>>
      %dma_wait3A_496 = tpu.memref_slice %arg13[%dma_wait3A_485] : memref<8x!tpu.dma_semaphore, #tpu.memory_space<semaphore_mem>> -> memref<1x!tpu.dma_semaphore, #tpu.memory_space<semaphore_mem>>
      %dma_wait3A_497 = tpu.memref_squeeze %dma_wait3A_496 : memref<1x!tpu.dma_semaphore, #tpu.memory_space<semaphore_mem>> -> memref<!tpu.dma_semaphore, #tpu.memory_space<semaphore_mem>>
      tpu.wait_indirect_dma semaphore(%dma_wait3A_497 : memref<!tpu.dma_semaphore, #tpu.memory_space<semaphore_mem>>) src(%dma_wait3A_489 : memref<128x16xf32, #tpu.memory_space<vmem>>) dst(%dma_wait3A_495 : memref<10240x16xf32, #tpu.memory_space<vmem_shared>>)
      %lt3A_498 = arith.constant 9 : i32
      %lt3A_499 = arith.cmpi slt, %scan3A_143, %lt3A_498 : i32
      %convert_element_type3A_500 = arith.extui %lt3A_499 : i1 to i32
      %cond3A_501 = arith.constant 0 : i32
      %cond3A_502 = arith.cmpi ne, %convert_element_type3A_500, %cond3A_501 : i32
      scf.if %cond3A_502 {
        %add3A_566 = arith.constant 8 : i32
        %add3A_567 = arith.addi %mul3A_145, %add3A_566 : i32
        %add3A_568 = arith.constant 4 : i32
        %add3A_569 = arith.addi %add3A_567, %add3A_568 : i32
        %dma_start3A_570 = arith.constant 4 : i32
        %dma_start3A_571 = arith.constant 4 : i32
        %dma_start3A_572 = arith.constant 0 : i32
        %dma_start3A_573 = arith.constant 0 : i32
        %dma_start3A_574 = tpu.memref_slice %arg8[%dma_start3A_570, %dma_start3A_572, %dma_start3A_573] : memref<8x128x16xf32, #tpu.memory_space<vmem>> -> memref<1x128x16xf32, #tpu.memory_space<vmem>>
        %dma_start3A_575 = tpu.memref_squeeze %dma_start3A_574 : memref<1x128x16xf32, #tpu.memory_space<vmem>> -> memref<128x16xf32, #tpu.memory_space<vmem>>
        %dma_start3A_576 = arith.constant 0 : i32
        %dma_start3A_577 = tpu.memref_slice %arg6[%add3A_569, %dma_start3A_576] : memref<80x128xi32, #tpu.memory_space<vmem>> -> memref<1x128xi32, #tpu.memory_space<vmem>>
        %dma_start3A_578 = tpu.memref_squeeze %dma_start3A_577 : memref<1x128xi32, #tpu.memory_space<vmem>> -> memref<128xi32, #tpu.memory_space<vmem>>
        %dma_start3A_579 = arith.constant 0 : i32
        %dma_start3A_580 = arith.constant 0 : i32
        %dma_start3A_581 = tpu.memref_slice %arg10[%dma_start3A_579, %dma_start3A_580] : memref<10240x16xf32, #tpu.memory_space<vmem_shared>> -> memref<10240x16xf32, #tpu.memory_space<vmem_shared>>
        %dma_start3A_582 = tpu.memref_slice %arg12[%dma_start3A_571] : memref<8x!tpu.dma_semaphore, #tpu.memory_space<semaphore_mem>> -> memref<1x!tpu.dma_semaphore, #tpu.memory_space<semaphore_mem>>
        %dma_start3A_583 = tpu.memref_squeeze %dma_start3A_582 : memref<1x!tpu.dma_semaphore, #tpu.memory_space<semaphore_mem>> -> memref<!tpu.dma_semaphore, #tpu.memory_space<semaphore_mem>>
        tpu.enqueue_indirect_dma source(%dma_start3A_581 : memref<10240x16xf32, #tpu.memory_space<vmem_shared>>) target(%dma_start3A_575 : memref<128x16xf32, #tpu.memory_space<vmem>>) offsets(%dma_start3A_578 : memref<128xi32, #tpu.memory_space<vmem>>) semaphore(%dma_start3A_583 : memref<!tpu.dma_semaphore, #tpu.memory_space<semaphore_mem>>)
      } else {
      }
      %add3A_503 = arith.constant 5 : i32
      %add3A_504 = arith.addi %mul3A_145, %add3A_503 : i32
      %dma_wait3A_505 = arith.constant 5 : i32
      %dma_wait3A_506 = arith.constant 5 : i32
      %dma_wait3A_507 = arith.constant 0 : i32
      %dma_wait3A_508 = arith.constant 0 : i32
      %dma_wait3A_509 = tpu.memref_slice %arg8[%dma_wait3A_505, %dma_wait3A_507, %dma_wait3A_508] : memref<8x128x16xf32, #tpu.memory_space<vmem>> -> memref<1x128x16xf32, #tpu.memory_space<vmem>>
      %dma_wait3A_510 = tpu.memref_squeeze %dma_wait3A_509 : memref<1x128x16xf32, #tpu.memory_space<vmem>> -> memref<128x16xf32, #tpu.memory_space<vmem>>
      %dma_wait3A_511 = arith.constant 0 : i32
      %dma_wait3A_512 = tpu.memref_slice %arg7[%add3A_504, %dma_wait3A_511] : memref<80x128xi32, #tpu.memory_space<vmem>> -> memref<1x128xi32, #tpu.memory_space<vmem>>
      %dma_wait3A_513 = tpu.memref_squeeze %dma_wait3A_512 : memref<1x128xi32, #tpu.memory_space<vmem>> -> memref<128xi32, #tpu.memory_space<vmem>>
      %dma_wait3A_514 = arith.constant 0 : i32
      %dma_wait3A_515 = arith.constant 0 : i32
      %dma_wait3A_516 = tpu.memref_slice %arg11[%dma_wait3A_514, %dma_wait3A_515] : memref<10240x16xf32, #tpu.memory_space<vmem_shared>> -> memref<10240x16xf32, #tpu.memory_space<vmem_shared>>
      %dma_wait3A_517 = tpu.memref_slice %arg13[%dma_wait3A_506] : memref<8x!tpu.dma_semaphore, #tpu.memory_space<semaphore_mem>> -> memref<1x!tpu.dma_semaphore, #tpu.memory_space<semaphore_mem>>
      %dma_wait3A_518 = tpu.memref_squeeze %dma_wait3A_517 : memref<1x!tpu.dma_semaphore, #tpu.memory_space<semaphore_mem>> -> memref<!tpu.dma_semaphore, #tpu.memory_space<semaphore_mem>>
      tpu.wait_indirect_dma semaphore(%dma_wait3A_518 : memref<!tpu.dma_semaphore, #tpu.memory_space<semaphore_mem>>) src(%dma_wait3A_510 : memref<128x16xf32, #tpu.memory_space<vmem>>) dst(%dma_wait3A_516 : memref<10240x16xf32, #tpu.memory_space<vmem_shared>>)
      %lt3A_519 = arith.constant 9 : i32
      %lt3A_520 = arith.cmpi slt, %scan3A_143, %lt3A_519 : i32
      %convert_element_type3A_521 = arith.extui %lt3A_520 : i1 to i32
      %cond3A_522 = arith.constant 0 : i32
      %cond3A_523 = arith.cmpi ne, %convert_element_type3A_521, %cond3A_522 : i32
      scf.if %cond3A_523 {
        %add3A_566 = arith.constant 8 : i32
        %add3A_567 = arith.addi %mul3A_145, %add3A_566 : i32
        %add3A_568 = arith.constant 5 : i32
        %add3A_569 = arith.addi %add3A_567, %add3A_568 : i32
        %dma_start3A_570 = arith.constant 5 : i32
        %dma_start3A_571 = arith.constant 5 : i32
        %dma_start3A_572 = arith.constant 0 : i32
        %dma_start3A_573 = arith.constant 0 : i32
        %dma_start3A_574 = tpu.memref_slice %arg8[%dma_start3A_570, %dma_start3A_572, %dma_start3A_573] : memref<8x128x16xf32, #tpu.memory_space<vmem>> -> memref<1x128x16xf32, #tpu.memory_space<vmem>>
        %dma_start3A_575 = tpu.memref_squeeze %dma_start3A_574 : memref<1x128x16xf32, #tpu.memory_space<vmem>> -> memref<128x16xf32, #tpu.memory_space<vmem>>
        %dma_start3A_576 = arith.constant 0 : i32
        %dma_start3A_577 = tpu.memref_slice %arg6[%add3A_569, %dma_start3A_576] : memref<80x128xi32, #tpu.memory_space<vmem>> -> memref<1x128xi32, #tpu.memory_space<vmem>>
        %dma_start3A_578 = tpu.memref_squeeze %dma_start3A_577 : memref<1x128xi32, #tpu.memory_space<vmem>> -> memref<128xi32, #tpu.memory_space<vmem>>
        %dma_start3A_579 = arith.constant 0 : i32
        %dma_start3A_580 = arith.constant 0 : i32
        %dma_start3A_581 = tpu.memref_slice %arg10[%dma_start3A_579, %dma_start3A_580] : memref<10240x16xf32, #tpu.memory_space<vmem_shared>> -> memref<10240x16xf32, #tpu.memory_space<vmem_shared>>
        %dma_start3A_582 = tpu.memref_slice %arg12[%dma_start3A_571] : memref<8x!tpu.dma_semaphore, #tpu.memory_space<semaphore_mem>> -> memref<1x!tpu.dma_semaphore, #tpu.memory_space<semaphore_mem>>
        %dma_start3A_583 = tpu.memref_squeeze %dma_start3A_582 : memref<1x!tpu.dma_semaphore, #tpu.memory_space<semaphore_mem>> -> memref<!tpu.dma_semaphore, #tpu.memory_space<semaphore_mem>>
        tpu.enqueue_indirect_dma source(%dma_start3A_581 : memref<10240x16xf32, #tpu.memory_space<vmem_shared>>) target(%dma_start3A_575 : memref<128x16xf32, #tpu.memory_space<vmem>>) offsets(%dma_start3A_578 : memref<128xi32, #tpu.memory_space<vmem>>) semaphore(%dma_start3A_583 : memref<!tpu.dma_semaphore, #tpu.memory_space<semaphore_mem>>)
      } else {
      }
      %add3A_524 = arith.constant 6 : i32
      %add3A_525 = arith.addi %mul3A_145, %add3A_524 : i32
      %dma_wait3A_526 = arith.constant 6 : i32
      %dma_wait3A_527 = arith.constant 6 : i32
      %dma_wait3A_528 = arith.constant 0 : i32
      %dma_wait3A_529 = arith.constant 0 : i32
      %dma_wait3A_530 = tpu.memref_slice %arg8[%dma_wait3A_526, %dma_wait3A_528, %dma_wait3A_529] : memref<8x128x16xf32, #tpu.memory_space<vmem>> -> memref<1x128x16xf32, #tpu.memory_space<vmem>>
      %dma_wait3A_531 = tpu.memref_squeeze %dma_wait3A_530 : memref<1x128x16xf32, #tpu.memory_space<vmem>> -> memref<128x16xf32, #tpu.memory_space<vmem>>
      %dma_wait3A_532 = arith.constant 0 : i32
      %dma_wait3A_533 = tpu.memref_slice %arg7[%add3A_525, %dma_wait3A_532] : memref<80x128xi32, #tpu.memory_space<vmem>> -> memref<1x128xi32, #tpu.memory_space<vmem>>
      %dma_wait3A_534 = tpu.memref_squeeze %dma_wait3A_533 : memref<1x128xi32, #tpu.memory_space<vmem>> -> memref<128xi32, #tpu.memory_space<vmem>>
      %dma_wait3A_535 = arith.constant 0 : i32
      %dma_wait3A_536 = arith.constant 0 : i32
      %dma_wait3A_537 = tpu.memref_slice %arg11[%dma_wait3A_535, %dma_wait3A_536] : memref<10240x16xf32, #tpu.memory_space<vmem_shared>> -> memref<10240x16xf32, #tpu.memory_space<vmem_shared>>
      %dma_wait3A_538 = tpu.memref_slice %arg13[%dma_wait3A_527] : memref<8x!tpu.dma_semaphore, #tpu.memory_space<semaphore_mem>> -> memref<1x!tpu.dma_semaphore, #tpu.memory_space<semaphore_mem>>
      %dma_wait3A_539 = tpu.memref_squeeze %dma_wait3A_538 : memref<1x!tpu.dma_semaphore, #tpu.memory_space<semaphore_mem>> -> memref<!tpu.dma_semaphore, #tpu.memory_space<semaphore_mem>>
      tpu.wait_indirect_dma semaphore(%dma_wait3A_539 : memref<!tpu.dma_semaphore, #tpu.memory_space<semaphore_mem>>) src(%dma_wait3A_531 : memref<128x16xf32, #tpu.memory_space<vmem>>) dst(%dma_wait3A_537 : memref<10240x16xf32, #tpu.memory_space<vmem_shared>>)
      %lt3A_540 = arith.constant 9 : i32
      %lt3A_541 = arith.cmpi slt, %scan3A_143, %lt3A_540 : i32
      %convert_element_type3A_542 = arith.extui %lt3A_541 : i1 to i32
      %cond3A_543 = arith.constant 0 : i32
      %cond3A_544 = arith.cmpi ne, %convert_element_type3A_542, %cond3A_543 : i32
      scf.if %cond3A_544 {
        %add3A_566 = arith.constant 8 : i32
        %add3A_567 = arith.addi %mul3A_145, %add3A_566 : i32
        %add3A_568 = arith.constant 6 : i32
        %add3A_569 = arith.addi %add3A_567, %add3A_568 : i32
        %dma_start3A_570 = arith.constant 6 : i32
        %dma_start3A_571 = arith.constant 6 : i32
        %dma_start3A_572 = arith.constant 0 : i32
        %dma_start3A_573 = arith.constant 0 : i32
        %dma_start3A_574 = tpu.memref_slice %arg8[%dma_start3A_570, %dma_start3A_572, %dma_start3A_573] : memref<8x128x16xf32, #tpu.memory_space<vmem>> -> memref<1x128x16xf32, #tpu.memory_space<vmem>>
        %dma_start3A_575 = tpu.memref_squeeze %dma_start3A_574 : memref<1x128x16xf32, #tpu.memory_space<vmem>> -> memref<128x16xf32, #tpu.memory_space<vmem>>
        %dma_start3A_576 = arith.constant 0 : i32
        %dma_start3A_577 = tpu.memref_slice %arg6[%add3A_569, %dma_start3A_576] : memref<80x128xi32, #tpu.memory_space<vmem>> -> memref<1x128xi32, #tpu.memory_space<vmem>>
        %dma_start3A_578 = tpu.memref_squeeze %dma_start3A_577 : memref<1x128xi32, #tpu.memory_space<vmem>> -> memref<128xi32, #tpu.memory_space<vmem>>
        %dma_start3A_579 = arith.constant 0 : i32
        %dma_start3A_580 = arith.constant 0 : i32
        %dma_start3A_581 = tpu.memref_slice %arg10[%dma_start3A_579, %dma_start3A_580] : memref<10240x16xf32, #tpu.memory_space<vmem_shared>> -> memref<10240x16xf32, #tpu.memory_space<vmem_shared>>
        %dma_start3A_582 = tpu.memref_slice %arg12[%dma_start3A_571] : memref<8x!tpu.dma_semaphore, #tpu.memory_space<semaphore_mem>> -> memref<1x!tpu.dma_semaphore, #tpu.memory_space<semaphore_mem>>
        %dma_start3A_583 = tpu.memref_squeeze %dma_start3A_582 : memref<1x!tpu.dma_semaphore, #tpu.memory_space<semaphore_mem>> -> memref<!tpu.dma_semaphore, #tpu.memory_space<semaphore_mem>>
        tpu.enqueue_indirect_dma source(%dma_start3A_581 : memref<10240x16xf32, #tpu.memory_space<vmem_shared>>) target(%dma_start3A_575 : memref<128x16xf32, #tpu.memory_space<vmem>>) offsets(%dma_start3A_578 : memref<128xi32, #tpu.memory_space<vmem>>) semaphore(%dma_start3A_583 : memref<!tpu.dma_semaphore, #tpu.memory_space<semaphore_mem>>)
      } else {
      }
      %add3A_545 = arith.constant 7 : i32
      %add3A_546 = arith.addi %mul3A_145, %add3A_545 : i32
      %dma_wait3A_547 = arith.constant 7 : i32
      %dma_wait3A_548 = arith.constant 7 : i32
      %dma_wait3A_549 = arith.constant 0 : i32
      %dma_wait3A_550 = arith.constant 0 : i32
      %dma_wait3A_551 = tpu.memref_slice %arg8[%dma_wait3A_547, %dma_wait3A_549, %dma_wait3A_550] : memref<8x128x16xf32, #tpu.memory_space<vmem>> -> memref<1x128x16xf32, #tpu.memory_space<vmem>>
      %dma_wait3A_552 = tpu.memref_squeeze %dma_wait3A_551 : memref<1x128x16xf32, #tpu.memory_space<vmem>> -> memref<128x16xf32, #tpu.memory_space<vmem>>
      %dma_wait3A_553 = arith.constant 0 : i32
      %dma_wait3A_554 = tpu.memref_slice %arg7[%add3A_546, %dma_wait3A_553] : memref<80x128xi32, #tpu.memory_space<vmem>> -> memref<1x128xi32, #tpu.memory_space<vmem>>
      %dma_wait3A_555 = tpu.memref_squeeze %dma_wait3A_554 : memref<1x128xi32, #tpu.memory_space<vmem>> -> memref<128xi32, #tpu.memory_space<vmem>>
      %dma_wait3A_556 = arith.constant 0 : i32
      %dma_wait3A_557 = arith.constant 0 : i32
      %dma_wait3A_558 = tpu.memref_slice %arg11[%dma_wait3A_556, %dma_wait3A_557] : memref<10240x16xf32, #tpu.memory_space<vmem_shared>> -> memref<10240x16xf32, #tpu.memory_space<vmem_shared>>
      %dma_wait3A_559 = tpu.memref_slice %arg13[%dma_wait3A_548] : memref<8x!tpu.dma_semaphore, #tpu.memory_space<semaphore_mem>> -> memref<1x!tpu.dma_semaphore, #tpu.memory_space<semaphore_mem>>
      %dma_wait3A_560 = tpu.memref_squeeze %dma_wait3A_559 : memref<1x!tpu.dma_semaphore, #tpu.memory_space<semaphore_mem>> -> memref<!tpu.dma_semaphore, #tpu.memory_space<semaphore_mem>>
      tpu.wait_indirect_dma semaphore(%dma_wait3A_560 : memref<!tpu.dma_semaphore, #tpu.memory_space<semaphore_mem>>) src(%dma_wait3A_552 : memref<128x16xf32, #tpu.memory_space<vmem>>) dst(%dma_wait3A_558 : memref<10240x16xf32, #tpu.memory_space<vmem_shared>>)
      %lt3A_561 = arith.constant 9 : i32
      %lt3A_562 = arith.cmpi slt, %scan3A_143, %lt3A_561 : i32
      %convert_element_type3A_563 = arith.extui %lt3A_562 : i1 to i32
      %cond3A_564 = arith.constant 0 : i32
      %cond3A_565 = arith.cmpi ne, %convert_element_type3A_563, %cond3A_564 : i32
      scf.if %cond3A_565 {
        %add3A_566 = arith.constant 8 : i32
        %add3A_567 = arith.addi %mul3A_145, %add3A_566 : i32
        %add3A_568 = arith.constant 7 : i32
        %add3A_569 = arith.addi %add3A_567, %add3A_568 : i32
        %dma_start3A_570 = arith.constant 7 : i32
        %dma_start3A_571 = arith.constant 7 : i32
        %dma_start3A_572 = arith.constant 0 : i32
        %dma_start3A_573 = arith.constant 0 : i32
        %dma_start3A_574 = tpu.memref_slice %arg8[%dma_start3A_570, %dma_start3A_572, %dma_start3A_573] : memref<8x128x16xf32, #tpu.memory_space<vmem>> -> memref<1x128x16xf32, #tpu.memory_space<vmem>>
        %dma_start3A_575 = tpu.memref_squeeze %dma_start3A_574 : memref<1x128x16xf32, #tpu.memory_space<vmem>> -> memref<128x16xf32, #tpu.memory_space<vmem>>
        %dma_start3A_576 = arith.constant 0 : i32
        %dma_start3A_577 = tpu.memref_slice %arg6[%add3A_569, %dma_start3A_576] : memref<80x128xi32, #tpu.memory_space<vmem>> -> memref<1x128xi32, #tpu.memory_space<vmem>>
        %dma_start3A_578 = tpu.memref_squeeze %dma_start3A_577 : memref<1x128xi32, #tpu.memory_space<vmem>> -> memref<128xi32, #tpu.memory_space<vmem>>
        %dma_start3A_579 = arith.constant 0 : i32
        %dma_start3A_580 = arith.constant 0 : i32
        %dma_start3A_581 = tpu.memref_slice %arg10[%dma_start3A_579, %dma_start3A_580] : memref<10240x16xf32, #tpu.memory_space<vmem_shared>> -> memref<10240x16xf32, #tpu.memory_space<vmem_shared>>
        %dma_start3A_582 = tpu.memref_slice %arg12[%dma_start3A_571] : memref<8x!tpu.dma_semaphore, #tpu.memory_space<semaphore_mem>> -> memref<1x!tpu.dma_semaphore, #tpu.memory_space<semaphore_mem>>
        %dma_start3A_583 = tpu.memref_squeeze %dma_start3A_582 : memref<1x!tpu.dma_semaphore, #tpu.memory_space<semaphore_mem>> -> memref<!tpu.dma_semaphore, #tpu.memory_space<semaphore_mem>>
        tpu.enqueue_indirect_dma source(%dma_start3A_581 : memref<10240x16xf32, #tpu.memory_space<vmem_shared>>) target(%dma_start3A_575 : memref<128x16xf32, #tpu.memory_space<vmem>>) offsets(%dma_start3A_578 : memref<128xi32, #tpu.memory_space<vmem>>) semaphore(%dma_start3A_583 : memref<!tpu.dma_semaphore, #tpu.memory_space<semaphore_mem>>)
      } else {
      }
    }
    %scan3A_137 = arith.constant 10 : i32
    %barrier3A_138 = arith.constant 0 : index
    tpu.barrier barrier_id(%barrier3A_138)
    %mul3A_139 = arith.constant 640 : i32
    %mul3A_140 = arith.muli %arg1, %mul3A_139 : i32
    "tpu.region"() ({
      %run_scoped3A = tpu.sem_alloc : memref<!tpu.dma_semaphore, #tpu.memory_space<semaphore_mem>>
      %dma_start3A_143 = arith.constant 0 : i32
      %dma_start3A_144 = tpu.memref_slice %arg11[%mul3A_140, %dma_start3A_143] : memref<10240x16xf32, #tpu.memory_space<vmem_shared>> -> memref<640x16xf32, #tpu.memory_space<vmem_shared>>
      %dma_start3A_145 = arith.constant 0 : i32
      %dma_start3A_146 = tpu.memref_slice %arg11[%mul3A_140, %dma_start3A_145] : memref<10240x16xf32, #tpu.memory_space<vmem_shared>> -> memref<640x16xf32, #tpu.memory_space<vmem_shared>>
      tpu.enqueue_dma source(%dma_start3A_146 : memref<640x16xf32, #tpu.memory_space<vmem_shared>>) target(%arg9 : memref<640x16xf32, #tpu.memory_space<vmem>>) target_semaphore(%run_scoped3A : memref<!tpu.dma_semaphore, #tpu.memory_space<semaphore_mem>>)
      %dma_wait3A = arith.constant 0 : i32
      %dma_wait3A_147 = tpu.memref_slice %arg11[%mul3A_140, %dma_wait3A] : memref<10240x16xf32, #tpu.memory_space<vmem_shared>> -> memref<640x16xf32, #tpu.memory_space<vmem_shared>>
      %dma_wait3A_148 = arith.constant 0 : i32
      %dma_wait3A_149 = tpu.memref_slice %arg11[%mul3A_140, %dma_wait3A_148] : memref<10240x16xf32, #tpu.memory_space<vmem_shared>> -> memref<640x16xf32, #tpu.memory_space<vmem_shared>>
      tpu.wait_dma2 semaphore(%run_scoped3A : memref<!tpu.dma_semaphore, #tpu.memory_space<semaphore_mem>>) src(%dma_wait3A_149 : memref<640x16xf32, #tpu.memory_space<vmem_shared>>) dst(%arg9 : memref<640x16xf32, #tpu.memory_space<vmem>>)
      tpu.yield
    }) : () -> ()
    %mul3A_141 = arith.constant 640 : i32
    %mul3A_142 = arith.muli %arg1, %mul3A_141 : i32
    "tpu.region"() ({
      %run_scoped3A = tpu.sem_alloc : memref<!tpu.dma_semaphore, #tpu.memory_space<semaphore_mem>>
      %dma_start3A_143 = arith.constant 0 : i32
      %dma_start3A_144 = tpu.memref_slice %arg5[%arg0, %mul3A_142, %dma_start3A_143] : memref<2x10240x16xf32, #tpu.memory_space<hbm>> -> memref<1x640x16xf32, #tpu.memory_space<hbm>>
      %dma_start3A_145 = tpu.memref_squeeze %dma_start3A_144 : memref<1x640x16xf32, #tpu.memory_space<hbm>> -> memref<640x16xf32, #tpu.memory_space<hbm>>
      %dma_start3A_146 = arith.constant 0 : i32
      %dma_start3A_147 = tpu.memref_slice %arg5[%arg0, %mul3A_142, %dma_start3A_146] : memref<2x10240x16xf32, #tpu.memory_space<hbm>> -> memref<1x640x16xf32, #tpu.memory_space<hbm>>
      %dma_start3A_148 = tpu.memref_squeeze %dma_start3A_147 : memref<1x640x16xf32, #tpu.memory_space<hbm>> -> memref<640x16xf32, #tpu.memory_space<hbm>>
      tpu.enqueue_dma source(%arg9 : memref<640x16xf32, #tpu.memory_space<vmem>>) target(%dma_start3A_148 : memref<640x16xf32, #tpu.memory_space<hbm>>) target_semaphore(%run_scoped3A : memref<!tpu.dma_semaphore, #tpu.memory_space<semaphore_mem>>)
      %dma_wait3A = arith.constant 0 : i32
      %dma_wait3A_149 = tpu.memref_slice %arg5[%arg0, %mul3A_142, %dma_wait3A] : memref<2x10240x16xf32, #tpu.memory_space<hbm>> -> memref<1x640x16xf32, #tpu.memory_space<hbm>>
      %dma_wait3A_150 = tpu.memref_squeeze %dma_wait3A_149 : memref<1x640x16xf32, #tpu.memory_space<hbm>> -> memref<640x16xf32, #tpu.memory_space<hbm>>
      %dma_wait3A_151 = arith.constant 0 : i32
      %dma_wait3A_152 = tpu.memref_slice %arg5[%arg0, %mul3A_142, %dma_wait3A_151] : memref<2x10240x16xf32, #tpu.memory_space<hbm>> -> memref<1x640x16xf32, #tpu.memory_space<hbm>>
      %dma_wait3A_153 = tpu.memref_squeeze %dma_wait3A_152 : memref<1x640x16xf32, #tpu.memory_space<hbm>> -> memref<640x16xf32, #tpu.memory_space<hbm>>
      tpu.wait_dma2 semaphore(%run_scoped3A : memref<!tpu.dma_semaphore, #tpu.memory_space<semaphore_mem>>) src(%arg9 : memref<640x16xf32, #tpu.memory_space<vmem>>) dst(%dma_wait3A_153 : memref<640x16xf32, #tpu.memory_space<hbm>>)
      tpu.yield
    }) : () -> ()
    return
  }
}

module attributes {stable_mosaic.version = 14 : i64} {
  func.func @_y1_body(%arg0: i32, %arg1: memref<1000x128xf32, #tpu.memory_space<vmem>>, %arg2: memref<128x16xf32, #tpu.memory_space<vmem>>, %arg3: memref<1000x32xf32, #tpu.memory_space<vmem>>, %arg4: memref<1000x16xf32, #tpu.memory_space<vmem>>, %arg5: memref<1000x16xf32, #tpu.memory_space<vmem>>) attributes {dimension_semantics = [#tpu.dimension_semantics<arbitrary>], iteration_bounds = array<i64: 10>, scalar_prefetch = 0 : i64, scratch_operands = 0 : i64, tpu.core_type = #tpu.core_type<tc>, window_params = [{transform_indices = @transform_0, window_bounds = array<i64: 1000, 128>}, {pipeline_mode = #tpu.pipeline_mode<synchronous>, transform_indices = @transform_1, window_bounds = array<i64: 128, 16>}, {transform_indices = @transform_2, window_bounds = array<i64: 1000, 32>}, {transform_indices = @transform_3, window_bounds = array<i64: 1000, 16>}, {transform_indices = @transform_4, window_bounds = array<i64: 1000, 16>}]} {
    %get3A = arith.constant 0 : index
    %get3A_0 = arith.constant 0 : index
    %get3A_1 = vector.load %arg3[%get3A, %get3A_0] : memref<1000x32xf32, #tpu.memory_space<vmem>>, vector<1000x32xf32>
    %reduce_sum3A = arith.constant dense<0.000000e+00> : vector<1000xf32>
    %reduce_sum3A_2 = vector.multi_reduction <add>, %get3A_1, %reduce_sum3A [1] : vector<1000x32xf32> to vector<1000xf32>
    %add3A = arith.constant 1.000000e+00 : f32
    %add3A_3 = vector.broadcast %add3A : f32 to vector<1000xf32>
    %add3A_4 = arith.addf %reduce_sum3A_2, %add3A_3 : vector<1000xf32>
    %rsqrt3A = math.rsqrt %add3A_4 : vector<1000xf32>
    %broadcast_in_dim3A = vector.shape_cast %rsqrt3A : vector<1000xf32> to vector<1000x1xf32>
    %get3A_5 = arith.constant 0 : index
    %get3A_6 = arith.constant 0 : index
    %get3A_7 = vector.load %arg1[%get3A_5, %get3A_6] : memref<1000x128xf32, #tpu.memory_space<vmem>>, vector<1000x128xf32>
    %get3A_8 = arith.constant 0 : index
    %get3A_9 = arith.constant 0 : index
    %get3A_10 = vector.load %arg2[%get3A_8, %get3A_9] : memref<128x16xf32, #tpu.memory_space<vmem>>, vector<128x16xf32>
    %dot_general3A = arith.constant dense<0.000000e+00> : vector<1000x16xf32>
    %dot_general3A_11 = tpu.matmul %get3A_7, %get3A_10, %dot_general3A {dimension_numbers = #tpu.dot_dimension_numbers<[1], [0], [0], [1], [0, 0, 1, 1], [], []>, transpose_lhs_hint = false} : vector<1000x128xf32>, vector<128x16xf32>, vector<1000x16xf32> -> vector<1000x16xf32>
    %mul3A = vector.broadcast %broadcast_in_dim3A : vector<1000x1xf32> to vector<1000x16xf32>
    %mul3A_12 = arith.mulf %dot_general3A_11, %mul3A : vector<1000x16xf32>
    %swap3A = arith.constant 0 : index
    %swap3A_13 = arith.constant 0 : index
    %swap3A_14 = vector.load %arg4[%swap3A, %swap3A_13] : memref<1000x16xf32, #tpu.memory_space<vmem>>, vector<1000x16xf32>
    tpu.vector_store %arg4[%swap3A, %swap3A_13], %mul3A_12 {strides = array<i32>} : memref<1000x16xf32, #tpu.memory_space<vmem>>, vector<1000x16xf32>,
    %broadcast_in_dim3A_15 = vector.shape_cast %broadcast_in_dim3A : vector<1000x1xf32> to vector<1000x1xf32>
    %broadcast_in_dim3A_16 = vector.broadcast %broadcast_in_dim3A_15 : vector<1000x1xf32> to vector<1000x16xf32>
    %swap3A_17 = arith.constant 0 : index
    %swap3A_18 = arith.constant 0 : index
    %swap3A_19 = vector.load %arg5[%swap3A_17, %swap3A_18] : memref<1000x16xf32, #tpu.memory_space<vmem>>, vector<1000x16xf32>
    tpu.vector_store %arg5[%swap3A_17, %swap3A_18], %broadcast_in_dim3A_16 {strides = array<i32>} : memref<1000x16xf32, #tpu.memory_space<vmem>>, vector<1000x16xf32>,
    return
  }
  func.func @transform_0(%arg0: i32) -> (i32, i32) {
    %c0_i32 = arith.constant 0 : i32
    %c0_i32_0 = arith.constant 0 : i32
    return %arg0, %c0_i32 : i32, i32
  }
  func.func @transform_1(%arg0: i32) -> (i32, i32) {
    %c0_i32 = arith.constant 0 : i32
    %c0_i32_0 = arith.constant 0 : i32
    %c0_i32_1 = arith.constant 0 : i32
    return %c0_i32, %c0_i32_0 : i32, i32
  }
  func.func @transform_2(%arg0: i32) -> (i32, i32) {
    %c0_i32 = arith.constant 0 : i32
    %c0_i32_0 = arith.constant 0 : i32
    return %arg0, %c0_i32 : i32, i32
  }
  func.func @transform_3(%arg0: i32) -> (i32, i32) {
    %c0_i32 = arith.constant 0 : i32
    %c0_i32_0 = arith.constant 0 : i32
    return %arg0, %c0_i32 : i32, i32
  }
  func.func @transform_4(%arg0: i32) -> (i32, i32) {
    %c0_i32 = arith.constant 0 : i32
    %c0_i32_0 = arith.constant 0 : i32
    return %arg0, %c0_i32 : i32, i32
  }
}

module attributes {stable_mosaic.version = 14 : i64} {
  func.func @_mid_body(%arg0: i32, %arg1: memref<1x1000x16xf32, #tpu.memory_space<vmem>>, %arg2: memref<1x1000x16xf32, #tpu.memory_space<vmem>>, %arg3: memref<1000x16xf32, #tpu.memory_space<vmem>>, %arg4: memref<1000x16xf32, #tpu.memory_space<vmem>>, %arg5: memref<1x16xf32, #tpu.memory_space<vmem>>, %arg6: memref<1000x16xf32, #tpu.memory_space<vmem>>) attributes {dimension_semantics = [#tpu.dimension_semantics<arbitrary>], iteration_bounds = array<i64: 10>, scalar_prefetch = 0 : i64, scratch_operands = 0 : i64, tpu.core_type = #tpu.core_type<tc>, window_params = [{transform_indices = @transform_0, window_bounds = array<i64: 1, 1000, 16>}, {transform_indices = @transform_1, window_bounds = array<i64: 1, 1000, 16>}, {transform_indices = @transform_2, window_bounds = array<i64: 1000, 16>}, {transform_indices = @transform_3, window_bounds = array<i64: 1000, 16>}, {pipeline_mode = #tpu.pipeline_mode<synchronous>, transform_indices = @transform_4, window_bounds = array<i64: 1, 16>}, {transform_indices = @transform_5, window_bounds = array<i64: 1000, 16>}]} {
    %get3A = arith.constant 0 : index
    %get3A_0 = arith.constant 0 : index
    %get3A_1 = vector.load %arg4[%get3A, %get3A_0] : memref<1000x16xf32, #tpu.memory_space<vmem>>, vector<1000x16xf32>
    %get3A_2 = arith.constant 0 : index
    %get3A_3 = arith.constant 0 : index
    %get3A_4 = arith.constant 0 : index
    %get3A_5 = vector.load %arg1[%get3A_2, %get3A_3, %get3A_4] : memref<1x1000x16xf32, #tpu.memory_space<vmem>>, vector<1x1000x16xf32>
    %get3A_6 = vector.shape_cast %get3A_5 : vector<1x1000x16xf32> to vector<1000x16xf32>
    %get3A_7 = arith.constant 0 : index
    %get3A_8 = arith.constant 0 : index
    %get3A_9 = arith.constant 0 : index
    %get3A_10 = vector.load %arg2[%get3A_7, %get3A_8, %get3A_9] : memref<1x1000x16xf32, #tpu.memory_space<vmem>>, vector<1x1000x16xf32>
    %get3A_11 = vector.shape_cast %get3A_10 : vector<1x1000x16xf32> to vector<1000x16xf32>
    %add3A = arith.addf %get3A_6, %get3A_11 : vector<1000x16xf32>
    %get3A_12 = arith.constant 0 : index
    %get3A_13 = arith.constant 0 : index
    %get3A_14 = vector.load %arg3[%get3A_12, %get3A_13] : memref<1000x16xf32, #tpu.memory_space<vmem>>, vector<1000x16xf32>
    %add3A_15 = arith.addf %add3A, %get3A_14 : vector<1000x16xf32>
    %mul3A = arith.mulf %get3A_1, %add3A_15 : vector<1000x16xf32>
    %get3A_16 = arith.constant 0 : index
    %get3A_17 = arith.constant 0 : index
    %get3A_18 = vector.load %arg5[%get3A_16, %get3A_17] : memref<1x16xf32, #tpu.memory_space<vmem>>, vector<1x16xf32>
    %add3A_19 = vector.broadcast %get3A_18 : vector<1x16xf32> to vector<1000x16xf32>
    %add3A_20 = arith.addf %mul3A, %add3A_19 : vector<1000x16xf32>
    %max3A = arith.constant 0.000000e+00 : f32
    %max3A_21 = vector.broadcast %max3A : f32 to vector<1000x16xf32>
    %max3A_22 = arith.maximumf %add3A_20, %max3A_21 : vector<1000x16xf32>
    %mul3A_23 = arith.mulf %get3A_1, %max3A_22 : vector<1000x16xf32>
    %swap3A = arith.constant 0 : index
    %swap3A_24 = arith.constant 0 : index
    %swap3A_25 = vector.load %arg6[%swap3A, %swap3A_24] : memref<1000x16xf32, #tpu.memory_space<vmem>>, vector<1000x16xf32>
    tpu.vector_store %arg6[%swap3A, %swap3A_24], %mul3A_23 {strides = array<i32>} : memref<1000x16xf32, #tpu.memory_space<vmem>>, vector<1000x16xf32>,
    return
  }
  func.func @transform_0(%arg0: i32) -> (i32, i32, i32) {
    %c0_i32 = arith.constant 0 : i32
    %c0_i32_0 = arith.constant 0 : i32
    %c0_i32_1 = arith.constant 0 : i32
    return %c0_i32, %arg0, %c0_i32_0 : i32, i32, i32
  }
  func.func @transform_1(%arg0: i32) -> (i32, i32, i32) {
    %c1_i32 = arith.constant 1 : i32
    %c0_i32 = arith.constant 0 : i32
    %c0_i32_0 = arith.constant 0 : i32
    return %c1_i32, %arg0, %c0_i32 : i32, i32, i32
  }
  func.func @transform_2(%arg0: i32) -> (i32, i32) {
    %c0_i32 = arith.constant 0 : i32
    %c0_i32_0 = arith.constant 0 : i32
    return %arg0, %c0_i32 : i32, i32
  }
  func.func @transform_3(%arg0: i32) -> (i32, i32) {
    %c0_i32 = arith.constant 0 : i32
    %c0_i32_0 = arith.constant 0 : i32
    return %arg0, %c0_i32 : i32, i32
  }
  func.func @transform_4(%arg0: i32) -> (i32, i32) {
    %c0_i32 = arith.constant 0 : i32
    %c0_i32_0 = arith.constant 0 : i32
    %c0_i32_1 = arith.constant 0 : i32
    return %c0_i32, %c0_i32_0 : i32, i32
  }
  func.func @transform_5(%arg0: i32) -> (i32, i32) {
    %c0_i32 = arith.constant 0 : i32
    %c0_i32_0 = arith.constant 0 : i32
    return %arg0, %c0_i32 : i32, i32
  }
}

module attributes {stable_mosaic.version = 14 : i64} {
  func.func @_out_body(%arg0: i32, %arg1: memref<1x1000x16xf32, #tpu.memory_space<vmem>>, %arg2: memref<1x1000x16xf32, #tpu.memory_space<vmem>>, %arg3: memref<1000x16xf32, #tpu.memory_space<vmem>>, %arg4: memref<1000x16xf32, #tpu.memory_space<vmem>>, %arg5: memref<16x2xf32, #tpu.memory_space<vmem>>, %arg6: memref<1x2xf32, #tpu.memory_space<vmem>>, %arg7: memref<1000x2xf32, #tpu.memory_space<vmem>>) attributes {dimension_semantics = [#tpu.dimension_semantics<arbitrary>], iteration_bounds = array<i64: 10>, scalar_prefetch = 0 : i64, scratch_operands = 0 : i64, tpu.core_type = #tpu.core_type<tc>, window_params = [{transform_indices = @transform_0, window_bounds = array<i64: 1, 1000, 16>}, {transform_indices = @transform_1, window_bounds = array<i64: 1, 1000, 16>}, {transform_indices = @transform_2, window_bounds = array<i64: 1000, 16>}, {transform_indices = @transform_3, window_bounds = array<i64: 1000, 16>}, {pipeline_mode = #tpu.pipeline_mode<synchronous>, transform_indices = @transform_4, window_bounds = array<i64: 16, 2>}, {pipeline_mode = #tpu.pipeline_mode<synchronous>, transform_indices = @transform_5, window_bounds = array<i64: 1, 2>}, {transform_indices = @transform_6, window_bounds = array<i64: 1000, 2>}]} {
    %get3A = arith.constant 0 : index
    %get3A_0 = arith.constant 0 : index
    %get3A_1 = vector.load %arg4[%get3A, %get3A_0] : memref<1000x16xf32, #tpu.memory_space<vmem>>, vector<1000x16xf32>
    %get3A_2 = arith.constant 0 : index
    %get3A_3 = arith.constant 0 : index
    %get3A_4 = arith.constant 0 : index
    %get3A_5 = vector.load %arg1[%get3A_2, %get3A_3, %get3A_4] : memref<1x1000x16xf32, #tpu.memory_space<vmem>>, vector<1x1000x16xf32>
    %get3A_6 = vector.shape_cast %get3A_5 : vector<1x1000x16xf32> to vector<1000x16xf32>
    %get3A_7 = arith.constant 0 : index
    %get3A_8 = arith.constant 0 : index
    %get3A_9 = arith.constant 0 : index
    %get3A_10 = vector.load %arg2[%get3A_7, %get3A_8, %get3A_9] : memref<1x1000x16xf32, #tpu.memory_space<vmem>>, vector<1x1000x16xf32>
    %get3A_11 = vector.shape_cast %get3A_10 : vector<1x1000x16xf32> to vector<1000x16xf32>
    %add3A = arith.addf %get3A_6, %get3A_11 : vector<1000x16xf32>
    %get3A_12 = arith.constant 0 : index
    %get3A_13 = arith.constant 0 : index
    %get3A_14 = vector.load %arg3[%get3A_12, %get3A_13] : memref<1000x16xf32, #tpu.memory_space<vmem>>, vector<1000x16xf32>
    %add3A_15 = arith.addf %add3A, %get3A_14 : vector<1000x16xf32>
    %mul3A = arith.mulf %get3A_1, %add3A_15 : vector<1000x16xf32>
    %get3A_16 = arith.constant 0 : index
    %get3A_17 = arith.constant 0 : index
    %get3A_18 = vector.load %arg5[%get3A_16, %get3A_17] : memref<16x2xf32, #tpu.memory_space<vmem>>, vector<16x2xf32>
    %dot_general3A = arith.constant dense<0.000000e+00> : vector<1000x2xf32>
    %dot_general3A_19 = tpu.matmul %mul3A, %get3A_18, %dot_general3A {dimension_numbers = #tpu.dot_dimension_numbers<[1], [0], [0], [1], [0, 0, 1, 1], [], []>, transpose_lhs_hint = false} : vector<1000x16xf32>, vector<16x2xf32>, vector<1000x2xf32> -> vector<1000x2xf32>
    %get3A_20 = arith.constant 0 : index
    %get3A_21 = arith.constant 0 : index
    %get3A_22 = vector.load %arg6[%get3A_20, %get3A_21] : memref<1x2xf32, #tpu.memory_space<vmem>>, vector<1x2xf32>
    %add3A_23 = vector.broadcast %get3A_22 : vector<1x2xf32> to vector<1000x2xf32>
    %add3A_24 = arith.addf %dot_general3A_19, %add3A_23 : vector<1000x2xf32>
    %swap3A = arith.constant 0 : index
    %swap3A_25 = arith.constant 0 : index
    %swap3A_26 = vector.load %arg7[%swap3A, %swap3A_25] : memref<1000x2xf32, #tpu.memory_space<vmem>>, vector<1000x2xf32>
    tpu.vector_store %arg7[%swap3A, %swap3A_25], %add3A_24 {strides = array<i32>} : memref<1000x2xf32, #tpu.memory_space<vmem>>, vector<1000x2xf32>,
    return
  }
  func.func @transform_0(%arg0: i32) -> (i32, i32, i32) {
    %c0_i32 = arith.constant 0 : i32
    %c0_i32_0 = arith.constant 0 : i32
    %c0_i32_1 = arith.constant 0 : i32
    return %c0_i32, %arg0, %c0_i32_0 : i32, i32, i32
  }
  func.func @transform_1(%arg0: i32) -> (i32, i32, i32) {
    %c1_i32 = arith.constant 1 : i32
    %c0_i32 = arith.constant 0 : i32
    %c0_i32_0 = arith.constant 0 : i32
    return %c1_i32, %arg0, %c0_i32 : i32, i32, i32
  }
  func.func @transform_2(%arg0: i32) -> (i32, i32) {
    %c0_i32 = arith.constant 0 : i32
    %c0_i32_0 = arith.constant 0 : i32
    return %arg0, %c0_i32 : i32, i32
  }
  func.func @transform_3(%arg0: i32) -> (i32, i32) {
    %c0_i32 = arith.constant 0 : i32
    %c0_i32_0 = arith.constant 0 : i32
    return %arg0, %c0_i32 : i32, i32
  }
  func.func @transform_4(%arg0: i32) -> (i32, i32) {
    %c0_i32 = arith.constant 0 : i32
    %c0_i32_0 = arith.constant 0 : i32
    %c0_i32_1 = arith.constant 0 : i32
    return %c0_i32, %c0_i32_0 : i32, i32
  }
  func.func @transform_5(%arg0: i32) -> (i32, i32) {
    %c0_i32 = arith.constant 0 : i32
    %c0_i32_0 = arith.constant 0 : i32
    %c0_i32_1 = arith.constant 0 : i32
    return %c0_i32, %c0_i32_0 : i32, i32
  }
  func.func @transform_6(%arg0: i32) -> (i32, i32) {
    %c0_i32 = arith.constant 0 : i32
    %c0_i32_0 = arith.constant 0 : i32
    return %arg0, %c0_i32 : i32, i32
  }
}

</mosaic_0001>

<sc_bundles>
// kernel: kernel.11.cloned.1.call-start
scs
__scs_entry_jumppad:
0x0: {  	(pc) =	sbr.rel $0x88, $3  }
0x1: {  	(tag) =	ssettag $0x0;
	lr =	simm.s32 $0x1  }
0x2: {  	[smem:$0x3F9B] =	sst lr;
	_ =	strace $0xD0000000  }
0x3: {  	_ = 	snop  }
0x4: {  	_ = 	snop  }
0x5: {  	_ = 	snop  }
0x6: {  	_ = 	snop  }
0x7: {  	_ = 	snop  }
__scs_overlays_trampoline_lowered:
0x8: {  	[smem:$0x3FAA] =	sst s0  }
0x9: {  	[smem:$0x3FAB] =	sst s1  }
0xa: {  	[smem:$0x3FAC] =	sst s2  }
0xb: {  	[smem:$0x3FAD] =	sst s3  }
0xc: {  	[smem:$0x3FAE] =	sst s4  }
0xd: {  	[smem:$0x3FAF] =	sst s5  }
0xe: {  	[smem:$0x3FB0] =	sst s6  }
0xf: {  	[smem:$0x3FB1] =	sst s7  }
0x10: {  	[smem:$0x3FB2] =	sst s8  }
0x11: {  	[smem:$0x3FB3] =	sst s9;
	s0 =	simm.s32 @!p0 $0x0  }
0x12: {  	s1 =	sld [smem:$0x3F99];
	s0 =	simm.s32 @p0 $0x1  }
0x13: {  	[smem:$0x3FB4] =	sst s0;
	s0 =	simm.s32 @!p1 $0x0  }
0x14: {  	s2 =	sld [smem:$0x3F98];
	s0 =	simm.s32 @p1 $0x1  }
0x15: {  	[smem:$0x3FB5] =	sst s0;
	s0 =	simm.s32 @!p2 $0x0  }
0x16: {  	s3 =	sld [smem:$0x3FDB];
	s0 =	simm.s32 @p2 $0x1  }
0x17: {  	s4 =	simm.s32 $0x1BF5;
	[smem:$0x3FB7] =	sst s0  }
0x18: {  	s0 =	sld [smem:$0x3F9A];
	_ =	swait.ge [sflag:s4], $0x0  }
0x19: {  	s7 =	sld [smem:$0x3F9B]  }
0x1a: {  	s8 =	sadd.s32 $0xFFFFE003, lr  }
0x1b: {  	s9 =	sadd.s32 $0xFFFFFEF7, lr;
	s5 =	simm.s32 $0xFFFFFFFF;
	p2 =	slt.u32 s8, $0xFFFFF086  }
0x1c: {  	p1 =	slt.u32 s9, $0xF7A;
	s5 =	simm.s32 @!p2 $0x0  }
0x1d: {  	s5 =	simm.s32 @p1 $0x1;
	p0 =	seq.s32 s7, s2  }
0x1e: {  	s7 =	smul.u32 @!p0 $0xF7A, s2;
	p2 =	seq.s32 @!p0 s5, $0x0  }
0x1f: {  	s9 =	smul.u32 $0xF7A, s1;
	s8 =	simm.s32 @!p0 $0x1BF5;
	p2 =	por !p2, p0  }
0x20: {  	[sflag:s8] =	ssyncset.s32 @!p0 $0xFFFFF086;
	s6 =	sadd.s32 @!p0 s3, s7;
	s7 =	simm.s32 @!p0 $0x108  }
0x21: {  	s3 =	sadd.s32 s3, s9;
	s6 =	sadd.s32 @!p0 $0x88, s6;
	s7 =	simm.s32 @p2 $0x1082  }
0x22: {  	[simem:s7], [sflag:s8] =	dma.local @!p0 [hbm:s6], $0xF7A  }
0x23: {  	s9 =	sor.u32 $0xD0000000, s2;
	s6 =	simm.s32 $0x108;
	_ =	swait.ge @!p0 [sflag:s8], $0x0  }
0x24: {  	s3 =	sadd.s32 $0x88, s3;
	s6 =	simm.s32 @!p1 $0x1082;
	[sflag:s4] =	ssyncset.s32 $0xFFFFF086  }
0x25: {  	[simem:s6], [sflag:s4] =	dma.local [hbm:s3], $0xF7A  }
0x26: {  	[smem:$0x3F9B] =	sst s1;
	(tag) =	ssettag s2;
	_ =	strace s9  }
0x27: {  	s1 =	sld [smem:$0x3FAB]  }
0x28: {  	s2 =	sld [smem:$0x3FAC]  }
0x29: {  	s4 =	sld [smem:$0x3FAE]  }
0x2a: {  	p0 =	seq.s32 s5, $0x0;
	s5 =	sld [smem:$0x3FAF]  }
0x2b: {  	s6 =	sld [smem:$0x3FB0]  }
0x2c: {  	s7 =	sld [smem:$0x3FB1]  }
0x2d: {  	s3 =	simm.s32 $0x108;
	s8 =	sld [smem:$0x3FB2]  }
0x2e: {  	s3 =	simm.s32 @!p0 $0x1082;
	s9 =	sld [smem:$0x3FB3]  }
0x2f: {  	lr =	sadd.s32 s0, s3;
	s0 =	sld [smem:$0x3FAA]  }
0x30: {  	s3 =	sld [smem:$0x3FAD]  }
0x31: {  	[smem:$0x3FB6] =	sst s10  }
0x32: {  	s10 =	sld [smem:$0x3FB4];
	_ =	sdelay $0x3  }
0x33: {  	p0 =	seq.s32 s10, $0x1;
	s10 =	sld [smem:$0x3FB6];
	_ =	sdelay $0x3  }
0x34: {  	[smem:$0x3FB6] =	sst s10  }
0x35: {  	s10 =	sld [smem:$0x3FB5];
	_ =	sdelay $0x3  }
0x36: {  	p1 =	seq.s32 s10, $0x1;
	s10 =	sld [smem:$0x3FB6];
	_ =	sdelay $0x3  }
0x37: {  	[smem:$0x3FB6] =	sst s10  }
0x38: {  	s10 =	sld [smem:$0x3FB7]  }
0x39: {  	_ = 	snop;
	(pc) =	sbr.ind lr, $3  }
0x3a: {  	_ = 	snop  }
0x3b: {  	_ = 	snop  }
0x3c: {  	p2 =	seq.s32 s10, $0x1;
	s10 =	sld [smem:$0x3FB6]  }
0x3d: {  	_ =	shalt  }
0x3e: {  	_ =	shalt  }
0x3f: {  	_ =	shalt  }
0x40: {  	_ =	shalt  }
0x41: {  	_ =	shalt  }
0x42: {  	_ =	shalt  }
0x43: {  	_ =	shalt  }
0x44: {  	_ =	shalt  }
0x45: {  	_ =	shalt  }
0x46: {  	_ =	shalt  }
0x47: {  	_ =	shalt  }
0x48: {  	_ =	shalt  }
0x49: {  	_ =	shalt  }
0x4a: {  	_ =	shalt  }
0x4b: {  	_ =	shalt  }
0x4c: {  	_ =	shalt  }
0x4d: {  	_ =	shalt  }
0x4e: {  	_ =	shalt  }
0x4f: {  	_ =	shalt  }
0x50: {  	_ =	shalt  }
0x51: {  	_ =	shalt  }
0x52: {  	_ =	shalt  }
0x53: {  	_ =	shalt  }
0x54: {  	_ =	shalt  }
0x55: {  	_ =	shalt  }
0x56: {  	_ =	shalt  }
0x57: {  	_ =	shalt  }
0x58: {  	_ =	shalt  }
0x59: {  	_ =	shalt  }
0x5a: {  	_ =	shalt  }
0x5b: {  	_ =	shalt  }
0x5c: {  	_ =	shalt  }
0x5d: {  	_ =	shalt  }
0x5e: {  	_ =	shalt  }
0x5f: {  	_ =	shalt  }
0x60: {  	_ =	shalt  }
0x61: {  	_ =	shalt  }
0x62: {  	_ =	shalt  }
0x63: {  	_ =	shalt  }
0x64: {  	_ =	shalt  }
0x65: {  	_ =	shalt  }
0x66: {  	_ =	shalt  }
0x67: {  	_ =	shalt  }
0x68: {  	_ =	shalt  }
0x69: {  	_ =	shalt  }
0x6a: {  	_ =	shalt  }
0x6b: {  	_ =	shalt  }
0x6c: {  	_ =	shalt  }
0x6d: {  	_ =	shalt  }
0x6e: {  	_ =	shalt  }
0x6f: {  	_ =	shalt  }
0x70: {  	_ =	shalt  }
0x71: {  	_ =	shalt  }
0x72: {  	_ =	shalt  }
0x73: {  	_ =	shalt  }
0x74: {  	_ =	shalt  }
0x75: {  	_ =	shalt  }
0x76: {  	_ =	shalt  }
0x77: {  	_ =	shalt  }
0x78: {  	_ =	shalt  }
0x79: {  	_ =	shalt  }
0x7a: {  	_ =	shalt  }
0x7b: {  	_ =	shalt  }
0x7c: {  	_ =	shalt  }
0x7d: {  	_ =	shalt  }
0x7e: {  	_ =	shalt  }
0x7f: {  	_ =	shalt  }
0x80: {  	_ =	shalt  }
0x81: {  	_ =	shalt  }
0x82: {  	_ =	shalt  }
0x83: {  	_ =	shalt  }
0x84: {  	_ =	shalt  }
0x85: {  	_ =	shalt  }
0x86: {  	_ =	shalt  }
0x87: {  	_ =	shalt  }
.Lfunc_end0:
.L_simem_size_0:
called_computation.1_lowered:
.L_overlay_start_0:
0x88: {  	s2 =	sld [smem:$0x3FD9]  }
0x89: {  	s3 =	sld [smem:$0x3FFE];
	_ =	sdelay $0x1  }
0x8a: {  	s1 =	srdreg.scid  }
0x8b: {  	s0 =	sand.u32 $0x1, s1  }
0x8c: {  	s16 =	sshll.u32 s0, $0xA;
	s2 =	sadd.s32 s3, s2  }
0x8d: {  	s2 =	sadd.s32 s2, s16  }
0x8e: {  	[smem:$0x3FC2] =	sst s2  }
0x8f: {  	_ = 	snop  }
0x90: {  	(tm) =	ssettm $0x1  }
0x91: {  	s17 =	sld [smem:$0x3FFB];
	_ =	sdelay $0x3  }
0x92: {  	_ =	strace s17  }
0x93: {  	s2 =	sld [smem:$0x3FFC];
	_ =	sdelay $0x3  }
0x94: {  	_ =	strace s2  }
0x95: {  	s2 =	sld [smem:$0x3FFD];
	_ =	sdelay $0x3  }
0x96: {  	_ =	strace s2  }
0x97: {  	_ =	strace $0x8FFFFFFF  }
0x98: {  	s18 =	sld [smem:$0x3FDB];
	_ =	sdelay $0x1  }
0x99: {  	s19 =	simm.s32 $_scs_section_size  }
0x9a: {  	s4 =	simm.s32 $_size__tile_overlayer_lowered;
	s5 =	simm.s32 $_tile_overlayer_lowered  }
0x9b: {  	s22 =	simm.s32 $0x1BFF;
	s21 =	sshll.u32 s5, $0x1;
	s2 =	sadd.s32 s19, s18  }
0x9c: {  	s6 =	simm.s32 $0x0;
	s20 =	sshll.u32 s4, $0x1;
	s4 =	sadd.s32 s21, s2  }
0x9d: {  	[timem:s6], [sflag:s22] =	dma.local [hbm:s4], s20  }
0x9e: {  	_ =	swait.ge [sflag:s22], s20  }
0x9f: {  	s3 =	ssub.s32 $0x0, s20;
	[sflag:s22] =	ssyncset.done $0x0  }
0xa0: {  	[sflag:s22] =	ssyncadd.s32 s3;
	_ =	sdelay $0x1  }
0xa1: {  	s23 =	simm.s32 $0x1B8B  }
0xa2: {  	_ =	swait.ge [sflag:s23], $0x1  }
0xa3: {  	[sflag:s23] =	ssyncset.done $0x0  }
0xa4: {  	s25 =	simm.s32 $0x1B8E;
	s24 =	sld [smem:$0x3FFE];
	[sflag:s23] =	ssyncadd.s32 $0xFFFFFFFF  }
0xa5: {  	s26 =	simm.s32 $execute0_lowered;
	[smem:$0x3FD2] =	sst s25  }
0xa6: {  	s4 =	sshll.u32 s26, $0x1;
	_ =	strace $0x80000049;
	[dreg:$0x1] =	wrdreg $0xFFFFFFFF  }
0xa7: {  	s28 =	simm.s32 $_size_execute0_lowered;
	s2 =	sadd.s32 s2, s4;
	[dreg:$0x0] =	wrdreg $0x0  }
0xa8: {  	s4 =	sshll.u32 s28, $0x1;
	[dreg:$0x2] =	wrdreg s2  }
0xa9: {  	[dreg:$0x3] =	wrdreg s4  }
0xaa: {  	[dreg:$0x4] =	wrdreg $0xC0  }
0xab: {  	_ =	task [dreg:s6], $0x5FFFF  }
0xac: {  	[dreg:$0x1] =	wrdreg $0xFFFFFFFF  }
0xad: {  	[dreg:$0x0] =	wrdreg $0x60  }
0xae: {  	[dreg:$0x2] =	wrdreg s24  }
0xaf: {  	[dreg:$0x3] =	wrdreg $0xB8000  }
0xb0: {  	[dreg:$0x4] =	wrdreg $0xE0000  }
0xb1: {  	[dreg:$0x5] =	wrdreg $0x9  }
0xb2: {  	_ =	task.clear_ibuf [dreg:s6], $0x6FFFF;
	_ =	strace $0x90000049  }
0xb3: {  	s29 =	simm.s32 $0x9;
	_ =	strace $0x8000004B  }
0xb4: {  	_ =	swait.ge [sflag:s29], $0x1  }
0xb5: {  	[sflag:s29] =	ssyncadd.s32 $0xFFFFFFFF  }
0xb6: {  	_ =	strace $0x9000004B  }
0xb7: {  	_ =	sfence  }
0xb8: {  	s30 =	sld [smem:$0x0];
	_ =	sdelay $0x2  }
0xb9: {  	s31 =	sshll.u32 s1, $0xD;
	s1 =	sshrl.u32 s1, $0x2  }
0xba: {  	s3 =	sand.u32 $0x4000, s31;
	s1 =	sadd.s32 s1, s30  }
0xbb: {  	s0 =	sor.u32 s3, s0;
	s1 =	sshll.u32 s1, $0x11  }
0xbc: {  	s0 =	sor.u32 s1, s0  }
0xbd: {  	s0 =	sadd.s32 $0x8F2B, s0  }
0xbe: {  	[sflag:s0] =	ssyncadd.remote.s32 $0x1  }
0xbf: {  	_ =	sfence.sel $0xFFFF  }
0xc0: {  	[dreg:$0x0] =	wrdreg $0xFFFFFFFF;
	(pc) =	sbr.abs _section_cstart, $3  }
0xc1: {  	[dreg:$0x1] =	wrdreg $0xFFFFFFFF  }
0xc2: {  	_ =	task.clear_ibuf [dreg:s6], $0x2FFFF;
	_ =	strace $0x9FFFFFFF  }
0xc3: {  	(tm) =	ssettm $0x7FFFFFFF  }
tec
execute0_lowered:
.L_overlay_start_1:
0x0: {  	(tag) =	ssettag $0x1  }
0x1: {  	s0 =	rddreg [dreg:$0x0]  }
0x2: {  	s2 =	rddreg [dreg:$0x1]  }
0x3: {  	s3 =	rddreg [dreg:$0x2]  }
0x4: {  	s9 =	stileid.u32;
	s1 =	srdreg.scid;
	s5 =	simm.s32 $0x0  }
0x5: {  	s13 =	simm.s32 $0x11;
	s16 =	simm.s32 $0x80;
	s17 =	simm.s32 $0x5000  }
0x6: {  	s18 =	simm.s32 $0x5800;
	s29 =	simm.s32 $0x8000;
	s31 =	simm.s32 $0x8800  }
0x7: {  	s15 =	simm.s32 $0x4;
	s19 =	simm.s32 $0x5;
	s28 =	simm.s32 $0x9  }
0x8: {  	s30 =	simm.s32 $0xA;
	s10 =	simm.s32 $0xF;
	s11 =	simm.s32 $0x10  }
0x9: {  	s12 =	simm.s32 $0x0;
	s4 =	smul.u32 $0x2800, s9;
	s1 =	sand.u32 $0x1, s1  }
0xa: {  	[smem:$0x7FF] =	sst s5;
	s22 =	sshll.u32 s9, $0x6;
	s20 =	sshll.u32 s1, $0x4  }
0xb: {  	s6 =	smul.u32 $0x28000, s1;
	_ =	strace $0x8000004A;
	s1 =	ssub.s32 $0x2, s1  }
0xc: {  	s7 =	sshrl.u32 s4, $0x3;
	s5 =	sor.u32 s9, s20;
	s8 =	sshrl.u32 s1, $0x1  }
0xd: {  	s21 =	sadd.s32 s4, s2;
	s20 =	simm.s32 $0x6000;
	s9 =	simm.s32 $0xE  }
0xe: {  	s5 =	smul.u32 $0x500, s5;
	s6 =	sadd.s32 s4, s6;
	s7 =	sadd.s32 s7, s0  }
0xf: {  	s1 =	ssub.s32 s1, s8;
	s4 =	sadd.s32 s4, s3;
	s26 =	sshrl.u32 s21, $0x3  }
0x10: {  	s21 =	simm.s32 $0x6;
	s8 =	simm.s32 $0xD;
	s6 =	sshrl.u32 s6, $0x3  }
0x11: {  	s7 =	sadd.s32 $0x15800, s7;
	[dreg:$0x6] =	wrdreg s4;
	s25 =	smax.u32 s1, $0x1  }
0x12: {  	[dreg:$0xb] =	wrdreg s26;
	s26 =	simm.s32 $0x7800;
	s1 =	simm.s32 $0x2  }
0x13: {  	s4 =	simm.s32 $0x3;
	s5 =	sadd.s32 s5, s0;
	[dreg:$0x4] =	wrdreg s7  }
0x14: {  	s0 =	sadd.s32 s6, s0;
	s7 =	sor.u32 $0x1C11, s22;
	[dreg:$0xa] =	wrdreg s25  }
.Ltmp0:
0x15: {  	[dreg:$0x5] =	wrdreg s7;
	s23 =	sadd.s32 $0x1800, s5;
	(pc) =	sbr.rel .LBB2_1-.Ltmp0, $4  }
0x16: {  	s22 =	simm.s32 $0x6800;
	s24 =	sadd.s32 $0xB800, s5;
	[dreg:$0x7] =	wrdreg s23  }
0x17: {  	s25 =	simm.s32 $0x8;
	s0 =	sadd.s32 $0x1A800, s0;
	[dreg:$0x8] =	wrdreg s24  }
0x18: {  	s6 =	simm.s32 $0xC;
	s5 =	simm.s32 $0xB;
	[dreg:$0x9] =	wrdreg s0  }
0x19: {  	v0 =	vimm.f32 $0.0e+00;
	s24 =	simm.s32 $0x7000;
	s0 =	simm.s32 $0x1;
	s23 =	simm.s32 $0x7  }
.LBB2_6:
0x1a: {  	_ =	swait.ge [sflag:s30], $0x800  }
0x1b: {  	[sflag:s30] =	ssyncset.done $0x0  }
0x1c: {  	[sflag:s30] =	ssyncadd.s32 $0xFFFFF800  }
0x1d: {  	_ =	swait.ge [sflag:s5], $0x800  }
0x1e: {  	[sflag:s5] =	ssyncset.done $0x0  }
0x1f: {  	[sflag:s5] =	ssyncadd.s32 $0xFFFFF800  }
0x20: {  	_ =	swait.ge [sflag:s6], $0x800  }
0x21: {  	[sflag:s6] =	ssyncset.done $0x0  }
0x22: {  	[sflag:s6] =	ssyncadd.s32 $0xFFFFF800  }
0x23: {  	_ =	swait.ge [sflag:s8], $0x800  }
0x24: {  	[sflag:s8] =	ssyncset.done $0x0  }
0x25: {  	[sflag:s8] =	ssyncadd.s32 $0xFFFFF800  }
0x26: {  	_ =	swait.ge [sflag:s9], $0x800  }
0x27: {  	[sflag:s9] =	ssyncset.done $0x0  }
0x28: {  	[sflag:s9] =	ssyncadd.s32 $0xFFFFF800  }
0x29: {  	_ =	swait.ge [sflag:s10], $0x800  }
0x2a: {  	[sflag:s10] =	ssyncset.done $0x0  }
0x2b: {  	[sflag:s10] =	ssyncadd.s32 $0xFFFFF800  }
0x2c: {  	_ =	swait.ge [sflag:s11], $0x800  }
0x2d: {  	[sflag:s11] =	ssyncset.done $0x0  }
0x2e: {  	[sflag:s11] =	ssyncadd.s32 $0xFFFFF800  }
0x2f: {  	[bflag:$0x0] =	sbarrier.arrive $0xFFFF  }
0x30: {  	s14 =	simm.s32 $0x9000;
	s7 =	rddreg [dreg:$0x6]  }
0x31: {  	[tilespmem:s14], [sflag:$0x11] =	stream.linear.gather [spmem:s7], $0x2800, $0x38;
	[tilespmem:$0x10800] =	vst v63  }
0x32: {  	_ =	swait.ge [sflag:s13], $0x2800  }
0x33: {  	s7 =	simm.s32 $0x0;
	[sflag:s13] =	ssyncset.done $0x0  }
0x34: {  	s12 =	rddreg [dreg:$0x9];
	[sflag:s13] =	ssyncadd.s32 $0xFFFFD800;
	s13 =	simm.s32 $0x11  }
0x35: {  	[hbm4b:s12+s7] =	stream.linear.scatter [tilespmem:s14], [sflag:$0x11], $0x2800, $0x38;
	[tilespmem:$0x10800] =	vst v63  }
0x36: {  	_ =	swait.ge [sflag:s13], $0x2800  }
0x37: {  	s7 =	rddreg [dreg:$0xc]  }
0x38: {  	s14 =	rddreg [dreg:$0xa];
	s12 =	sadd.s32 $0x1, s7  }
0x39: {  	p0 =	sne.s32 s12, s14  }
.Ltmp1:
0x3a: {  	_ = 	snop;
	(pc) =	sbr.rel @!p0 .LBB2_7-.Ltmp1, $3  }
0x3b: {  	_ =	sdelay $0x1  }
0x3c: {  	[sflag:s13] =	ssyncset.done $0x0  }
0x3d: {  	[sflag:s13] =	ssyncadd.s32 $0xFFFFD800  }
.LBB2_1:
0x3e: {  	[dreg:$0xc] =	wrdreg s12  }
0x3f: {  	s7 =	rddreg [dreg:$0x4]  }
0x40: {  	s12 =	rddreg [dreg:$0x5]  }
0x41: {  	s14 =	rddreg [dreg:$0xb]  }
0x42: {  	[spmem:s14], [sflag:s12] =	dma.local [hbm:s7], $0x500  }
0x43: {  	_ =	swait.ge [sflag:s13], $0x500  }
0x44: {  	[sflag:s13] =	ssyncset.done $0x0  }
0x45: {  	s7 =	simm.s32 $0x40;
	s14 =	simm.s32 $0x0;
	[sflag:s13] =	ssyncadd.s32 $0xFFFFFB00  }
.LBB2_2:
0x46: {  	p0 =	sne.s32 s7, $0x9FC0;
	[tilespmem:s14+$0x9000] =	vst v0;
	s14 =	smov.u32 s7;
	s7 =	sadd.s32 $0x40, s7  }
.Ltmp2:
0x47: {  	(pc) =	sbr.rel @p0 .LBB2_2-.Ltmp2, $2  }
0x48: {  	_ =	sdelay $0x2  }
0x49: {  	s14 =	sshra.s32 s14, $0x2  }
0x4a: {  	[tilespmem:s14+$0x9000] =	vst v0;
	s7 =	rddreg [dreg:$0x6];
	s12 =	simm.s32 $0x9000;
	s13 =	simm.s32 $0x11  }
0x4b: {  	[spmem:s7] =	stream.linear.scatter [tilespmem:s12], [sflag:$0x11], $0x2800, $0x38;
	[tilespmem:$0x10800] =	vst v63  }
0x4c: {  	_ =	swait.ge [sflag:s13], $0x2800  }
0x4d: {  	[sflag:s13] =	ssyncset.done $0x0  }
0x4e: {  	s14 =	simm.s32 $0x0;
	s12 =	rddreg [dreg:$0x7];
	[sflag:s13] =	ssyncadd.s32 $0xFFFFD800  }
0x4f: {  	[tilespmem:s14], [sflag:$0x11] =	stream.linear.gather [hbm4b:s12+s14], $0x2800, $0x38;
	[tilespmem:$0x10800] =	vst v63  }
0x50: {  	_ =	swait.ge [sflag:s13], $0x2800  }
0x51: {  	[sflag:s13] =	ssyncset.done $0x0  }
0x52: {  	s12 =	simm.s32 $0x2800;
	s7 =	rddreg [dreg:$0x8];
	[sflag:s13] =	ssyncadd.s32 $0xFFFFD800  }
0x53: {  	[tilespmem:s12], [sflag:$0x11] =	stream.linear.gather [hbm4b:s7+s14], $0x2800, $0x38;
	[tilespmem:$0x10800] =	vst v63  }
0x54: {  	_ =	swait.ge [sflag:s13], $0x2800  }
0x55: {  	[sflag:s13] =	ssyncset.done $0x0  }
0x56: {  	[sflag:s13] =	ssyncadd.s32 $0xFFFFD800  }
0x57: {  	[bflag:$0x0] =	sbarrier.arrive $0xFFFF  }
0x58: {  	[tilespmem:s17], [sflag:$0x1] =	stream.indirect.gather [spmem:s2], $0x10, s14, s16, $0xb8;
	[tilespmem:$0x10800] =	vst v63  }
0x59: {  	_ = 	snop  }
0x5a: {  	[tilespmem:s18], [sflag:$0x2] =	stream.indirect.gather [spmem:s2], $0x10, s16, s16, $0xb8;
	[tilespmem:$0x10800] =	vst v63  }
0x5b: {  	s12 =	simm.s32 $0x100  }
0x5c: {  	[tilespmem:s20], [sflag:$0x3] =	stream.indirect.gather [spmem:s2], $0x10, s12, s16, $0xb8;
	[tilespmem:$0x10800] =	vst v63  }
0x5d: {  	s12 =	simm.s32 $0x180  }
0x5e: {  	[tilespmem:s22], [sflag:$0x4] =	stream.indirect.gather [spmem:s2], $0x10, s12, s16, $0xb8;
	[tilespmem:$0x10800] =	vst v63  }
0x5f: {  	s12 =	simm.s32 $0x200  }
0x60: {  	[tilespmem:s24], [sflag:$0x5] =	stream.indirect.gather [spmem:s2], $0x10, s12, s16, $0xb8;
	[tilespmem:$0x10800] =	vst v63  }
0x61: {  	s12 =	simm.s32 $0x280  }
0x62: {  	[tilespmem:s26], [sflag:$0x6] =	stream.indirect.gather [spmem:s2], $0x10, s12, s16, $0xb8;
	[tilespmem:$0x10800] =	vst v63  }
0x63: {  	s12 =	simm.s32 $0x300  }
0x64: {  	[tilespmem:s29], [sflag:$0x7] =	stream.indirect.gather [spmem:s2], $0x10, s12, s16, $0xb8;
	[tilespmem:$0x10800] =	vst v63  }
0x65: {  	s12 =	simm.s32 $0x380  }
0x66: {  	[tilespmem:s31], [sflag:$0x8] =	stream.indirect.gather [spmem:s2], $0x10, s12, s16, $0xb8;
	[tilespmem:$0x10800] =	vst v63  }
.LBB2_4:
0x67: {  	_ =	swait.ge [sflag:s0], $0x800  }
0x68: {  	s7 =	sshra.s32 s14, $0x2;
	[sflag:s0] =	ssyncset.done $0x0  }
0x69: {  	s12 =	sadd.s32 $0x2800, s7;
	[sflag:s0] =	ssyncadd.s32 $0xFFFFF800  }
0x6a: {  	[spmem:s3] =	stream.indirect.scatter.add.f32 [tilespmem:s17], [sflag:$0x9], $0x10, s12, s16, $0xb8;
	[tilespmem:$0x10800] =	vst v63  }
0x6b: {  	_ =	swait.ge [sflag:s1], $0x800  }
0x6c: {  	[sflag:s1] =	ssyncset.done $0x0  }
0x6d: {  	s12 =	sadd.s32 $0x2880, s7;
	[sflag:s1] =	ssyncadd.s32 $0xFFFFF800  }
0x6e: {  	[spmem:s3] =	stream.indirect.scatter.add.f32 [tilespmem:s18], [sflag:$0xA], $0x10, s12, s16, $0xb8;
	[tilespmem:$0x10800] =	vst v63  }
0x6f: {  	_ =	swait.ge [sflag:s4], $0x800  }
0x70: {  	[sflag:s4] =	ssyncset.done $0x0  }
0x71: {  	s12 =	sadd.s32 $0x2900, s7;
	[sflag:s4] =	ssyncadd.s32 $0xFFFFF800  }
0x72: {  	[spmem:s3] =	stream.indirect.scatter.add.f32 [tilespmem:s20], [sflag:$0xB], $0x10, s12, s16, $0xb8;
	[tilespmem:$0x10800] =	vst v63  }
0x73: {  	_ =	swait.ge [sflag:s15], $0x800  }
0x74: {  	[sflag:s15] =	ssyncset.done $0x0  }
0x75: {  	s12 =	sadd.s32 $0x2980, s7;
	[sflag:s15] =	ssyncadd.s32 $0xFFFFF800  }
0x76: {  	[spmem:s3] =	stream.indirect.scatter.add.f32 [tilespmem:s22], [sflag:$0xC], $0x10, s12, s16, $0xb8;
	[tilespmem:$0x10800] =	vst v63  }
0x77: {  	_ =	swait.ge [sflag:s19], $0x800  }
0x78: {  	[sflag:s19] =	ssyncset.done $0x0  }
0x79: {  	s12 =	sadd.s32 $0x2A00, s7;
	[sflag:s19] =	ssyncadd.s32 $0xFFFFF800  }
0x7a: {  	[spmem:s3] =	stream.indirect.scatter.add.f32 [tilespmem:s24], [sflag:$0xD], $0x10, s12, s16, $0xb8;
	[tilespmem:$0x10800] =	vst v63  }
0x7b: {  	_ =	swait.ge [sflag:s21], $0x800  }
0x7c: {  	[sflag:s21] =	ssyncset.done $0x0  }
0x7d: {  	s12 =	sadd.s32 $0x2A80, s7;
	[sflag:s21] =	ssyncadd.s32 $0xFFFFF800  }
0x7e: {  	[spmem:s3] =	stream.indirect.scatter.add.f32 [tilespmem:s26], [sflag:$0xE], $0x10, s12, s16, $0xb8;
	[tilespmem:$0x10800] =	vst v63  }
0x7f: {  	_ =	swait.ge [sflag:s23], $0x800  }
0x80: {  	[sflag:s23] =	ssyncset.done $0x0  }
0x81: {  	s12 =	sadd.s32 $0x2B00, s7;
	[sflag:s23] =	ssyncadd.s32 $0xFFFFF800  }
0x82: {  	[spmem:s3] =	stream.indirect.scatter.add.f32 [tilespmem:s29], [sflag:$0xF], $0x10, s12, s16, $0xb8;
	[tilespmem:$0x10800] =	vst v63  }
0x83: {  	_ =	swait.ge [sflag:s25], $0x800  }
0x84: {  	p0 =	seq.s32 s14, $0x9000;
	[sflag:s25] =	ssyncset.done $0x0  }
.Ltmp3:
0x85: {  	s12 =	sadd.s32 $0x2B80, s7;
	[sflag:s25] =	ssyncadd.s32 $0xFFFFF800;
	(pc) =	sbr.rel @p0 .LBB2_6-.Ltmp3, $4  }
0x86: {  	[spmem:s3] =	stream.indirect.scatter.add.f32 [tilespmem:s31], [sflag:$0x10], $0x10, s12, s16, $0xb8;
	[tilespmem:$0x10800] =	vst v63  }
0x87: {  	_ =	swait.ge [sflag:s28], $0x800  }
0x88: {  	[sflag:s28] =	ssyncset.done $0x0  }
0x89: {  	[sflag:s28] =	ssyncadd.s32 $0xFFFFF800  }
0x8a: {  	s12 =	sadd.s32 $0x400, s7  }
0x8b: {  	[tilespmem:s17], [sflag:$0x1] =	stream.indirect.gather [spmem:s2], $0x10, s12, s16, $0xb8;
	[tilespmem:$0x10800] =	vst v63  }
0x8c: {  	_ =	swait.ge [sflag:s30], $0x800  }
0x8d: {  	[sflag:s30] =	ssyncset.done $0x0  }
0x8e: {  	s12 =	sadd.s32 $0x480, s7;
	[sflag:s30] =	ssyncadd.s32 $0xFFFFF800  }
0x8f: {  	[tilespmem:s18], [sflag:$0x2] =	stream.indirect.gather [spmem:s2], $0x10, s12, s16, $0xb8;
	[tilespmem:$0x10800] =	vst v63  }
0x90: {  	_ =	swait.ge [sflag:s5], $0x800  }
0x91: {  	[sflag:s5] =	ssyncset.done $0x0  }
0x92: {  	s12 =	sadd.s32 $0x500, s7;
	[sflag:s5] =	ssyncadd.s32 $0xFFFFF800  }
0x93: {  	[tilespmem:s20], [sflag:$0x3] =	stream.indirect.gather [spmem:s2], $0x10, s12, s16, $0xb8;
	[tilespmem:$0x10800] =	vst v63  }
0x94: {  	_ =	swait.ge [sflag:s6], $0x800  }
0x95: {  	[sflag:s6] =	ssyncset.done $0x0  }
0x96: {  	s12 =	sadd.s32 $0x580, s7;
	[sflag:s6] =	ssyncadd.s32 $0xFFFFF800  }
0x97: {  	[tilespmem:s22], [sflag:$0x4] =	stream.indirect.gather [spmem:s2], $0x10, s12, s16, $0xb8;
	[tilespmem:$0x10800] =	vst v63  }
0x98: {  	_ =	swait.ge [sflag:s8], $0x800  }
0x99: {  	[sflag:s8] =	ssyncset.done $0x0  }
0x9a: {  	s12 =	sadd.s32 $0x600, s7;
	[sflag:s8] =	ssyncadd.s32 $0xFFFFF800  }
0x9b: {  	[tilespmem:s24], [sflag:$0x5] =	stream.indirect.gather [spmem:s2], $0x10, s12, s16, $0xb8;
	[tilespmem:$0x10800] =	vst v63  }
0x9c: {  	_ =	swait.ge [sflag:s9], $0x800  }
0x9d: {  	[sflag:s9] =	ssyncset.done $0x0  }
0x9e: {  	s12 =	sadd.s32 $0x680, s7;
	[sflag:s9] =	ssyncadd.s32 $0xFFFFF800  }
0x9f: {  	[tilespmem:s26], [sflag:$0x6] =	stream.indirect.gather [spmem:s2], $0x10, s12, s16, $0xb8;
	[tilespmem:$0x10800] =	vst v63  }
0xa0: {  	_ =	swait.ge [sflag:s10], $0x800  }
0xa1: {  	[sflag:s10] =	ssyncset.done $0x0  }
0xa2: {  	s12 =	sadd.s32 $0x700, s7;
	[sflag:s10] =	ssyncadd.s32 $0xFFFFF800  }
0xa3: {  	[tilespmem:s29], [sflag:$0x7] =	stream.indirect.gather [spmem:s2], $0x10, s12, s16, $0xb8;
	[tilespmem:$0x10800] =	vst v63  }
.Ltmp4:
0xa4: {  	_ = 	snop;
	(pc) =	sbr.rel .LBB2_4-.Ltmp4, $4  }
0xa5: {  	_ =	swait.ge [sflag:s11], $0x800  }
0xa6: {  	[sflag:s11] =	ssyncset.done $0x0  }
0xa7: {  	s14 =	sadd.s32 $0x1000, s14;
	s12 =	sadd.s32 $0x780, s7;
	[sflag:s11] =	ssyncadd.s32 $0xFFFFF800  }
0xa8: {  	[tilespmem:s31], [sflag:$0x8] =	stream.indirect.gather [spmem:s2], $0x10, s12, s16, $0xb8;
	[tilespmem:$0x10800] =	vst v63  }
.LBB2_7:
0xa9: {  	_ =	sfence.sel $0x180000  }
0xaa: {  	[bflag:$0x0] =	sbarrier.arrive $0xFFFF  }
0xab: {  	_ =	strace $0x9000004A  }
0xac: {  	s0 =	stileid.u32;
	[bflag:$0x2] =	sbarrier.arrive $0xFFFF  }
0xad: {  	p0 =	sne.s32 s0, $0x0;
	s0 =	rddreg [dreg:$0x3]  }
0xae: {  	s0 =	sadd.s32 @!p0 $0x100000, s0  }
0xaf: {  	[sflag:s0] =	ssyncadd.tile.s32 @!p0 $0x1;
	_ =	shalt  }
.Lfunc_end2:
_tile_overlayer_lowered:
.L_overlay_start_2:
0xb0: {  	(tag) =	ssettag $0x2  }
0xb1: {  	s0 =	rddreg [dreg:$0x0];
	s2 =	stileid.u32  }
0xb2: {  	s1 =	rddreg [dreg:$0x1];
	p0 =	sne.s32 s2, $0x0  }
0xb3: {  	s3 =	rddreg [dreg:$0x2];
	[bflag:$0x3] =	sbarrier.arrive $0xFFFF;
	s2 =	simm.s32 @!p0 $0x1C11  }
0xb4: {  	[timem:s3], [sflag:s2] =	dma.local @!p0 [hbm:s0], s1  }
0xb5: {  	s0 =	simm.s32 @!p0 $0x11  }
0xb6: {  	_ =	swait.ge @!p0 [sflag:s0], s1  }
0xb7: {  	s1 =	ssub.s32 @!p0 $0x0, s1;
	[sflag:s0] =	ssyncset.done @!p0 $0x0  }
0xb8: {  	[sflag:s0] =	ssyncadd.s32 @!p0 s1  }
0xb9: {  	[bflag:$0x3] =	sbarrier.arrive $0xFFFF  }
0xba: {  	_ =	shalt  }

// kernel: kernel.14.cloned.1.call-start
scs
__scs_entry_jumppad:
0x0: {  	(pc) =	sbr.rel $0x88, $3  }
0x1: {  	(tag) =	ssettag $0x0;
	lr =	simm.s32 $0x1  }
0x2: {  	[smem:$0x3F9B] =	sst lr;
	_ =	strace $0xD0000000  }
0x3: {  	_ = 	snop  }
0x4: {  	_ = 	snop  }
0x5: {  	_ = 	snop  }
0x6: {  	_ = 	snop  }
0x7: {  	_ = 	snop  }
__scs_overlays_trampoline_lowered:
0x8: {  	[smem:$0x3FAA] =	sst s0  }
0x9: {  	[smem:$0x3FAB] =	sst s1  }
0xa: {  	[smem:$0x3FAC] =	sst s2  }
0xb: {  	[smem:$0x3FAD] =	sst s3  }
0xc: {  	[smem:$0x3FAE] =	sst s4  }
0xd: {  	[smem:$0x3FAF] =	sst s5  }
0xe: {  	[smem:$0x3FB0] =	sst s6  }
0xf: {  	[smem:$0x3FB1] =	sst s7  }
0x10: {  	[smem:$0x3FB2] =	sst s8  }
0x11: {  	[smem:$0x3FB3] =	sst s9;
	s0 =	simm.s32 @!p0 $0x0  }
0x12: {  	s1 =	sld [smem:$0x3F99];
	s0 =	simm.s32 @p0 $0x1  }
0x13: {  	[smem:$0x3FB4] =	sst s0;
	s0 =	simm.s32 @!p1 $0x0  }
0x14: {  	s2 =	sld [smem:$0x3F98];
	s0 =	simm.s32 @p1 $0x1  }
0x15: {  	[smem:$0x3FB5] =	sst s0;
	s0 =	simm.s32 @!p2 $0x0  }
0x16: {  	s3 =	sld [smem:$0x3FDB];
	s0 =	simm.s32 @p2 $0x1  }
0x17: {  	s4 =	simm.s32 $0x1BF5;
	[smem:$0x3FB7] =	sst s0  }
0x18: {  	s0 =	sld [smem:$0x3F9A];
	_ =	swait.ge [sflag:s4], $0x0  }
0x19: {  	s7 =	sld [smem:$0x3F9B]  }
0x1a: {  	s8 =	sadd.s32 $0xFFFFE003, lr  }
0x1b: {  	s9 =	sadd.s32 $0xFFFFFEF7, lr;
	s5 =	simm.s32 $0xFFFFFFFF;
	p2 =	slt.u32 s8, $0xFFFFF086  }
0x1c: {  	p1 =	slt.u32 s9, $0xF7A;
	s5 =	simm.s32 @!p2 $0x0  }
0x1d: {  	s5 =	simm.s32 @p1 $0x1;
	p0 =	seq.s32 s7, s2  }
0x1e: {  	s7 =	smul.u32 @!p0 $0xF7A, s2;
	p2 =	seq.s32 @!p0 s5, $0x0  }
0x1f: {  	s9 =	smul.u32 $0xF7A, s1;
	s8 =	simm.s32 @!p0 $0x1BF5;
	p2 =	por !p2, p0  }
0x20: {  	[sflag:s8] =	ssyncset.s32 @!p0 $0xFFFFF086;
	s6 =	sadd.s32 @!p0 s3, s7;
	s7 =	simm.s32 @!p0 $0x108  }
0x21: {  	s3 =	sadd.s32 s3, s9;
	s6 =	sadd.s32 @!p0 $0x88, s6;
	s7 =	simm.s32 @p2 $0x1082  }
0x22: {  	[simem:s7], [sflag:s8] =	dma.local @!p0 [hbm:s6], $0xF7A  }
0x23: {  	s9 =	sor.u32 $0xD0000000, s2;
	s6 =	simm.s32 $0x108;
	_ =	swait.ge @!p0 [sflag:s8], $0x0  }
0x24: {  	s3 =	sadd.s32 $0x88, s3;
	s6 =	simm.s32 @!p1 $0x1082;
	[sflag:s4] =	ssyncset.s32 $0xFFFFF086  }
0x25: {  	[simem:s6], [sflag:s4] =	dma.local [hbm:s3], $0xF7A  }
0x26: {  	[smem:$0x3F9B] =	sst s1;
	(tag) =	ssettag s2;
	_ =	strace s9  }
0x27: {  	s1 =	sld [smem:$0x3FAB]  }
0x28: {  	s2 =	sld [smem:$0x3FAC]  }
0x29: {  	s4 =	sld [smem:$0x3FAE]  }
0x2a: {  	p0 =	seq.s32 s5, $0x0;
	s5 =	sld [smem:$0x3FAF]  }
0x2b: {  	s6 =	sld [smem:$0x3FB0]  }
0x2c: {  	s7 =	sld [smem:$0x3FB1]  }
0x2d: {  	s3 =	simm.s32 $0x108;
	s8 =	sld [smem:$0x3FB2]  }
0x2e: {  	s3 =	simm.s32 @!p0 $0x1082;
	s9 =	sld [smem:$0x3FB3]  }
0x2f: {  	lr =	sadd.s32 s0, s3;
	s0 =	sld [smem:$0x3FAA]  }
0x30: {  	s3 =	sld [smem:$0x3FAD]  }
0x31: {  	[smem:$0x3FB6] =	sst s10  }
0x32: {  	s10 =	sld [smem:$0x3FB4];
	_ =	sdelay $0x3  }
0x33: {  	p0 =	seq.s32 s10, $0x1;
	s10 =	sld [smem:$0x3FB6];
	_ =	sdelay $0x3  }
0x34: {  	[smem:$0x3FB6] =	sst s10  }
0x35: {  	s10 =	sld [smem:$0x3FB5];
	_ =	sdelay $0x3  }
0x36: {  	p1 =	seq.s32 s10, $0x1;
	s10 =	sld [smem:$0x3FB6];
	_ =	sdelay $0x3  }
0x37: {  	[smem:$0x3FB6] =	sst s10  }
0x38: {  	s10 =	sld [smem:$0x3FB7]  }
0x39: {  	_ = 	snop;
	(pc) =	sbr.ind lr, $3  }
0x3a: {  	_ = 	snop  }
0x3b: {  	_ = 	snop  }
0x3c: {  	p2 =	seq.s32 s10, $0x1;
	s10 =	sld [smem:$0x3FB6]  }
0x3d: {  	_ =	shalt  }
0x3e: {  	_ =	shalt  }
0x3f: {  	_ =	shalt  }
0x40: {  	_ =	shalt  }
0x41: {  	_ =	shalt  }
0x42: {  	_ =	shalt  }
0x43: {  	_ =	shalt  }
0x44: {  	_ =	shalt  }
0x45: {  	_ =	shalt  }
0x46: {  	_ =	shalt  }
0x47: {  	_ =	shalt  }
0x48: {  	_ =	shalt  }
0x49: {  	_ =	shalt  }
0x4a: {  	_ =	shalt  }
0x4b: {  	_ =	shalt  }
0x4c: {  	_ =	shalt  }
0x4d: {  	_ =	shalt  }
0x4e: {  	_ =	shalt  }
0x4f: {  	_ =	shalt  }
0x50: {  	_ =	shalt  }
0x51: {  	_ =	shalt  }
0x52: {  	_ =	shalt  }
0x53: {  	_ =	shalt  }
0x54: {  	_ =	shalt  }
0x55: {  	_ =	shalt  }
0x56: {  	_ =	shalt  }
0x57: {  	_ =	shalt  }
0x58: {  	_ =	shalt  }
0x59: {  	_ =	shalt  }
0x5a: {  	_ =	shalt  }
0x5b: {  	_ =	shalt  }
0x5c: {  	_ =	shalt  }
0x5d: {  	_ =	shalt  }
0x5e: {  	_ =	shalt  }
0x5f: {  	_ =	shalt  }
0x60: {  	_ =	shalt  }
0x61: {  	_ =	shalt  }
0x62: {  	_ =	shalt  }
0x63: {  	_ =	shalt  }
0x64: {  	_ =	shalt  }
0x65: {  	_ =	shalt  }
0x66: {  	_ =	shalt  }
0x67: {  	_ =	shalt  }
0x68: {  	_ =	shalt  }
0x69: {  	_ =	shalt  }
0x6a: {  	_ =	shalt  }
0x6b: {  	_ =	shalt  }
0x6c: {  	_ =	shalt  }
0x6d: {  	_ =	shalt  }
0x6e: {  	_ =	shalt  }
0x6f: {  	_ =	shalt  }
0x70: {  	_ =	shalt  }
0x71: {  	_ =	shalt  }
0x72: {  	_ =	shalt  }
0x73: {  	_ =	shalt  }
0x74: {  	_ =	shalt  }
0x75: {  	_ =	shalt  }
0x76: {  	_ =	shalt  }
0x77: {  	_ =	shalt  }
0x78: {  	_ =	shalt  }
0x79: {  	_ =	shalt  }
0x7a: {  	_ =	shalt  }
0x7b: {  	_ =	shalt  }
0x7c: {  	_ =	shalt  }
0x7d: {  	_ =	shalt  }
0x7e: {  	_ =	shalt  }
0x7f: {  	_ =	shalt  }
0x80: {  	_ =	shalt  }
0x81: {  	_ =	shalt  }
0x82: {  	_ =	shalt  }
0x83: {  	_ =	shalt  }
0x84: {  	_ =	shalt  }
0x85: {  	_ =	shalt  }
0x86: {  	_ =	shalt  }
0x87: {  	_ =	shalt  }
.Lfunc_end0:
.L_simem_size_0:
called_computation.2_lowered:
.L_overlay_start_0:
0x88: {  	s2 =	sld [smem:$0x3FD9]  }
0x89: {  	s3 =	sld [smem:$0x3FFE];
	_ =	sdelay $0x1  }
0x8a: {  	s1 =	srdreg.scid  }
0x8b: {  	s0 =	sand.u32 $0x1, s1  }
0x8c: {  	s16 =	sshll.u32 s0, $0xA;
	s2 =	sadd.s32 s3, s2  }
0x8d: {  	s2 =	sadd.s32 s2, s16  }
0x8e: {  	[smem:$0x3FC2] =	sst s2  }
0x8f: {  	_ = 	snop  }
0x90: {  	(tm) =	ssettm $0x1  }
0x91: {  	s17 =	sld [smem:$0x3FFB];
	_ =	sdelay $0x3  }
0x92: {  	_ =	strace s17  }
0x93: {  	s2 =	sld [smem:$0x3FFC];
	_ =	sdelay $0x3  }
0x94: {  	_ =	strace s2  }
0x95: {  	s2 =	sld [smem:$0x3FFD];
	_ =	sdelay $0x3  }
0x96: {  	_ =	strace s2  }
0x97: {  	_ =	strace $0x8FFFFFFF  }
0x98: {  	s18 =	sld [smem:$0x3FDB];
	_ =	sdelay $0x1  }
0x99: {  	s19 =	simm.s32 $_scs_section_size  }
0x9a: {  	s4 =	simm.s32 $_size__tile_overlayer_lowered;
	s5 =	simm.s32 $_tile_overlayer_lowered  }
0x9b: {  	s22 =	simm.s32 $0x1BFF;
	s21 =	sshll.u32 s5, $0x1;
	s2 =	sadd.s32 s19, s18  }
0x9c: {  	s6 =	simm.s32 $0x0;
	s20 =	sshll.u32 s4, $0x1;
	s4 =	sadd.s32 s21, s2  }
0x9d: {  	[timem:s6], [sflag:s22] =	dma.local [hbm:s4], s20  }
0x9e: {  	_ =	swait.ge [sflag:s22], s20  }
0x9f: {  	s3 =	ssub.s32 $0x0, s20;
	[sflag:s22] =	ssyncset.done $0x0  }
0xa0: {  	[sflag:s22] =	ssyncadd.s32 s3;
	_ =	sdelay $0x1  }
0xa1: {  	s23 =	simm.s32 $0x1B8B  }
0xa2: {  	_ =	swait.ge [sflag:s23], $0x1  }
0xa3: {  	[sflag:s23] =	ssyncset.done $0x0  }
0xa4: {  	s25 =	simm.s32 $0x1B8E;
	s24 =	sld [smem:$0x3FFE];
	[sflag:s23] =	ssyncadd.s32 $0xFFFFFFFF  }
0xa5: {  	s26 =	simm.s32 $execute0_lowered;
	[smem:$0x3FD2] =	sst s25  }
0xa6: {  	s4 =	sshll.u32 s26, $0x1;
	_ =	strace $0x8000004C;
	[dreg:$0x1] =	wrdreg $0xFFFFFFFF  }
0xa7: {  	s28 =	simm.s32 $_size_execute0_lowered;
	s2 =	sadd.s32 s2, s4;
	[dreg:$0x0] =	wrdreg $0x0  }
0xa8: {  	s4 =	sshll.u32 s28, $0x1;
	[dreg:$0x2] =	wrdreg s2  }
0xa9: {  	[dreg:$0x3] =	wrdreg s4  }
0xaa: {  	[dreg:$0x4] =	wrdreg $0xC0  }
0xab: {  	_ =	task [dreg:s6], $0x5FFFF  }
0xac: {  	[dreg:$0x1] =	wrdreg $0xFFFFFFFF  }
0xad: {  	[dreg:$0x0] =	wrdreg $0x60  }
0xae: {  	[dreg:$0x2] =	wrdreg s24  }
0xaf: {  	[dreg:$0x3] =	wrdreg $0xB8000  }
0xb0: {  	[dreg:$0x4] =	wrdreg $0xE0000  }
0xb1: {  	[dreg:$0x5] =	wrdreg $0x9  }
0xb2: {  	_ =	task.clear_ibuf [dreg:s6], $0x6FFFF;
	_ =	strace $0x9000004C  }
0xb3: {  	s29 =	simm.s32 $0x9;
	_ =	strace $0x8000004E  }
0xb4: {  	_ =	swait.ge [sflag:s29], $0x1  }
0xb5: {  	[sflag:s29] =	ssyncadd.s32 $0xFFFFFFFF  }
0xb6: {  	_ =	strace $0x9000004E  }
0xb7: {  	_ =	sfence  }
0xb8: {  	s30 =	sld [smem:$0x0];
	_ =	sdelay $0x2  }
0xb9: {  	s31 =	sshll.u32 s1, $0xD;
	s1 =	sshrl.u32 s1, $0x2  }
0xba: {  	s3 =	sand.u32 $0x4000, s31;
	s1 =	sadd.s32 s1, s30  }
0xbb: {  	s0 =	sor.u32 s3, s0;
	s1 =	sshll.u32 s1, $0x11  }
0xbc: {  	s0 =	sor.u32 s1, s0  }
0xbd: {  	s0 =	sadd.s32 $0x8F2B, s0  }
0xbe: {  	[sflag:s0] =	ssyncadd.remote.s32 $0x1  }
0xbf: {  	_ =	sfence.sel $0xFFFF  }
0xc0: {  	[dreg:$0x0] =	wrdreg $0xFFFFFFFF;
	(pc) =	sbr.abs _section_cstart, $3  }
0xc1: {  	[dreg:$0x1] =	wrdreg $0xFFFFFFFF  }
0xc2: {  	_ =	task.clear_ibuf [dreg:s6], $0x2FFFF;
	_ =	strace $0x9FFFFFFF  }
0xc3: {  	(tm) =	ssettm $0x7FFFFFFF  }
tec
execute0_lowered:
.L_overlay_start_1:
0x0: {  	(tag) =	ssettag $0x1  }
0x1: {  	s0 =	rddreg [dreg:$0x0]  }
0x2: {  	s2 =	rddreg [dreg:$0x1]  }
0x3: {  	s3 =	rddreg [dreg:$0x2]  }
0x4: {  	s9 =	stileid.u32;
	s1 =	srdreg.scid;
	s5 =	simm.s32 $0x0  }
0x5: {  	s13 =	simm.s32 $0x11;
	s16 =	simm.s32 $0x80;
	s17 =	simm.s32 $0x5000  }
0x6: {  	s18 =	simm.s32 $0x5800;
	s29 =	simm.s32 $0x8000;
	s31 =	simm.s32 $0x8800  }
0x7: {  	s15 =	simm.s32 $0x4;
	s19 =	simm.s32 $0x5;
	s28 =	simm.s32 $0x9  }
0x8: {  	s30 =	simm.s32 $0xA;
	s10 =	simm.s32 $0xF;
	s11 =	simm.s32 $0x10  }
0x9: {  	s12 =	simm.s32 $0x0;
	s4 =	smul.u32 $0x2800, s9;
	s1 =	sand.u32 $0x1, s1  }
0xa: {  	[smem:$0x7FF] =	sst s5;
	s22 =	sshll.u32 s9, $0x6;
	s20 =	sshll.u32 s1, $0x4  }
0xb: {  	s6 =	smul.u32 $0x28000, s1;
	_ =	strace $0x8000004D;
	s1 =	ssub.s32 $0x2, s1  }
0xc: {  	s7 =	sshrl.u32 s4, $0x3;
	s5 =	sor.u32 s9, s20;
	s8 =	sshrl.u32 s1, $0x1  }
0xd: {  	s21 =	sadd.s32 s4, s2;
	s20 =	simm.s32 $0x6000;
	s9 =	simm.s32 $0xE  }
0xe: {  	s5 =	smul.u32 $0x500, s5;
	s6 =	sadd.s32 s4, s6;
	s7 =	sadd.s32 s7, s0  }
0xf: {  	s1 =	ssub.s32 s1, s8;
	s4 =	sadd.s32 s4, s3;
	s26 =	sshrl.u32 s21, $0x3  }
0x10: {  	s21 =	simm.s32 $0x6;
	s8 =	simm.s32 $0xD;
	s6 =	sshrl.u32 s6, $0x3  }
0x11: {  	s7 =	sadd.s32 $0x15800, s7;
	[dreg:$0x6] =	wrdreg s4;
	s25 =	smax.u32 s1, $0x1  }
0x12: {  	[dreg:$0xb] =	wrdreg s26;
	s26 =	simm.s32 $0x7800;
	s1 =	simm.s32 $0x2  }
0x13: {  	s4 =	simm.s32 $0x3;
	s5 =	sadd.s32 s5, s0;
	[dreg:$0x4] =	wrdreg s7  }
0x14: {  	s0 =	sadd.s32 s6, s0;
	s7 =	sor.u32 $0x1C11, s22;
	[dreg:$0xa] =	wrdreg s25  }
.Ltmp0:
0x15: {  	[dreg:$0x5] =	wrdreg s7;
	s23 =	sadd.s32 $0x1800, s5;
	(pc) =	sbr.rel .LBB2_1-.Ltmp0, $4  }
0x16: {  	s22 =	simm.s32 $0x6800;
	s24 =	sadd.s32 $0xB800, s5;
	[dreg:$0x7] =	wrdreg s23  }
0x17: {  	s25 =	simm.s32 $0x8;
	s0 =	sadd.s32 $0x1A800, s0;
	[dreg:$0x8] =	wrdreg s24  }
0x18: {  	s6 =	simm.s32 $0xC;
	s5 =	simm.s32 $0xB;
	[dreg:$0x9] =	wrdreg s0  }
0x19: {  	v0 =	vimm.f32 $0.0e+00;
	s24 =	simm.s32 $0x7000;
	s0 =	simm.s32 $0x1;
	s23 =	simm.s32 $0x7  }
.LBB2_6:
0x1a: {  	_ =	swait.ge [sflag:s30], $0x800  }
0x1b: {  	[sflag:s30] =	ssyncset.done $0x0  }
0x1c: {  	[sflag:s30] =	ssyncadd.s32 $0xFFFFF800  }
0x1d: {  	_ =	swait.ge [sflag:s5], $0x800  }
0x1e: {  	[sflag:s5] =	ssyncset.done $0x0  }
0x1f: {  	[sflag:s5] =	ssyncadd.s32 $0xFFFFF800  }
0x20: {  	_ =	swait.ge [sflag:s6], $0x800  }
0x21: {  	[sflag:s6] =	ssyncset.done $0x0  }
0x22: {  	[sflag:s6] =	ssyncadd.s32 $0xFFFFF800  }
0x23: {  	_ =	swait.ge [sflag:s8], $0x800  }
0x24: {  	[sflag:s8] =	ssyncset.done $0x0  }
0x25: {  	[sflag:s8] =	ssyncadd.s32 $0xFFFFF800  }
0x26: {  	_ =	swait.ge [sflag:s9], $0x800  }
0x27: {  	[sflag:s9] =	ssyncset.done $0x0  }
0x28: {  	[sflag:s9] =	ssyncadd.s32 $0xFFFFF800  }
0x29: {  	_ =	swait.ge [sflag:s10], $0x800  }
0x2a: {  	[sflag:s10] =	ssyncset.done $0x0  }
0x2b: {  	[sflag:s10] =	ssyncadd.s32 $0xFFFFF800  }
0x2c: {  	_ =	swait.ge [sflag:s11], $0x800  }
0x2d: {  	[sflag:s11] =	ssyncset.done $0x0  }
0x2e: {  	[sflag:s11] =	ssyncadd.s32 $0xFFFFF800  }
0x2f: {  	[bflag:$0x0] =	sbarrier.arrive $0xFFFF  }
0x30: {  	s14 =	simm.s32 $0x9000;
	s7 =	rddreg [dreg:$0x6]  }
0x31: {  	[tilespmem:s14], [sflag:$0x11] =	stream.linear.gather [spmem:s7], $0x2800, $0x38;
	[tilespmem:$0x10800] =	vst v63  }
0x32: {  	_ =	swait.ge [sflag:s13], $0x2800  }
0x33: {  	s7 =	simm.s32 $0x0;
	[sflag:s13] =	ssyncset.done $0x0  }
0x34: {  	s12 =	rddreg [dreg:$0x9];
	[sflag:s13] =	ssyncadd.s32 $0xFFFFD800;
	s13 =	simm.s32 $0x11  }
0x35: {  	[hbm4b:s12+s7] =	stream.linear.scatter [tilespmem:s14], [sflag:$0x11], $0x2800, $0x38;
	[tilespmem:$0x10800] =	vst v63  }
0x36: {  	_ =	swait.ge [sflag:s13], $0x2800  }
0x37: {  	s7 =	rddreg [dreg:$0xc]  }
0x38: {  	s14 =	rddreg [dreg:$0xa];
	s12 =	sadd.s32 $0x1, s7  }
0x39: {  	p0 =	sne.s32 s12, s14  }
.Ltmp1:
0x3a: {  	_ = 	snop;
	(pc) =	sbr.rel @!p0 .LBB2_7-.Ltmp1, $3  }
0x3b: {  	_ =	sdelay $0x1  }
0x3c: {  	[sflag:s13] =	ssyncset.done $0x0  }
0x3d: {  	[sflag:s13] =	ssyncadd.s32 $0xFFFFD800  }
.LBB2_1:
0x3e: {  	[dreg:$0xc] =	wrdreg s12  }
0x3f: {  	s7 =	rddreg [dreg:$0x4]  }
0x40: {  	s12 =	rddreg [dreg:$0x5]  }
0x41: {  	s14 =	rddreg [dreg:$0xb]  }
0x42: {  	[spmem:s14], [sflag:s12] =	dma.local [hbm:s7], $0x500  }
0x43: {  	_ =	swait.ge [sflag:s13], $0x500  }
0x44: {  	[sflag:s13] =	ssyncset.done $0x0  }
0x45: {  	s7 =	simm.s32 $0x40;
	s14 =	simm.s32 $0x0;
	[sflag:s13] =	ssyncadd.s32 $0xFFFFFB00  }
.LBB2_2:
0x46: {  	p0 =	sne.s32 s7, $0x9FC0;
	[tilespmem:s14+$0x9000] =	vst v0;
	s14 =	smov.u32 s7;
	s7 =	sadd.s32 $0x40, s7  }
.Ltmp2:
0x47: {  	(pc) =	sbr.rel @p0 .LBB2_2-.Ltmp2, $2  }
0x48: {  	_ =	sdelay $0x2  }
0x49: {  	s14 =	sshra.s32 s14, $0x2  }
0x4a: {  	[tilespmem:s14+$0x9000] =	vst v0;
	s7 =	rddreg [dreg:$0x6];
	s12 =	simm.s32 $0x9000;
	s13 =	simm.s32 $0x11  }
0x4b: {  	[spmem:s7] =	stream.linear.scatter [tilespmem:s12], [sflag:$0x11], $0x2800, $0x38;
	[tilespmem:$0x10800] =	vst v63  }
0x4c: {  	_ =	swait.ge [sflag:s13], $0x2800  }
0x4d: {  	[sflag:s13] =	ssyncset.done $0x0  }
0x4e: {  	s14 =	simm.s32 $0x0;
	s12 =	rddreg [dreg:$0x7];
	[sflag:s13] =	ssyncadd.s32 $0xFFFFD800  }
0x4f: {  	[tilespmem:s14], [sflag:$0x11] =	stream.linear.gather [hbm4b:s12+s14], $0x2800, $0x38;
	[tilespmem:$0x10800] =	vst v63  }
0x50: {  	_ =	swait.ge [sflag:s13], $0x2800  }
0x51: {  	[sflag:s13] =	ssyncset.done $0x0  }
0x52: {  	s12 =	simm.s32 $0x2800;
	s7 =	rddreg [dreg:$0x8];
	[sflag:s13] =	ssyncadd.s32 $0xFFFFD800  }
0x53: {  	[tilespmem:s12], [sflag:$0x11] =	stream.linear.gather [hbm4b:s7+s14], $0x2800, $0x38;
	[tilespmem:$0x10800] =	vst v63  }
0x54: {  	_ =	swait.ge [sflag:s13], $0x2800  }
0x55: {  	[sflag:s13] =	ssyncset.done $0x0  }
0x56: {  	[sflag:s13] =	ssyncadd.s32 $0xFFFFD800  }
0x57: {  	[bflag:$0x0] =	sbarrier.arrive $0xFFFF  }
0x58: {  	[tilespmem:s17], [sflag:$0x1] =	stream.indirect.gather [spmem:s2], $0x10, s14, s16, $0xb8;
	[tilespmem:$0x10800] =	vst v63  }
0x59: {  	_ = 	snop  }
0x5a: {  	[tilespmem:s18], [sflag:$0x2] =	stream.indirect.gather [spmem:s2], $0x10, s16, s16, $0xb8;
	[tilespmem:$0x10800] =	vst v63  }
0x5b: {  	s12 =	simm.s32 $0x100  }
0x5c: {  	[tilespmem:s20], [sflag:$0x3] =	stream.indirect.gather [spmem:s2], $0x10, s12, s16, $0xb8;
	[tilespmem:$0x10800] =	vst v63  }
0x5d: {  	s12 =	simm.s32 $0x180  }
0x5e: {  	[tilespmem:s22], [sflag:$0x4] =	stream.indirect.gather [spmem:s2], $0x10, s12, s16, $0xb8;
	[tilespmem:$0x10800] =	vst v63  }
0x5f: {  	s12 =	simm.s32 $0x200  }
0x60: {  	[tilespmem:s24], [sflag:$0x5] =	stream.indirect.gather [spmem:s2], $0x10, s12, s16, $0xb8;
	[tilespmem:$0x10800] =	vst v63  }
0x61: {  	s12 =	simm.s32 $0x280  }
0x62: {  	[tilespmem:s26], [sflag:$0x6] =	stream.indirect.gather [spmem:s2], $0x10, s12, s16, $0xb8;
	[tilespmem:$0x10800] =	vst v63  }
0x63: {  	s12 =	simm.s32 $0x300  }
0x64: {  	[tilespmem:s29], [sflag:$0x7] =	stream.indirect.gather [spmem:s2], $0x10, s12, s16, $0xb8;
	[tilespmem:$0x10800] =	vst v63  }
0x65: {  	s12 =	simm.s32 $0x380  }
0x66: {  	[tilespmem:s31], [sflag:$0x8] =	stream.indirect.gather [spmem:s2], $0x10, s12, s16, $0xb8;
	[tilespmem:$0x10800] =	vst v63  }
.LBB2_4:
0x67: {  	_ =	swait.ge [sflag:s0], $0x800  }
0x68: {  	s7 =	sshra.s32 s14, $0x2;
	[sflag:s0] =	ssyncset.done $0x0  }
0x69: {  	s12 =	sadd.s32 $0x2800, s7;
	[sflag:s0] =	ssyncadd.s32 $0xFFFFF800  }
0x6a: {  	[spmem:s3] =	stream.indirect.scatter.add.f32 [tilespmem:s17], [sflag:$0x9], $0x10, s12, s16, $0xb8;
	[tilespmem:$0x10800] =	vst v63  }
0x6b: {  	_ =	swait.ge [sflag:s1], $0x800  }
0x6c: {  	[sflag:s1] =	ssyncset.done $0x0  }
0x6d: {  	s12 =	sadd.s32 $0x2880, s7;
	[sflag:s1] =	ssyncadd.s32 $0xFFFFF800  }
0x6e: {  	[spmem:s3] =	stream.indirect.scatter.add.f32 [tilespmem:s18], [sflag:$0xA], $0x10, s12, s16, $0xb8;
	[tilespmem:$0x10800] =	vst v63  }
0x6f: {  	_ =	swait.ge [sflag:s4], $0x800  }
0x70: {  	[sflag:s4] =	ssyncset.done $0x0  }
0x71: {  	s12 =	sadd.s32 $0x2900, s7;
	[sflag:s4] =	ssyncadd.s32 $0xFFFFF800  }
0x72: {  	[spmem:s3] =	stream.indirect.scatter.add.f32 [tilespmem:s20], [sflag:$0xB], $0x10, s12, s16, $0xb8;
	[tilespmem:$0x10800] =	vst v63  }
0x73: {  	_ =	swait.ge [sflag:s15], $0x800  }
0x74: {  	[sflag:s15] =	ssyncset.done $0x0  }
0x75: {  	s12 =	sadd.s32 $0x2980, s7;
	[sflag:s15] =	ssyncadd.s32 $0xFFFFF800  }
0x76: {  	[spmem:s3] =	stream.indirect.scatter.add.f32 [tilespmem:s22], [sflag:$0xC], $0x10, s12, s16, $0xb8;
	[tilespmem:$0x10800] =	vst v63  }
0x77: {  	_ =	swait.ge [sflag:s19], $0x800  }
0x78: {  	[sflag:s19] =	ssyncset.done $0x0  }
0x79: {  	s12 =	sadd.s32 $0x2A00, s7;
	[sflag:s19] =	ssyncadd.s32 $0xFFFFF800  }
0x7a: {  	[spmem:s3] =	stream.indirect.scatter.add.f32 [tilespmem:s24], [sflag:$0xD], $0x10, s12, s16, $0xb8;
	[tilespmem:$0x10800] =	vst v63  }
0x7b: {  	_ =	swait.ge [sflag:s21], $0x800  }
0x7c: {  	[sflag:s21] =	ssyncset.done $0x0  }
0x7d: {  	s12 =	sadd.s32 $0x2A80, s7;
	[sflag:s21] =	ssyncadd.s32 $0xFFFFF800  }
0x7e: {  	[spmem:s3] =	stream.indirect.scatter.add.f32 [tilespmem:s26], [sflag:$0xE], $0x10, s12, s16, $0xb8;
	[tilespmem:$0x10800] =	vst v63  }
0x7f: {  	_ =	swait.ge [sflag:s23], $0x800  }
0x80: {  	[sflag:s23] =	ssyncset.done $0x0  }
0x81: {  	s12 =	sadd.s32 $0x2B00, s7;
	[sflag:s23] =	ssyncadd.s32 $0xFFFFF800  }
0x82: {  	[spmem:s3] =	stream.indirect.scatter.add.f32 [tilespmem:s29], [sflag:$0xF], $0x10, s12, s16, $0xb8;
	[tilespmem:$0x10800] =	vst v63  }
0x83: {  	_ =	swait.ge [sflag:s25], $0x800  }
0x84: {  	p0 =	seq.s32 s14, $0x9000;
	[sflag:s25] =	ssyncset.done $0x0  }
.Ltmp3:
0x85: {  	s12 =	sadd.s32 $0x2B80, s7;
	[sflag:s25] =	ssyncadd.s32 $0xFFFFF800;
	(pc) =	sbr.rel @p0 .LBB2_6-.Ltmp3, $4  }
0x86: {  	[spmem:s3] =	stream.indirect.scatter.add.f32 [tilespmem:s31], [sflag:$0x10], $0x10, s12, s16, $0xb8;
	[tilespmem:$0x10800] =	vst v63  }
0x87: {  	_ =	swait.ge [sflag:s28], $0x800  }
0x88: {  	[sflag:s28] =	ssyncset.done $0x0  }
0x89: {  	[sflag:s28] =	ssyncadd.s32 $0xFFFFF800  }
0x8a: {  	s12 =	sadd.s32 $0x400, s7  }
0x8b: {  	[tilespmem:s17], [sflag:$0x1] =	stream.indirect.gather [spmem:s2], $0x10, s12, s16, $0xb8;
	[tilespmem:$0x10800] =	vst v63  }
0x8c: {  	_ =	swait.ge [sflag:s30], $0x800  }
0x8d: {  	[sflag:s30] =	ssyncset.done $0x0  }
0x8e: {  	s12 =	sadd.s32 $0x480, s7;
	[sflag:s30] =	ssyncadd.s32 $0xFFFFF800  }
0x8f: {  	[tilespmem:s18], [sflag:$0x2] =	stream.indirect.gather [spmem:s2], $0x10, s12, s16, $0xb8;
	[tilespmem:$0x10800] =	vst v63  }
0x90: {  	_ =	swait.ge [sflag:s5], $0x800  }
0x91: {  	[sflag:s5] =	ssyncset.done $0x0  }
0x92: {  	s12 =	sadd.s32 $0x500, s7;
	[sflag:s5] =	ssyncadd.s32 $0xFFFFF800  }
0x93: {  	[tilespmem:s20], [sflag:$0x3] =	stream.indirect.gather [spmem:s2], $0x10, s12, s16, $0xb8;
	[tilespmem:$0x10800] =	vst v63  }
0x94: {  	_ =	swait.ge [sflag:s6], $0x800  }
0x95: {  	[sflag:s6] =	ssyncset.done $0x0  }
0x96: {  	s12 =	sadd.s32 $0x580, s7;
	[sflag:s6] =	ssyncadd.s32 $0xFFFFF800  }
0x97: {  	[tilespmem:s22], [sflag:$0x4] =	stream.indirect.gather [spmem:s2], $0x10, s12, s16, $0xb8;
	[tilespmem:$0x10800] =	vst v63  }
0x98: {  	_ =	swait.ge [sflag:s8], $0x800  }
0x99: {  	[sflag:s8] =	ssyncset.done $0x0  }
0x9a: {  	s12 =	sadd.s32 $0x600, s7;
	[sflag:s8] =	ssyncadd.s32 $0xFFFFF800  }
0x9b: {  	[tilespmem:s24], [sflag:$0x5] =	stream.indirect.gather [spmem:s2], $0x10, s12, s16, $0xb8;
	[tilespmem:$0x10800] =	vst v63  }
0x9c: {  	_ =	swait.ge [sflag:s9], $0x800  }
0x9d: {  	[sflag:s9] =	ssyncset.done $0x0  }
0x9e: {  	s12 =	sadd.s32 $0x680, s7;
	[sflag:s9] =	ssyncadd.s32 $0xFFFFF800  }
0x9f: {  	[tilespmem:s26], [sflag:$0x6] =	stream.indirect.gather [spmem:s2], $0x10, s12, s16, $0xb8;
	[tilespmem:$0x10800] =	vst v63  }
0xa0: {  	_ =	swait.ge [sflag:s10], $0x800  }
0xa1: {  	[sflag:s10] =	ssyncset.done $0x0  }
0xa2: {  	s12 =	sadd.s32 $0x700, s7;
	[sflag:s10] =	ssyncadd.s32 $0xFFFFF800  }
0xa3: {  	[tilespmem:s29], [sflag:$0x7] =	stream.indirect.gather [spmem:s2], $0x10, s12, s16, $0xb8;
	[tilespmem:$0x10800] =	vst v63  }
.Ltmp4:
0xa4: {  	_ = 	snop;
	(pc) =	sbr.rel .LBB2_4-.Ltmp4, $4  }
0xa5: {  	_ =	swait.ge [sflag:s11], $0x800  }
0xa6: {  	[sflag:s11] =	ssyncset.done $0x0  }
0xa7: {  	s14 =	sadd.s32 $0x1000, s14;
	s12 =	sadd.s32 $0x780, s7;
	[sflag:s11] =	ssyncadd.s32 $0xFFFFF800  }
0xa8: {  	[tilespmem:s31], [sflag:$0x8] =	stream.indirect.gather [spmem:s2], $0x10, s12, s16, $0xb8;
	[tilespmem:$0x10800] =	vst v63  }
.LBB2_7:
0xa9: {  	_ =	sfence.sel $0x180000  }
0xaa: {  	[bflag:$0x0] =	sbarrier.arrive $0xFFFF  }
0xab: {  	_ =	strace $0x9000004D  }
0xac: {  	s0 =	stileid.u32;
	[bflag:$0x2] =	sbarrier.arrive $0xFFFF  }
0xad: {  	p0 =	sne.s32 s0, $0x0;
	s0 =	rddreg [dreg:$0x3]  }
0xae: {  	s0 =	sadd.s32 @!p0 $0x100000, s0  }
0xaf: {  	[sflag:s0] =	ssyncadd.tile.s32 @!p0 $0x1;
	_ =	shalt  }
.Lfunc_end2:
_tile_overlayer_lowered:
.L_overlay_start_2:
0xb0: {  	(tag) =	ssettag $0x2  }
0xb1: {  	s0 =	rddreg [dreg:$0x0];
	s2 =	stileid.u32  }
0xb2: {  	s1 =	rddreg [dreg:$0x1];
	p0 =	sne.s32 s2, $0x0  }
0xb3: {  	s3 =	rddreg [dreg:$0x2];
	[bflag:$0x3] =	sbarrier.arrive $0xFFFF;
	s2 =	simm.s32 @!p0 $0x1C11  }
0xb4: {  	[timem:s3], [sflag:s2] =	dma.local @!p0 [hbm:s0], s1  }
0xb5: {  	s0 =	simm.s32 @!p0 $0x11  }
0xb6: {  	_ =	swait.ge @!p0 [sflag:s0], s1  }
0xb7: {  	s1 =	ssub.s32 @!p0 $0x0, s1;
	[sflag:s0] =	ssyncset.done @!p0 $0x0  }
0xb8: {  	[sflag:s0] =	ssyncadd.s32 @!p0 s1  }
0xb9: {  	[bflag:$0x3] =	sbarrier.arrive $0xFFFF  }
0xba: {  	_ =	shalt  }

// kernel: kernel.8.cloned.1.call-start
scs
__scs_entry_jumppad:
0x0: {  	(pc) =	sbr.rel $0x88, $3  }
0x1: {  	(tag) =	ssettag $0x0;
	lr =	simm.s32 $0x1  }
0x2: {  	[smem:$0x3F9B] =	sst lr;
	_ =	strace $0xD0000000  }
0x3: {  	_ = 	snop  }
0x4: {  	_ = 	snop  }
0x5: {  	_ = 	snop  }
0x6: {  	_ = 	snop  }
0x7: {  	_ = 	snop  }
__scs_overlays_trampoline_lowered:
0x8: {  	[smem:$0x3FAA] =	sst s0  }
0x9: {  	[smem:$0x3FAB] =	sst s1  }
0xa: {  	[smem:$0x3FAC] =	sst s2  }
0xb: {  	[smem:$0x3FAD] =	sst s3  }
0xc: {  	[smem:$0x3FAE] =	sst s4  }
0xd: {  	[smem:$0x3FAF] =	sst s5  }
0xe: {  	[smem:$0x3FB0] =	sst s6  }
0xf: {  	[smem:$0x3FB1] =	sst s7  }
0x10: {  	[smem:$0x3FB2] =	sst s8  }
0x11: {  	[smem:$0x3FB3] =	sst s9;
	s0 =	simm.s32 @!p0 $0x0  }
0x12: {  	s1 =	sld [smem:$0x3F99];
	s0 =	simm.s32 @p0 $0x1  }
0x13: {  	[smem:$0x3FB4] =	sst s0;
	s0 =	simm.s32 @!p1 $0x0  }
0x14: {  	s2 =	sld [smem:$0x3F98];
	s0 =	simm.s32 @p1 $0x1  }
0x15: {  	[smem:$0x3FB5] =	sst s0;
	s0 =	simm.s32 @!p2 $0x0  }
0x16: {  	s3 =	sld [smem:$0x3FDB];
	s0 =	simm.s32 @p2 $0x1  }
0x17: {  	s4 =	simm.s32 $0x1BF5;
	[smem:$0x3FB7] =	sst s0  }
0x18: {  	s0 =	sld [smem:$0x3F9A];
	_ =	swait.ge [sflag:s4], $0x0  }
0x19: {  	s7 =	sld [smem:$0x3F9B]  }
0x1a: {  	s8 =	sadd.s32 $0xFFFFE003, lr  }
0x1b: {  	s9 =	sadd.s32 $0xFFFFFEF7, lr;
	s5 =	simm.s32 $0xFFFFFFFF;
	p2 =	slt.u32 s8, $0xFFFFF086  }
0x1c: {  	p1 =	slt.u32 s9, $0xF7A;
	s5 =	simm.s32 @!p2 $0x0  }
0x1d: {  	s5 =	simm.s32 @p1 $0x1;
	p0 =	seq.s32 s7, s2  }
0x1e: {  	s7 =	smul.u32 @!p0 $0xF7A, s2;
	p2 =	seq.s32 @!p0 s5, $0x0  }
0x1f: {  	s9 =	smul.u32 $0xF7A, s1;
	s8 =	simm.s32 @!p0 $0x1BF5;
	p2 =	por !p2, p0  }
0x20: {  	[sflag:s8] =	ssyncset.s32 @!p0 $0xFFFFF086;
	s6 =	sadd.s32 @!p0 s3, s7;
	s7 =	simm.s32 @!p0 $0x108  }
0x21: {  	s3 =	sadd.s32 s3, s9;
	s6 =	sadd.s32 @!p0 $0x88, s6;
	s7 =	simm.s32 @p2 $0x1082  }
0x22: {  	[simem:s7], [sflag:s8] =	dma.local @!p0 [hbm:s6], $0xF7A  }
0x23: {  	s9 =	sor.u32 $0xD0000000, s2;
	s6 =	simm.s32 $0x108;
	_ =	swait.ge @!p0 [sflag:s8], $0x0  }
0x24: {  	s3 =	sadd.s32 $0x88, s3;
	s6 =	simm.s32 @!p1 $0x1082;
	[sflag:s4] =	ssyncset.s32 $0xFFFFF086  }
0x25: {  	[simem:s6], [sflag:s4] =	dma.local [hbm:s3], $0xF7A  }
0x26: {  	[smem:$0x3F9B] =	sst s1;
	(tag) =	ssettag s2;
	_ =	strace s9  }
0x27: {  	s1 =	sld [smem:$0x3FAB]  }
0x28: {  	s2 =	sld [smem:$0x3FAC]  }
0x29: {  	s4 =	sld [smem:$0x3FAE]  }
0x2a: {  	p0 =	seq.s32 s5, $0x0;
	s5 =	sld [smem:$0x3FAF]  }
0x2b: {  	s6 =	sld [smem:$0x3FB0]  }
0x2c: {  	s7 =	sld [smem:$0x3FB1]  }
0x2d: {  	s3 =	simm.s32 $0x108;
	s8 =	sld [smem:$0x3FB2]  }
0x2e: {  	s3 =	simm.s32 @!p0 $0x1082;
	s9 =	sld [smem:$0x3FB3]  }
0x2f: {  	lr =	sadd.s32 s0, s3;
	s0 =	sld [smem:$0x3FAA]  }
0x30: {  	s3 =	sld [smem:$0x3FAD]  }
0x31: {  	[smem:$0x3FB6] =	sst s10  }
0x32: {  	s10 =	sld [smem:$0x3FB4];
	_ =	sdelay $0x3  }
0x33: {  	p0 =	seq.s32 s10, $0x1;
	s10 =	sld [smem:$0x3FB6];
	_ =	sdelay $0x3  }
0x34: {  	[smem:$0x3FB6] =	sst s10  }
0x35: {  	s10 =	sld [smem:$0x3FB5];
	_ =	sdelay $0x3  }
0x36: {  	p1 =	seq.s32 s10, $0x1;
	s10 =	sld [smem:$0x3FB6];
	_ =	sdelay $0x3  }
0x37: {  	[smem:$0x3FB6] =	sst s10  }
0x38: {  	s10 =	sld [smem:$0x3FB7]  }
0x39: {  	_ = 	snop;
	(pc) =	sbr.ind lr, $3  }
0x3a: {  	_ = 	snop  }
0x3b: {  	_ = 	snop  }
0x3c: {  	p2 =	seq.s32 s10, $0x1;
	s10 =	sld [smem:$0x3FB6]  }
0x3d: {  	_ =	shalt  }
0x3e: {  	_ =	shalt  }
0x3f: {  	_ =	shalt  }
0x40: {  	_ =	shalt  }
0x41: {  	_ =	shalt  }
0x42: {  	_ =	shalt  }
0x43: {  	_ =	shalt  }
0x44: {  	_ =	shalt  }
0x45: {  	_ =	shalt  }
0x46: {  	_ =	shalt  }
0x47: {  	_ =	shalt  }
0x48: {  	_ =	shalt  }
0x49: {  	_ =	shalt  }
0x4a: {  	_ =	shalt  }
0x4b: {  	_ =	shalt  }
0x4c: {  	_ =	shalt  }
0x4d: {  	_ =	shalt  }
0x4e: {  	_ =	shalt  }
0x4f: {  	_ =	shalt  }
0x50: {  	_ =	shalt  }
0x51: {  	_ =	shalt  }
0x52: {  	_ =	shalt  }
0x53: {  	_ =	shalt  }
0x54: {  	_ =	shalt  }
0x55: {  	_ =	shalt  }
0x56: {  	_ =	shalt  }
0x57: {  	_ =	shalt  }
0x58: {  	_ =	shalt  }
0x59: {  	_ =	shalt  }
0x5a: {  	_ =	shalt  }
0x5b: {  	_ =	shalt  }
0x5c: {  	_ =	shalt  }
0x5d: {  	_ =	shalt  }
0x5e: {  	_ =	shalt  }
0x5f: {  	_ =	shalt  }
0x60: {  	_ =	shalt  }
0x61: {  	_ =	shalt  }
0x62: {  	_ =	shalt  }
0x63: {  	_ =	shalt  }
0x64: {  	_ =	shalt  }
0x65: {  	_ =	shalt  }
0x66: {  	_ =	shalt  }
0x67: {  	_ =	shalt  }
0x68: {  	_ =	shalt  }
0x69: {  	_ =	shalt  }
0x6a: {  	_ =	shalt  }
0x6b: {  	_ =	shalt  }
0x6c: {  	_ =	shalt  }
0x6d: {  	_ =	shalt  }
0x6e: {  	_ =	shalt  }
0x6f: {  	_ =	shalt  }
0x70: {  	_ =	shalt  }
0x71: {  	_ =	shalt  }
0x72: {  	_ =	shalt  }
0x73: {  	_ =	shalt  }
0x74: {  	_ =	shalt  }
0x75: {  	_ =	shalt  }
0x76: {  	_ =	shalt  }
0x77: {  	_ =	shalt  }
0x78: {  	_ =	shalt  }
0x79: {  	_ =	shalt  }
0x7a: {  	_ =	shalt  }
0x7b: {  	_ =	shalt  }
0x7c: {  	_ =	shalt  }
0x7d: {  	_ =	shalt  }
0x7e: {  	_ =	shalt  }
0x7f: {  	_ =	shalt  }
0x80: {  	_ =	shalt  }
0x81: {  	_ =	shalt  }
0x82: {  	_ =	shalt  }
0x83: {  	_ =	shalt  }
0x84: {  	_ =	shalt  }
0x85: {  	_ =	shalt  }
0x86: {  	_ =	shalt  }
0x87: {  	_ =	shalt  }
.Lfunc_end0:
.L_simem_size_0:
called_computation_lowered:
.L_overlay_start_0:
0x88: {  	s2 =	sld [smem:$0x3FD9]  }
0x89: {  	s3 =	sld [smem:$0x3FFE];
	_ =	sdelay $0x1  }
0x8a: {  	s1 =	srdreg.scid  }
0x8b: {  	s0 =	sand.u32 $0x1, s1  }
0x8c: {  	s16 =	sshll.u32 s0, $0xA;
	s2 =	sadd.s32 s3, s2  }
0x8d: {  	s2 =	sadd.s32 s2, s16  }
0x8e: {  	[smem:$0x3FC2] =	sst s2  }
0x8f: {  	_ = 	snop  }
0x90: {  	(tm) =	ssettm $0x1  }
0x91: {  	s17 =	sld [smem:$0x3FFB];
	_ =	sdelay $0x3  }
0x92: {  	_ =	strace s17  }
0x93: {  	s2 =	sld [smem:$0x3FFC];
	_ =	sdelay $0x3  }
0x94: {  	_ =	strace s2  }
0x95: {  	s2 =	sld [smem:$0x3FFD];
	_ =	sdelay $0x3  }
0x96: {  	_ =	strace s2  }
0x97: {  	_ =	strace $0x8FFFFFFF  }
0x98: {  	s18 =	sld [smem:$0x3FDB];
	_ =	sdelay $0x1  }
0x99: {  	s19 =	simm.s32 $_scs_section_size  }
0x9a: {  	s4 =	simm.s32 $_size__tile_overlayer_lowered;
	s5 =	simm.s32 $_tile_overlayer_lowered  }
0x9b: {  	s22 =	simm.s32 $0x1BFF;
	s21 =	sshll.u32 s5, $0x1;
	s2 =	sadd.s32 s19, s18  }
0x9c: {  	s6 =	simm.s32 $0x0;
	s20 =	sshll.u32 s4, $0x1;
	s4 =	sadd.s32 s21, s2  }
0x9d: {  	[timem:s6], [sflag:s22] =	dma.local [hbm:s4], s20  }
0x9e: {  	_ =	swait.ge [sflag:s22], s20  }
0x9f: {  	s3 =	ssub.s32 $0x0, s20;
	[sflag:s22] =	ssyncset.done $0x0  }
0xa0: {  	[sflag:s22] =	ssyncadd.s32 s3;
	_ =	sdelay $0x1  }
0xa1: {  	s23 =	simm.s32 $0x1B8B  }
0xa2: {  	_ =	swait.ge [sflag:s23], $0x1  }
0xa3: {  	[sflag:s23] =	ssyncset.done $0x0  }
0xa4: {  	s25 =	simm.s32 $0x1B8E;
	s24 =	sld [smem:$0x3FFE];
	[sflag:s23] =	ssyncadd.s32 $0xFFFFFFFF  }
0xa5: {  	s26 =	simm.s32 $execute0_lowered;
	[smem:$0x3FD2] =	sst s25  }
0xa6: {  	s4 =	sshll.u32 s26, $0x1;
	_ =	strace $0x80000046;
	[dreg:$0x1] =	wrdreg $0xFFFFFFFF  }
0xa7: {  	s28 =	simm.s32 $_size_execute0_lowered;
	s2 =	sadd.s32 s2, s4;
	[dreg:$0x0] =	wrdreg $0x0  }
0xa8: {  	s4 =	sshll.u32 s28, $0x1;
	[dreg:$0x2] =	wrdreg s2  }
0xa9: {  	[dreg:$0x3] =	wrdreg s4  }
0xaa: {  	[dreg:$0x4] =	wrdreg $0xC0  }
0xab: {  	_ =	task [dreg:s6], $0x5FFFF  }
0xac: {  	[dreg:$0x1] =	wrdreg $0xFFFFFFFF  }
0xad: {  	[dreg:$0x0] =	wrdreg $0x60  }
0xae: {  	[dreg:$0x2] =	wrdreg s24  }
0xaf: {  	[dreg:$0x3] =	wrdreg $0x9  }
0xb0: {  	_ =	task.clear_ibuf [dreg:s6], $0x4FFFF;
	_ =	strace $0x90000046  }
0xb1: {  	s29 =	simm.s32 $0x9;
	_ =	strace $0x80000048  }
0xb2: {  	_ =	swait.ge [sflag:s29], $0x1  }
0xb3: {  	[sflag:s29] =	ssyncadd.s32 $0xFFFFFFFF  }
0xb4: {  	_ =	strace $0x90000048  }
0xb5: {  	_ =	sfence  }
0xb6: {  	s30 =	sld [smem:$0x0];
	_ =	sdelay $0x2  }
0xb7: {  	s31 =	sshll.u32 s1, $0xD;
	s1 =	sshrl.u32 s1, $0x2  }
0xb8: {  	s3 =	sand.u32 $0x4000, s31;
	s1 =	sadd.s32 s1, s30  }
0xb9: {  	s0 =	sor.u32 s3, s0;
	s1 =	sshll.u32 s1, $0x11  }
0xba: {  	s0 =	sor.u32 s1, s0  }
0xbb: {  	s0 =	sadd.s32 $0x8F2B, s0  }
0xbc: {  	[sflag:s0] =	ssyncadd.remote.s32 $0x1  }
0xbd: {  	_ =	sfence.sel $0xFFFF  }
0xbe: {  	[dreg:$0x0] =	wrdreg $0xFFFFFFFF;
	(pc) =	sbr.abs _section_cstart, $3  }
0xbf: {  	[dreg:$0x1] =	wrdreg $0xFFFFFFFF  }
0xc0: {  	_ =	task.clear_ibuf [dreg:s6], $0x2FFFF;
	_ =	strace $0x9FFFFFFF  }
0xc1: {  	(tm) =	ssettm $0x7FFFFFFF  }
tec
execute0_lowered:
.L_overlay_start_1:
0x0: {  	(tag) =	ssettag $0x1  }
0x1: {  	s0 =	srdreg.scid  }
0x2: {  	s4 =	rddreg [dreg:$0x0];
	s3 =	sand.u32 $0x1, s0  }
0x3: {  	s1 =	stileid.u32;
	s7 =	simm.s32 $0x2800;
	s2 =	sshll.u32 s3, $0x4  }
0x4: {  	s0 =	rddreg [dreg:$0x1];
	s3 =	ssub.s32 $0x2, s3;
	s5 =	sor.u32 s1, s2  }
0x5: {  	s2 =	simm.s32 $0x0;
	s6 =	sshrl.u32 s3, $0x1;
	s5 =	smul.u32 $0x500, s5  }
0x6: {  	s8 =	simm.s32 $0x0;
	[smem:$0x7FF] =	sst s2;
	s31 =	ssub.s32 s3, s6  }
0x7: {  	s6 =	simm.s32 $0x1;
	_ =	strace $0x80000047;
	s4 =	sadd.s32 s5, s4  }
0x8: {  	v0 =	vimm.f32 $0.0e+00;
	v1 =	vimm.f32 $1.000000000e+00;
	s5 =	smax.u32 s31, $0x1;
	s3 =	sadd.s32 $0xB800, s4;
	s4 =	sadd.s32 $0x15800, s4  }
.LBB2_1:
0x9: {  	[tilespmem:s2], [sflag:$0x1] =	stream.linear.gather [hbm4b:s3+s2], $0x2800, $0x38;
	[tilespmem:$0x5000] =	vst v63  }
0xa: {  	_ =	swait.ge [sflag:s6], $0x2800  }
0xb: {  	[sflag:s6] =	ssyncset.done $0x0  }
0xc: {  	s9 =	simm.s32 $0x0;
	[sflag:s6] =	ssyncadd.s32 $0xFFFFD800  }
.LBB2_2:
0xd: {  	p0 =	sne.s32 s9, $0x9FC0  }
.Ltmp0:
0xe: {  	_ = 	snop;
	(pc) =	sbr.rel @p0 .LBB2_2-.Ltmp0, $3  }
0xf: {  	_ =	sdelay $0x1  }
0x10: {  	s10 =	sshra.s32 s9, $0x2  }
0x11: {  	s9 =	sadd.s32 $0x40, s9;
	[tilespmem:s10+$0x2800] =	vst v0  }
0x12: {  	s10 =	simm.s32 $0x0;
	s9 =	simm.s32 $0x40  }
.LBB2_4:
0x13: {  	p0 =	sne.s32 s9, $0x9FC0;
	v2 =	vld [tilespmem:s10+$0x0];
	_ =	sdelay $0x3  }
.Ltmp1:
0x14: {  	(pc) =	sbr.rel @p0 .LBB2_4-.Ltmp1, $2  }
0x15: {  	_ =	sdelay $0x2  }
0x16: {  	s10 =	sshra.s32 s9, $0x2;
	s9 =	sadd.s32 $0x40, s9;
	[tilespmem:v2+s7+$0x0] =	vst.idx.add.f32.msk $0xffff, v1  }
0x17: {  	v2 =	vld [tilespmem:s10+$0x0];
	_ =	sdelay $0x5  }
0x18: {  	s8 =	sadd.s32 $0x1, s8  }
0x19: {  	p0 =	sne.s32 s8, s5  }
.Ltmp2:
0x1a: {  	[tilespmem:v2+s7+$0x0] =	vst.idx.add.f32.msk $0xffff, v1;
	(pc) =	sbr.rel @p0 .LBB2_1-.Ltmp2, $4  }
0x1b: {  	[hbm4b:s4+s2] =	stream.linear.scatter [tilespmem:s7], [sflag:$0x1], $0x2800, $0x38;
	[tilespmem:$0x5000] =	vst v63  }
0x1c: {  	_ =	swait.ge [sflag:s6], $0x2800  }
0x1d: {  	[sflag:s6] =	ssyncset.done $0x0  }
0x1e: {  	[sflag:s6] =	ssyncadd.s32 $0xFFFFD800  }
0x1f: {  	_ =	sfence.sel $0x180000  }
0x20: {  	[bflag:$0x0] =	sbarrier.arrive $0xFFFF  }
0x21: {  	p0 =	sne.s32 s1, $0x0;
	_ =	strace $0x90000047  }
0x22: {  	s0 =	sadd.s32 @!p0 $0x100000, s0;
	[bflag:$0x2] =	sbarrier.arrive $0xFFFF  }
0x23: {  	[sflag:s0] =	ssyncadd.tile.s32 @!p0 $0x1;
	_ =	shalt  }
.Lfunc_end2:
_tile_overlayer_lowered:
.L_overlay_start_2:
0x24: {  	(tag) =	ssettag $0x2  }
0x25: {  	s0 =	rddreg [dreg:$0x0];
	s2 =	stileid.u32  }
0x26: {  	s1 =	rddreg [dreg:$0x1];
	p0 =	sne.s32 s2, $0x0  }
0x27: {  	s3 =	rddreg [dreg:$0x2];
	[bflag:$0x3] =	sbarrier.arrive $0xFFFF;
	s2 =	simm.s32 @!p0 $0x1C01  }
0x28: {  	[timem:s3], [sflag:s2] =	dma.local @!p0 [hbm:s0], s1  }
0x29: {  	s0 =	simm.s32 @!p0 $0x1  }
0x2a: {  	_ =	swait.ge @!p0 [sflag:s0], s1  }
0x2b: {  	s1 =	ssub.s32 @!p0 $0x0, s1;
	[sflag:s0] =	ssyncset.done @!p0 $0x0  }
0x2c: {  	[sflag:s0] =	ssyncadd.s32 @!p0 s1  }
0x2d: {  	[bflag:$0x3] =	sbarrier.arrive $0xFFFF  }
0x2e: {  	_ =	shalt  }

</sc_bundles>
